<compile_context>
chip_gen: v7x
topology: tpu7x:2x2x1
jax: 0.10.2.dev20260603
libtpu: 0.0.44.dev20260713+nightly
codegen_flags: <defaults>
</compile_context>

<pallas_src>
import jax
import jax.numpy as jnp
from jax import lax
from jax.experimental import pallas as pl
from jax.experimental.pallas import tpu as pltpu
from jax.experimental.pallas import tpu_sc as plsc

H, W, C = 1024, 1024, 2
T, N1 = 200, 16384

NC = 2
NS = 16
L = 16
NW = NC * NS

RPW = H // NW
RCH = 8
NCH = RPW // RCH

B = 2048
NCK = T * (N1 // B)
CPW = NCK // NW
NG = B // L
TPL = 2 * N1


def _build_body(grid_hbm, grid8_hbm, rbuf, obuf):
    ids = lax.iota(jnp.int32, L)
    wid = lax.axis_index("s") * NC + lax.axis_index("c")
    row0 = wid * RPW

    def chunk(ck, carry):
        crow = row0 + ck * RCH
        start = jnp.minimum(crow, H - (RCH + 1))
        off = crow - start
        pltpu.sync_copy(grid_hbm.at[pl.ds(start * 2 * W, (RCH + 1) * 2 * W)],
                        rbuf.at[pl.ds(0, (RCH + 1) * 2 * W)])

        def group(g, _):
            ri = g // (W // L)
            gx = g - ri * (W // L)
            x = gx * L + ids
            ro = (ri + off) * (2 * W)
            s00_0 = plsc.load_gather(rbuf, [ro + x])
            s00_1 = plsc.load_gather(rbuf, [ro + W + x])
            s01_0 = plsc.load_gather(rbuf, [ro + x + 1])
            s01_1 = plsc.load_gather(rbuf, [ro + W + x + 1])
            s10_0 = plsc.load_gather(rbuf, [ro + 2 * W + x])
            s10_1 = plsc.load_gather(rbuf, [ro + 3 * W + x])
            s11_0 = plsc.load_gather(rbuf, [ro + 2 * W + x + 1])
            s11_1 = plsc.load_gather(rbuf, [ro + 3 * W + x + 1])
            o8 = x * 8 + ri * (8 * W)
            plsc.store_scatter(obuf, [o8], s00_0)
            plsc.store_scatter(obuf, [o8 + 1], s00_1)
            plsc.store_scatter(obuf, [o8 + 2], s01_0)
            plsc.store_scatter(obuf, [o8 + 3], s01_1)
            plsc.store_scatter(obuf, [o8 + 4], s10_0)
            plsc.store_scatter(obuf, [o8 + 5], s10_1)
            plsc.store_scatter(obuf, [o8 + 6], s11_0)
            plsc.store_scatter(obuf, [o8 + 7], s11_1)
            return _

        lax.fori_loop(0, RCH * (W // L), group, 0)
        pltpu.sync_copy(obuf, grid8_hbm.at[pl.ds(crow * 8 * W, RCH * 8 * W)])
        return carry

    lax.fori_loop(0, NCH, chunk, 0)


def _build_grid8(grid_planar):
    mesh = plsc.VectorSubcoreMesh(core_axis_name="c", subcore_axis_name="s")
    return pl.kernel(
        _build_body,
        out_type=jax.ShapeDtypeStruct((H * W * 8,), jnp.float32),
        mesh=mesh,
        compiler_params=pltpu.CompilerParams(
            needs_layout_passes=False, use_tc_tiling_on_sc=False),
        scratch_types=[
            pltpu.VMEM(((RCH + 2) * 2 * W + 64,), jnp.float32),
            pltpu.VMEM((RCH * 8 * W,), jnp.float32),
        ],
    )(grid_planar)


NPT = N1 // B


def _sc_body(coords_hbm, grid8_hbm, out_hbm,
             xb0, xb1, yb0, yb1, ib0, ib1, wx0, wx1, wy0, wy1,
             gb0, gb1, ox0, ox1, oy0, oy1, csem, gsem, osem):
    ids = lax.iota(jnp.int32, L)
    wid = lax.axis_index("s") * NC + lax.axis_index("c")
    u0 = wid * CPW
    xb, yb, ib = (xb0, xb1), (yb0, yb1), (ib0, ib1)
    wxb, wyb = (wx0, wx1), (wy0, wy1)
    gb, oxb, oyb = (gb0, gb1), (ox0, ox1), (oy0, oy1)

    def addr(u):
        t = u // NPT
        return t * TPL + (u - t * NPT) * B

    def p1(xbuf, ybuf, ibuf, wxbuf, wybuf):
        def f(gi, carry):
            x = xbuf[pl.ds(gi * L, L)]
            y = ybuf[pl.ds(gi * L, L)]
            xs = x * jnp.float32(W - 1)
            ys = y * jnp.float32(H - 1)
            x0 = xs.astype(jnp.int32)
            y0 = ys.astype(jnp.int32)
            ibuf[pl.ds(gi * L, L)] = y0 * W + x0
            wxbuf[pl.ds(gi * L, L)] = xs - x0.astype(jnp.float32)
            wybuf[pl.ds(gi * L, L)] = ys - y0.astype(jnp.float32)
            return carry

        lax.fori_loop(0, NG, f, 0, unroll=4)

    def p3(gbuf, wxbuf, wybuf, oxbuf, oybuf):
        def f(gi, carry):
            bse = gi * L
            rows = ids + bse
            gv = [plsc.load_gather(gbuf, [rows, jnp.full((L,), k, jnp.int32)])
                  for k in range(8)]
            wx = wxbuf[pl.ds(bse, L)]
            wy = wybuf[pl.ds(bse, L)]
            top0 = gv[0] + wx * (gv[2] - gv[0])
            top1 = gv[1] + wx * (gv[3] - gv[1])
            bot0 = gv[4] + wx * (gv[6] - gv[4])
            bot1 = gv[5] + wx * (gv[7] - gv[5])
            oxbuf[pl.ds(bse, L)] = top0 + wy * (bot0 - top0)
            oybuf[pl.ds(bse, L)] = top1 + wy * (bot1 - top1)
            return carry

        lax.fori_loop(0, NG, f, 0, unroll=4)

    b0 = addr(u0)
    pltpu.async_copy(coords_hbm.at[pl.ds(b0, B)], xb[0], csem)
    pltpu.async_copy(coords_hbm.at[pl.ds(b0 + N1, B)], yb[0], csem)

    def iteration(k, cur):
        nxt = 1 - cur
        base = addr(u0 + k)

        @pl.when(k + 1 < CPW)
        def _():
            bn = addr(u0 + k + 1)
            pltpu.async_copy(coords_hbm.at[pl.ds(bn, B)], xb[nxt], csem)
            pltpu.async_copy(coords_hbm.at[pl.ds(bn + N1, B)], yb[nxt], csem)

        pltpu.make_async_copy(coords_hbm.at[pl.ds(base, B)], xb[cur], csem).wait()
        pltpu.make_async_copy(coords_hbm.at[pl.ds(base + N1, B)], yb[cur], csem).wait()

        p1(xb[cur], yb[cur], ib[cur], wxb[cur], wyb[cur])
        pltpu.async_copy(grid8_hbm.at[ib[cur]], gb[cur], gsem)

        @pl.when(k >= 1)
        def _():
            @pl.when(k >= 2)
            def _():
                bq = addr(u0 + k - 2)
                pltpu.make_async_copy(oxb[cur], out_hbm.at[pl.ds(bq, B)], osem).wait()
                pltpu.make_async_copy(oyb[cur], out_hbm.at[pl.ds(bq + N1, B)], osem).wait()
            p3(gb[nxt], wxb[nxt], wyb[nxt], oxb[nxt], oyb[nxt])
            bp = addr(u0 + k - 1)
            pltpu.async_copy(oxb[nxt], out_hbm.at[pl.ds(bp, B)], osem)
            pltpu.async_copy(oyb[nxt], out_hbm.at[pl.ds(bp + N1, B)], osem)

        pltpu.make_async_copy(grid8_hbm.at[ib[cur]], gb[cur], gsem).wait()

    def two(j2, carry):
        iteration(j2 * 2, 0)
        iteration(j2 * 2 + 1, 1)
        return carry

    lax.fori_loop(0, CPW // 2, two, 0)

    lastp = (CPW - 1) % 2
    p3(gb[lastp], wxb[lastp], wyb[lastp], oxb[lastp], oyb[lastp])
    bl = addr(u0 + CPW - 1)
    pltpu.async_copy(oxb[lastp], out_hbm.at[pl.ds(bl, B)], osem)
    pltpu.async_copy(oyb[lastp], out_hbm.at[pl.ds(bl + N1, B)], osem)
    for _i in range(4):
        pltpu.make_async_copy(oxb[0], out_hbm.at[pl.ds(bl, B)], osem).wait()


def _sample(coords_planar, grid8):
    mesh = plsc.VectorSubcoreMesh(core_axis_name="c", subcore_axis_name="s")
    return pl.kernel(
        _sc_body,
        out_type=jax.ShapeDtypeStruct((T * 2 * N1,), jnp.float32),
        mesh=mesh,
        compiler_params=pltpu.CompilerParams(
            needs_layout_passes=False, use_tc_tiling_on_sc=False),
        scratch_types=(
            [pltpu.VMEM((B,), jnp.float32)] * 4
            + [pltpu.VMEM((B,), jnp.int32)] * 2
            + [pltpu.VMEM((B,), jnp.float32)] * 4
            + [pltpu.VMEM((B, 8), jnp.float32)] * 2
            + [pltpu.VMEM((B,), jnp.float32)] * 4
            + [pltpu.SemaphoreType.DMA] * 3
        ),
    )(coords_planar, grid8)


def kernel(coords, vector_field):
    coords_planar = jnp.transpose(coords, (1, 2, 0)).reshape(-1)
    grid_planar = jnp.transpose(vector_field, (0, 2, 1)).reshape(-1)
    grid8 = _build_grid8(grid_planar).reshape(H * W, 8)
    out_flat = _sample(coords_planar, grid8)
    return jnp.transpose(out_flat.reshape(T, 2, N1), (2, 0, 1))

# --- scband reference (transcript-rebuilt; emitter-appended) ---
"""Pipeline reference for scband-regular-vector-field-17154099380945 (READ-ONLY COPY).

The authoritative reference and input builder live on the scoring server;
editing this copy changes nothing except your own understanding.
"""

import jax, jax.numpy as jnp
import numpy as np

HEIGHT, WIDTH, FDIM = 1024, 1024, 2


def sample_from_grid(coords, grid):
    # coords: [N, 2] in [0, 1), interpreted as (x, y) normalized coordinates.
    # grid:   [H, W, C]
    H, W, C = grid.shape
    x = coords[:, 0] * (W - 1)
    y = coords[:, 1] * (H - 1)
    xf = jnp.floor(x)
    yf = jnp.floor(y)
    wx = x - xf
    wy = y - yf
    x0 = jnp.clip(xf, 0, W - 1).astype(jnp.int32)
    x1 = jnp.clip(xf + 1, 0, W - 1).astype(jnp.int32)
    y0 = jnp.clip(yf, 0, H - 1).astype(jnp.int32)
    y1 = jnp.clip(yf + 1, 0, H - 1).astype(jnp.int32)
    g00 = grid[y0, x0]  # [N, C]
    g01 = grid[y0, x1]
    g10 = grid[y1, x0]
    g11 = grid[y1, x1]
    wx = wx[:, None]
    wy = wy[:, None]
    out = (g00 * (1.0 - wx) * (1.0 - wy)
           + g01 * wx * (1.0 - wy)
           + g10 * (1.0 - wx) * wy
           + g11 * wx * wy)
    return out


def setup_inputs(seed: int = 0) -> dict:
    key = jax.random.key(seed)
    k1, k2 = jax.random.split(key)
    coords = jax.random.uniform(k1, (16384, 200, 2), dtype=jnp.float32)
    vector_field = jax.random.normal(k2, (HEIGHT, WIDTH, FDIM), dtype=jnp.float32)
    return {"coords": coords, "vector_field": vector_field}


def reference(coords, vector_field):
    shape = coords.shape
    flat = coords.reshape(-1, shape[-1])
    samples = sample_from_grid(flat, vector_field)
    sample_dim = samples.shape[-1]
    return samples.reshape(*shape[:-1], sample_dim)

if __name__ == "__main__":
    import jax
    _d = setup_inputs()
    print(jax.jit(kernel)(*tuple(_d.values())))

</pallas_src>

<mosaic_0001>
#map = affine_map<(d0, d1) -> (0)>
module attributes {stable_mosaic.version = 14 : i64} {
  func.func @_build_body(%arg0: i32, %arg1: i32, %arg2: memref<2097152xf32, #tpu.memory_space<hbm>>, %arg3: memref<8388608xf32, #tpu.memory_space<hbm>>, %arg4: memref<20544xf32, #tpu.memory_space<vmem>>, %arg5: memref<65536xf32, #tpu.memory_space<vmem>>) attributes {dimension_semantics = [#tpu.dimension_semantics<core_parallel>, #tpu.dimension_semantics<subcore_parallel>], iteration_bounds = array<i64: 2, 16>, scalar_prefetch = 0 : i64, scratch_operands = 2 : i64, tpu.core_type = #tpu.core_type<sc_vector_subcore>, window_params = [{transform_indices = #map}, {transform_indices = #map}]} {
    %iota3A = tpu.iota {dimensions = array<i32: 0>} : vector<16xi32>
    %mul3A = arith.constant 2 : i32
    %mul3A_0 = arith.muli %arg1, %mul3A : i32
    %add3A = arith.addi %mul3A_0, %arg0 : i32
    %mul3A_1 = arith.constant 32 : i32
    %mul3A_2 = arith.muli %add3A, %mul3A_1 : i32
    %scan3A = arith.constant 0 : i32
    %scan3A_3 = arith.constant 0 : i32
    %scan3A_4 = arith.constant 4 : i32
    %scan3A_5 = arith.addi %scan3A_3, %scan3A_4 : i32
    %scan3A_6 = arith.constant 1 : i32
    scf.for %scan3A_8 = %scan3A_3 to %scan3A_5 step %scan3A_6  : i32 {
      %mul3A_9 = arith.constant 8 : i32
      %mul3A_10 = arith.muli %scan3A_8, %mul3A_9 : i32
      %add3A_11 = arith.addi %mul3A_2, %mul3A_10 : i32
      %min3A = arith.constant 1015 : i32
      %min3A_12 = arith.minsi %add3A_11, %min3A : i32
      %sub3A = arith.subi %add3A_11, %min3A_12 : i32
      %mul3A_13 = arith.constant 2 : i32
      %mul3A_14 = arith.muli %min3A_12, %mul3A_13 : i32
      %mul3A_15 = arith.constant 1024 : i32
      %mul3A_16 = arith.muli %mul3A_14, %mul3A_15 : i32
      "tpu.region"() ({
        %run_scoped3A = tpu.sem_alloc : memref<!tpu.dma_semaphore, #tpu.memory_space<semaphore_mem>>
        %dma_start3A = arith.constant 0 : i32
        %dma_start3A_27 = tpu.memref_slice %arg4[%dma_start3A] : memref<20544xf32, #tpu.memory_space<vmem>> -> memref<18432xf32, #tpu.memory_space<vmem>>
        %dma_start3A_28 = tpu.memref_slice %arg2[%mul3A_16] : memref<2097152xf32, #tpu.memory_space<hbm>> -> memref<18432xf32, #tpu.memory_space<hbm>>
        %dma_start3A_29 = arith.constant 0 : i32
        %dma_start3A_30 = tpu.memref_slice %arg4[%dma_start3A_29] : memref<20544xf32, #tpu.memory_space<vmem>> -> memref<18432xf32, #tpu.memory_space<vmem>>
        %dma_start3A_31 = tpu.memref_slice %arg2[%mul3A_16] : memref<2097152xf32, #tpu.memory_space<hbm>> -> memref<18432xf32, #tpu.memory_space<hbm>>
        tpu.enqueue_dma source(%dma_start3A_31 : memref<18432xf32, #tpu.memory_space<hbm>>) target(%dma_start3A_30 : memref<18432xf32, #tpu.memory_space<vmem>>) target_semaphore(%run_scoped3A : memref<!tpu.dma_semaphore, #tpu.memory_space<semaphore_mem>>)
        %dma_wait3A = arith.constant 0 : i32
        %dma_wait3A_32 = tpu.memref_slice %arg4[%dma_wait3A] : memref<20544xf32, #tpu.memory_space<vmem>> -> memref<18432xf32, #tpu.memory_space<vmem>>
        %dma_wait3A_33 = tpu.memref_slice %arg2[%mul3A_16] : memref<2097152xf32, #tpu.memory_space<hbm>> -> memref<18432xf32, #tpu.memory_space<hbm>>
        %dma_wait3A_34 = arith.constant 0 : i32
        %dma_wait3A_35 = tpu.memref_slice %arg4[%dma_wait3A_34] : memref<20544xf32, #tpu.memory_space<vmem>> -> memref<18432xf32, #tpu.memory_space<vmem>>
        %dma_wait3A_36 = tpu.memref_slice %arg2[%mul3A_16] : memref<2097152xf32, #tpu.memory_space<hbm>> -> memref<18432xf32, #tpu.memory_space<hbm>>
        tpu.wait_dma2 semaphore(%run_scoped3A : memref<!tpu.dma_semaphore, #tpu.memory_space<semaphore_mem>>) src(%dma_wait3A_36 : memref<18432xf32, #tpu.memory_space<hbm>>) dst(%dma_wait3A_35 : memref<18432xf32, #tpu.memory_space<vmem>>)
        tpu.yield
      }) : () -> ()
      %scan3A_17 = arith.constant 0 : i32
      %scan3A_18 = arith.constant 0 : i32
      %scan3A_19 = arith.constant 512 : i32
      %scan3A_20 = arith.addi %scan3A_18, %scan3A_19 : i32
      %scan3A_21 = arith.constant 1 : i32
      scf.for %scan3A_27 = %scan3A_18 to %scan3A_20 step %scan3A_21  : i32 {
        %jit3A = arith.constant 64 : i32
        %div3A = arith.divsi %scan3A_27, %jit3A : i32
        %sign3A = arith.constant 0 : i32
        %sign3A_28 = arith.cmpi sgt, %scan3A_27, %sign3A : i32
        %sign3A_29 = arith.extui %sign3A_28 : i1 to i32
        %sign3A_30 = arith.constant 0 : i32
        %sign3A_31 = arith.cmpi slt, %scan3A_27, %sign3A_30 : i32
        %sign3A_32 = arith.extui %sign3A_31 : i1 to i32
        %sign3A_33 = arith.subi %sign3A_29, %sign3A_32 : i32
        %sign3A_34 = arith.constant 0 : i32
        %sign3A_35 = arith.cmpi sgt, %jit3A, %sign3A_34 : i32
        %sign3A_36 = arith.extui %sign3A_35 : i1 to i32
        %sign3A_37 = arith.constant 0 : i32
        %sign3A_38 = arith.cmpi slt, %jit3A, %sign3A_37 : i32
        %sign3A_39 = arith.extui %sign3A_38 : i1 to i32
        %sign3A_40 = arith.subi %sign3A_36, %sign3A_39 : i32
        %ne3A = arith.cmpi ne, %sign3A_33, %sign3A_40 : i32
        %rem3A = arith.remsi %scan3A_27, %jit3A : i32
        %ne3A_41 = arith.constant 0 : i32
        %ne3A_42 = arith.cmpi ne, %rem3A, %ne3A_41 : i32
        %and3A = arith.andi %ne3A, %ne3A_42 : i1
        %sub3A_43 = arith.constant 1 : i32
        %sub3A_44 = arith.subi %div3A, %sub3A_43 : i32
        %select_n3A = arith.select %and3A, %sub3A_44, %div3A : i32
        %mul3A_45 = arith.constant 64 : i32
        %mul3A_46 = arith.muli %select_n3A, %mul3A_45 : i32
        %sub3A_47 = arith.subi %scan3A_27, %mul3A_46 : i32
        %mul3A_48 = arith.constant 16 : i32
        %mul3A_49 = arith.muli %sub3A_47, %mul3A_48 : i32
        %add3A_50 = vector.broadcast %mul3A_49 : i32 to vector<16xi32>
        %add3A_51 = arith.addi %add3A_50, %iota3A : vector<16xi32>
        %add3A_52 = arith.addi %select_n3A, %sub3A : i32
        %mul3A_53 = arith.constant 2048 : i32
        %mul3A_54 = arith.muli %add3A_52, %mul3A_53 : i32
        %add3A_55 = vector.broadcast %mul3A_54 : i32 to vector<16xi32>
        %add3A_56 = arith.addi %add3A_55, %add3A_51 : vector<16xi32>
        %gather3A = tpu.vector_load_idx %arg4[%add3A_56] : memref<20544xf32, #tpu.memory_space<vmem>>[vector<16xi32>], vector<16xf32>,
        %add3A_57 = arith.constant 1024 : i32
        %add3A_58 = arith.addi %mul3A_54, %add3A_57 : i32
        %add3A_59 = vector.broadcast %add3A_58 : i32 to vector<16xi32>
        %add3A_60 = arith.addi %add3A_59, %add3A_51 : vector<16xi32>
        %gather3A_61 = tpu.vector_load_idx %arg4[%add3A_60] : memref<20544xf32, #tpu.memory_space<vmem>>[vector<16xi32>], vector<16xf32>,
        %add3A_62 = vector.broadcast %mul3A_54 : i32 to vector<16xi32>
        %add3A_63 = arith.addi %add3A_62, %add3A_51 : vector<16xi32>
        %add3A_64 = arith.constant 1 : i32
        %add3A_65 = vector.broadcast %add3A_64 : i32 to vector<16xi32>
        %add3A_66 = arith.addi %add3A_63, %add3A_65 : vector<16xi32>
        %gather3A_67 = tpu.vector_load_idx %arg4[%add3A_66] : memref<20544xf32, #tpu.memory_space<vmem>>[vector<16xi32>], vector<16xf32>,
        %add3A_68 = arith.constant 1024 : i32
        %add3A_69 = arith.addi %mul3A_54, %add3A_68 : i32
        %add3A_70 = vector.broadcast %add3A_69 : i32 to vector<16xi32>
        %add3A_71 = arith.addi %add3A_70, %add3A_51 : vector<16xi32>
        %add3A_72 = arith.constant 1 : i32
        %add3A_73 = vector.broadcast %add3A_72 : i32 to vector<16xi32>
        %add3A_74 = arith.addi %add3A_71, %add3A_73 : vector<16xi32>
        %gather3A_75 = tpu.vector_load_idx %arg4[%add3A_74] : memref<20544xf32, #tpu.memory_space<vmem>>[vector<16xi32>], vector<16xf32>,
        %add3A_76 = arith.constant 2048 : i32
        %add3A_77 = arith.addi %mul3A_54, %add3A_76 : i32
        %add3A_78 = vector.broadcast %add3A_77 : i32 to vector<16xi32>
        %add3A_79 = arith.addi %add3A_78, %add3A_51 : vector<16xi32>
        %gather3A_80 = tpu.vector_load_idx %arg4[%add3A_79] : memref<20544xf32, #tpu.memory_space<vmem>>[vector<16xi32>], vector<16xf32>,
        %add3A_81 = arith.constant 3072 : i32
        %add3A_82 = arith.addi %mul3A_54, %add3A_81 : i32
        %add3A_83 = vector.broadcast %add3A_82 : i32 to vector<16xi32>
        %add3A_84 = arith.addi %add3A_83, %add3A_51 : vector<16xi32>
        %gather3A_85 = tpu.vector_load_idx %arg4[%add3A_84] : memref<20544xf32, #tpu.memory_space<vmem>>[vector<16xi32>], vector<16xf32>,
        %add3A_86 = arith.constant 2048 : i32
        %add3A_87 = arith.addi %mul3A_54, %add3A_86 : i32
        %add3A_88 = vector.broadcast %add3A_87 : i32 to vector<16xi32>
        %add3A_89 = arith.addi %add3A_88, %add3A_51 : vector<16xi32>
        %add3A_90 = arith.constant 1 : i32
        %add3A_91 = vector.broadcast %add3A_90 : i32 to vector<16xi32>
        %add3A_92 = arith.addi %add3A_89, %add3A_91 : vector<16xi32>
        %gather3A_93 = tpu.vector_load_idx %arg4[%add3A_92] : memref<20544xf32, #tpu.memory_space<vmem>>[vector<16xi32>], vector<16xf32>,
        %add3A_94 = arith.constant 3072 : i32
        %add3A_95 = arith.addi %mul3A_54, %add3A_94 : i32
        %add3A_96 = vector.broadcast %add3A_95 : i32 to vector<16xi32>
        %add3A_97 = arith.addi %add3A_96, %add3A_51 : vector<16xi32>
        %add3A_98 = arith.constant 1 : i32
        %add3A_99 = vector.broadcast %add3A_98 : i32 to vector<16xi32>
        %add3A_100 = arith.addi %add3A_97, %add3A_99 : vector<16xi32>
        %gather3A_101 = tpu.vector_load_idx %arg4[%add3A_100] : memref<20544xf32, #tpu.memory_space<vmem>>[vector<16xi32>], vector<16xf32>,
        %mul3A_102 = arith.constant 8 : i32
        %mul3A_103 = vector.broadcast %mul3A_102 : i32 to vector<16xi32>
        %mul3A_104 = arith.muli %add3A_51, %mul3A_103 : vector<16xi32>
        %mul3A_105 = arith.constant 8192 : i32
        %mul3A_106 = arith.muli %select_n3A, %mul3A_105 : i32
        %add3A_107 = vector.broadcast %mul3A_106 : i32 to vector<16xi32>
        %add3A_108 = arith.addi %mul3A_104, %add3A_107 : vector<16xi32>
        tpu.vector_store_idx %arg5[%add3A_108], %gather3A : memref<65536xf32, #tpu.memory_space<vmem>>[vector<16xi32>], vector<16xf32>,
        %add3A_109 = arith.constant 1 : i32
        %add3A_110 = vector.broadcast %add3A_109 : i32 to vector<16xi32>
        %add3A_111 = arith.addi %add3A_108, %add3A_110 : vector<16xi32>
        tpu.vector_store_idx %arg5[%add3A_111], %gather3A_61 : memref<65536xf32, #tpu.memory_space<vmem>>[vector<16xi32>], vector<16xf32>,
        %add3A_112 = arith.constant 2 : i32
        %add3A_113 = vector.broadcast %add3A_112 : i32 to vector<16xi32>
        %add3A_114 = arith.addi %add3A_108, %add3A_113 : vector<16xi32>
        tpu.vector_store_idx %arg5[%add3A_114], %gather3A_67 : memref<65536xf32, #tpu.memory_space<vmem>>[vector<16xi32>], vector<16xf32>,
        %add3A_115 = arith.constant 3 : i32
        %add3A_116 = vector.broadcast %add3A_115 : i32 to vector<16xi32>
        %add3A_117 = arith.addi %add3A_108, %add3A_116 : vector<16xi32>
        tpu.vector_store_idx %arg5[%add3A_117], %gather3A_75 : memref<65536xf32, #tpu.memory_space<vmem>>[vector<16xi32>], vector<16xf32>,
        %add3A_118 = arith.constant 4 : i32
        %add3A_119 = vector.broadcast %add3A_118 : i32 to vector<16xi32>
        %add3A_120 = arith.addi %add3A_108, %add3A_119 : vector<16xi32>
        tpu.vector_store_idx %arg5[%add3A_120], %gather3A_80 : memref<65536xf32, #tpu.memory_space<vmem>>[vector<16xi32>], vector<16xf32>,
        %add3A_121 = arith.constant 5 : i32
        %add3A_122 = vector.broadcast %add3A_121 : i32 to vector<16xi32>
        %add3A_123 = arith.addi %add3A_108, %add3A_122 : vector<16xi32>
        tpu.vector_store_idx %arg5[%add3A_123], %gather3A_85 : memref<65536xf32, #tpu.memory_space<vmem>>[vector<16xi32>], vector<16xf32>,
        %add3A_124 = arith.constant 6 : i32
        %add3A_125 = vector.broadcast %add3A_124 : i32 to vector<16xi32>
        %add3A_126 = arith.addi %add3A_108, %add3A_125 : vector<16xi32>
        tpu.vector_store_idx %arg5[%add3A_126], %gather3A_93 : memref<65536xf32, #tpu.memory_space<vmem>>[vector<16xi32>], vector<16xf32>,
        %add3A_127 = arith.constant 7 : i32
        %add3A_128 = vector.broadcast %add3A_127 : i32 to vector<16xi32>
        %add3A_129 = arith.addi %add3A_108, %add3A_128 : vector<16xi32>
        tpu.vector_store_idx %arg5[%add3A_129], %gather3A_101 : memref<65536xf32, #tpu.memory_space<vmem>>[vector<16xi32>], vector<16xf32>,
      }
      %scan3A_22 = arith.constant 512 : i32
      %mul3A_23 = arith.constant 8 : i32
      %mul3A_24 = arith.muli %add3A_11, %mul3A_23 : i32
      %mul3A_25 = arith.constant 1024 : i32
      %mul3A_26 = arith.muli %mul3A_24, %mul3A_25 : i32
      "tpu.region"() ({
        %run_scoped3A = tpu.sem_alloc : memref<!tpu.dma_semaphore, #tpu.memory_space<semaphore_mem>>
        %dma_start3A = tpu.memref_slice %arg3[%mul3A_26] : memref<8388608xf32, #tpu.memory_space<hbm>> -> memref<65536xf32, #tpu.memory_space<hbm>>
        %dma_start3A_27 = tpu.memref_slice %arg3[%mul3A_26] : memref<8388608xf32, #tpu.memory_space<hbm>> -> memref<65536xf32, #tpu.memory_space<hbm>>
        tpu.enqueue_dma source(%arg5 : memref<65536xf32, #tpu.memory_space<vmem>>) target(%dma_start3A_27 : memref<65536xf32, #tpu.memory_space<hbm>>) target_semaphore(%run_scoped3A : memref<!tpu.dma_semaphore, #tpu.memory_space<semaphore_mem>>)
        %dma_wait3A = tpu.memref_slice %arg3[%mul3A_26] : memref<8388608xf32, #tpu.memory_space<hbm>> -> memref<65536xf32, #tpu.memory_space<hbm>>
        %dma_wait3A_28 = tpu.memref_slice %arg3[%mul3A_26] : memref<8388608xf32, #tpu.memory_space<hbm>> -> memref<65536xf32, #tpu.memory_space<hbm>>
        tpu.wait_dma2 semaphore(%run_scoped3A : memref<!tpu.dma_semaphore, #tpu.memory_space<semaphore_mem>>) src(%arg5 : memref<65536xf32, #tpu.memory_space<vmem>>) dst(%dma_wait3A_28 : memref<65536xf32, #tpu.memory_space<hbm>>)
        tpu.yield
      }) : () -> ()
    }
    %scan3A_7 = arith.constant 4 : i32
    return
  }
}

#map = affine_map<(d0, d1) -> (0)>
#map1 = affine_map<(d0, d1) -> (0, 0)>
module attributes {stable_mosaic.version = 14 : i64} {
  func.func @_sc_body(%arg0: i32, %arg1: i32, %arg2: memref<6553600xf32, #tpu.memory_space<hbm>>, %arg3: memref<1048576x8xf32, #tpu.memory_space<hbm>>, %arg4: memref<6553600xf32, #tpu.memory_space<hbm>>, %arg5: memref<2048xf32, #tpu.memory_space<vmem>>, %arg6: memref<2048xf32, #tpu.memory_space<vmem>>, %arg7: memref<2048xf32, #tpu.memory_space<vmem>>, %arg8: memref<2048xf32, #tpu.memory_space<vmem>>, %arg9: memref<2048xi32, #tpu.memory_space<vmem>>, %arg10: memref<2048xi32, #tpu.memory_space<vmem>>, %arg11: memref<2048xf32, #tpu.memory_space<vmem>>, %arg12: memref<2048xf32, #tpu.memory_space<vmem>>, %arg13: memref<2048xf32, #tpu.memory_space<vmem>>, %arg14: memref<2048xf32, #tpu.memory_space<vmem>>, %arg15: memref<2048x8xf32, #tpu.memory_space<vmem>>, %arg16: memref<2048x8xf32, #tpu.memory_space<vmem>>, %arg17: memref<2048xf32, #tpu.memory_space<vmem>>, %arg18: memref<2048xf32, #tpu.memory_space<vmem>>, %arg19: memref<2048xf32, #tpu.memory_space<vmem>>, %arg20: memref<2048xf32, #tpu.memory_space<vmem>>, %arg21: memref<!tpu.dma_semaphore, #tpu.memory_space<semaphore_mem>>, %arg22: memref<!tpu.dma_semaphore, #tpu.memory_space<semaphore_mem>>, %arg23: memref<!tpu.dma_semaphore, #tpu.memory_space<semaphore_mem>>) attributes {dimension_semantics = [#tpu.dimension_semantics<core_parallel>, #tpu.dimension_semantics<subcore_parallel>], iteration_bounds = array<i64: 2, 16>, scalar_prefetch = 0 : i64, scratch_operands = 19 : i64, tpu.core_type = #tpu.core_type<sc_vector_subcore>, window_params = [{transform_indices = #map}, {transform_indices = #map1}, {transform_indices = #map}]} {
    %iota3A = tpu.iota {dimensions = array<i32: 0>} : vector<16xi32>
    %mul3A = arith.constant 2 : i32
    %mul3A_0 = arith.muli %arg1, %mul3A : i32
    %add3A = arith.addi %mul3A_0, %arg0 : i32
    %mul3A_1 = arith.constant 50 : i32
    %mul3A_2 = arith.muli %add3A, %mul3A_1 : i32
    %jit3A = arith.constant 8 : i32
    %div3A = arith.divsi %mul3A_2, %jit3A : i32
    %sign3A = arith.constant 0 : i32
    %sign3A_3 = arith.cmpi sgt, %mul3A_2, %sign3A : i32
    %sign3A_4 = arith.extui %sign3A_3 : i1 to i32
    %sign3A_5 = arith.constant 0 : i32
    %sign3A_6 = arith.cmpi slt, %mul3A_2, %sign3A_5 : i32
    %sign3A_7 = arith.extui %sign3A_6 : i1 to i32
    %sign3A_8 = arith.subi %sign3A_4, %sign3A_7 : i32
    %sign3A_9 = arith.constant 0 : i32
    %sign3A_10 = arith.cmpi sgt, %jit3A, %sign3A_9 : i32
    %sign3A_11 = arith.extui %sign3A_10 : i1 to i32
    %sign3A_12 = arith.constant 0 : i32
    %sign3A_13 = arith.cmpi slt, %jit3A, %sign3A_12 : i32
    %sign3A_14 = arith.extui %sign3A_13 : i1 to i32
    %sign3A_15 = arith.subi %sign3A_11, %sign3A_14 : i32
    %ne3A = arith.cmpi ne, %sign3A_8, %sign3A_15 : i32
    %rem3A = arith.remsi %mul3A_2, %jit3A : i32
    %ne3A_16 = arith.constant 0 : i32
    %ne3A_17 = arith.cmpi ne, %rem3A, %ne3A_16 : i32
    %and3A = arith.andi %ne3A, %ne3A_17 : i1
    %sub3A = arith.constant 1 : i32
    %sub3A_18 = arith.subi %div3A, %sub3A : i32
    %select_n3A = arith.select %and3A, %sub3A_18, %div3A : i32
    %mul3A_19 = arith.constant 32768 : i32
    %mul3A_20 = arith.muli %select_n3A, %mul3A_19 : i32
    %mul3A_21 = arith.constant 8 : i32
    %mul3A_22 = arith.muli %select_n3A, %mul3A_21 : i32
    %sub3A_23 = arith.subi %mul3A_2, %mul3A_22 : i32
    %mul3A_24 = arith.constant 2048 : i32
    %mul3A_25 = arith.muli %sub3A_23, %mul3A_24 : i32
    %add3A_26 = arith.addi %mul3A_20, %mul3A_25 : i32
    %dma_start3A = tpu.memref_slice %arg2[%add3A_26] : memref<6553600xf32, #tpu.memory_space<hbm>> -> memref<2048xf32, #tpu.memory_space<hbm>>
    %dma_start3A_27 = tpu.memref_slice %arg2[%add3A_26] : memref<6553600xf32, #tpu.memory_space<hbm>> -> memref<2048xf32, #tpu.memory_space<hbm>>
    tpu.enqueue_dma source(%dma_start3A_27 : memref<2048xf32, #tpu.memory_space<hbm>>) target(%arg5 : memref<2048xf32, #tpu.memory_space<vmem>>) target_semaphore(%arg21 : memref<!tpu.dma_semaphore, #tpu.memory_space<semaphore_mem>>)
    %add3A_28 = arith.constant 16384 : i32
    %add3A_29 = arith.addi %add3A_26, %add3A_28 : i32
    %dma_start3A_30 = tpu.memref_slice %arg2[%add3A_29] : memref<6553600xf32, #tpu.memory_space<hbm>> -> memref<2048xf32, #tpu.memory_space<hbm>>
    %dma_start3A_31 = tpu.memref_slice %arg2[%add3A_29] : memref<6553600xf32, #tpu.memory_space<hbm>> -> memref<2048xf32, #tpu.memory_space<hbm>>
    tpu.enqueue_dma source(%dma_start3A_31 : memref<2048xf32, #tpu.memory_space<hbm>>) target(%arg7 : memref<2048xf32, #tpu.memory_space<vmem>>) target_semaphore(%arg21 : memref<!tpu.dma_semaphore, #tpu.memory_space<semaphore_mem>>)
    %scan3A = arith.constant 0 : i32
    %scan3A_32 = arith.constant 0 : i32
    %scan3A_33 = arith.constant 25 : i32
    %scan3A_34 = arith.addi %scan3A_32, %scan3A_33 : i32
    %scan3A_35 = arith.constant 1 : i32
    scf.for %scan3A_92 = %scan3A_32 to %scan3A_34 step %scan3A_35  : i32 {
      %mul3A_93 = arith.constant 2 : i32
      %mul3A_94 = arith.muli %scan3A_92, %mul3A_93 : i32
      %add3A_95 = arith.addi %mul3A_2, %mul3A_94 : i32
      %jit3A_96 = arith.constant 8 : i32
      %div3A_97 = arith.divsi %add3A_95, %jit3A_96 : i32
      %sign3A_98 = arith.constant 0 : i32
      %sign3A_99 = arith.cmpi sgt, %add3A_95, %sign3A_98 : i32
      %sign3A_100 = arith.extui %sign3A_99 : i1 to i32
      %sign3A_101 = arith.constant 0 : i32
      %sign3A_102 = arith.cmpi slt, %add3A_95, %sign3A_101 : i32
      %sign3A_103 = arith.extui %sign3A_102 : i1 to i32
      %sign3A_104 = arith.subi %sign3A_100, %sign3A_103 : i32
      %sign3A_105 = arith.constant 0 : i32
      %sign3A_106 = arith.cmpi sgt, %jit3A_96, %sign3A_105 : i32
      %sign3A_107 = arith.extui %sign3A_106 : i1 to i32
      %sign3A_108 = arith.constant 0 : i32
      %sign3A_109 = arith.cmpi slt, %jit3A_96, %sign3A_108 : i32
      %sign3A_110 = arith.extui %sign3A_109 : i1 to i32
      %sign3A_111 = arith.subi %sign3A_107, %sign3A_110 : i32
      %ne3A_112 = arith.cmpi ne, %sign3A_104, %sign3A_111 : i32
      %rem3A_113 = arith.remsi %add3A_95, %jit3A_96 : i32
      %ne3A_114 = arith.constant 0 : i32
      %ne3A_115 = arith.cmpi ne, %rem3A_113, %ne3A_114 : i32
      %and3A_116 = arith.andi %ne3A_112, %ne3A_115 : i1
      %sub3A_117 = arith.constant 1 : i32
      %sub3A_118 = arith.subi %div3A_97, %sub3A_117 : i32
      %select_n3A_119 = arith.select %and3A_116, %sub3A_118, %div3A_97 : i32
      %mul3A_120 = arith.constant 32768 : i32
      %mul3A_121 = arith.muli %select_n3A_119, %mul3A_120 : i32
      %mul3A_122 = arith.constant 8 : i32
      %mul3A_123 = arith.muli %select_n3A_119, %mul3A_122 : i32
      %sub3A_124 = arith.subi %add3A_95, %mul3A_123 : i32
      %mul3A_125 = arith.constant 2048 : i32
      %mul3A_126 = arith.muli %sub3A_124, %mul3A_125 : i32
      %add3A_127 = arith.addi %mul3A_121, %mul3A_126 : i32
      %add3A_128 = arith.constant 1 : i32
      %add3A_129 = arith.addi %mul3A_94, %add3A_128 : i32
      %lt3A = arith.constant 50 : i32
      %lt3A_130 = arith.cmpi slt, %add3A_129, %lt3A : i32
      %convert_element_type3A = arith.extui %lt3A_130 : i1 to i32
      %cond3A = arith.constant 0 : i32
      %cond3A_131 = arith.cmpi ne, %convert_element_type3A, %cond3A : i32
      scf.if %cond3A_131 {
        %add3A_221 = arith.addi %mul3A_2, %mul3A_94 : i32
        %add3A_222 = arith.constant 1 : i32
        %add3A_223 = arith.addi %add3A_221, %add3A_222 : i32
        %jit3A_224 = arith.constant 8 : i32
        %div3A_225 = arith.divsi %add3A_223, %jit3A_224 : i32
        %sign3A_226 = arith.constant 0 : i32
        %sign3A_227 = arith.cmpi sgt, %add3A_223, %sign3A_226 : i32
        %sign3A_228 = arith.extui %sign3A_227 : i1 to i32
        %sign3A_229 = arith.constant 0 : i32
        %sign3A_230 = arith.cmpi slt, %add3A_223, %sign3A_229 : i32
        %sign3A_231 = arith.extui %sign3A_230 : i1 to i32
        %sign3A_232 = arith.subi %sign3A_228, %sign3A_231 : i32
        %sign3A_233 = arith.constant 0 : i32
        %sign3A_234 = arith.cmpi sgt, %jit3A_224, %sign3A_233 : i32
        %sign3A_235 = arith.extui %sign3A_234 : i1 to i32
        %sign3A_236 = arith.constant 0 : i32
        %sign3A_237 = arith.cmpi slt, %jit3A_224, %sign3A_236 : i32
        %sign3A_238 = arith.extui %sign3A_237 : i1 to i32
        %sign3A_239 = arith.subi %sign3A_235, %sign3A_238 : i32
        %ne3A_240 = arith.cmpi ne, %sign3A_232, %sign3A_239 : i32
        %rem3A_241 = arith.remsi %add3A_223, %jit3A_224 : i32
        %ne3A_242 = arith.constant 0 : i32
        %ne3A_243 = arith.cmpi ne, %rem3A_241, %ne3A_242 : i32
        %and3A_244 = arith.andi %ne3A_240, %ne3A_243 : i1
        %sub3A_245 = arith.constant 1 : i32
        %sub3A_246 = arith.subi %div3A_225, %sub3A_245 : i32
        %select_n3A_247 = arith.select %and3A_244, %sub3A_246, %div3A_225 : i32
        %mul3A_248 = arith.constant 32768 : i32
        %mul3A_249 = arith.muli %select_n3A_247, %mul3A_248 : i32
        %mul3A_250 = arith.constant 8 : i32
        %mul3A_251 = arith.muli %select_n3A_247, %mul3A_250 : i32
        %sub3A_252 = arith.subi %add3A_223, %mul3A_251 : i32
        %mul3A_253 = arith.constant 2048 : i32
        %mul3A_254 = arith.muli %sub3A_252, %mul3A_253 : i32
        %add3A_255 = arith.addi %mul3A_249, %mul3A_254 : i32
        %dma_start3A_256 = tpu.memref_slice %arg2[%add3A_255] : memref<6553600xf32, #tpu.memory_space<hbm>> -> memref<2048xf32, #tpu.memory_space<hbm>>
        %dma_start3A_257 = tpu.memref_slice %arg2[%add3A_255] : memref<6553600xf32, #tpu.memory_space<hbm>> -> memref<2048xf32, #tpu.memory_space<hbm>>
        tpu.enqueue_dma source(%dma_start3A_257 : memref<2048xf32, #tpu.memory_space<hbm>>) target(%arg6 : memref<2048xf32, #tpu.memory_space<vmem>>) target_semaphore(%arg21 : memref<!tpu.dma_semaphore, #tpu.memory_space<semaphore_mem>>)
        %add3A_258 = arith.constant 16384 : i32
        %add3A_259 = arith.addi %add3A_255, %add3A_258 : i32
        %dma_start3A_260 = tpu.memref_slice %arg2[%add3A_259] : memref<6553600xf32, #tpu.memory_space<hbm>> -> memref<2048xf32, #tpu.memory_space<hbm>>
        %dma_start3A_261 = tpu.memref_slice %arg2[%add3A_259] : memref<6553600xf32, #tpu.memory_space<hbm>> -> memref<2048xf32, #tpu.memory_space<hbm>>
        tpu.enqueue_dma source(%dma_start3A_261 : memref<2048xf32, #tpu.memory_space<hbm>>) target(%arg8 : memref<2048xf32, #tpu.memory_space<vmem>>) target_semaphore(%arg21 : memref<!tpu.dma_semaphore, #tpu.memory_space<semaphore_mem>>)
      } else {
      }
      %dma_wait3A_132 = tpu.memref_slice %arg2[%add3A_127] : memref<6553600xf32, #tpu.memory_space<hbm>> -> memref<2048xf32, #tpu.memory_space<hbm>>
      %dma_wait3A_133 = tpu.memref_slice %arg2[%add3A_127] : memref<6553600xf32, #tpu.memory_space<hbm>> -> memref<2048xf32, #tpu.memory_space<hbm>>
      tpu.wait_dma2 semaphore(%arg21 : memref<!tpu.dma_semaphore, #tpu.memory_space<semaphore_mem>>) src(%dma_wait3A_133 : memref<2048xf32, #tpu.memory_space<hbm>>) dst(%arg5 : memref<2048xf32, #tpu.memory_space<vmem>>)
      %add3A_134 = arith.constant 16384 : i32
      %add3A_135 = arith.addi %add3A_127, %add3A_134 : i32
      %dma_wait3A_136 = tpu.memref_slice %arg2[%add3A_135] : memref<6553600xf32, #tpu.memory_space<hbm>> -> memref<2048xf32, #tpu.memory_space<hbm>>
      %dma_wait3A_137 = tpu.memref_slice %arg2[%add3A_135] : memref<6553600xf32, #tpu.memory_space<hbm>> -> memref<2048xf32, #tpu.memory_space<hbm>>
      tpu.wait_dma2 semaphore(%arg21 : memref<!tpu.dma_semaphore, #tpu.memory_space<semaphore_mem>>) src(%dma_wait3A_137 : memref<2048xf32, #tpu.memory_space<hbm>>) dst(%arg7 : memref<2048xf32, #tpu.memory_space<vmem>>)
      %scan3A_138 = arith.constant 0 : i32
      %scan3A_139 = arith.constant 0 : i32
      %scan3A_140 = arith.constant 128 : i32
      %scan3A_141 = arith.addi %scan3A_139, %scan3A_140 : i32
      %scan3A_142 = arith.constant 4 : i32
      scf.for %scan3A_221 = %scan3A_139 to %scan3A_141 step %scan3A_142  : i32 {
        %mul3A_222 = arith.constant 16 : i32
        %mul3A_223 = arith.muli %scan3A_221, %mul3A_222 : i32
        %get3A = arith.index_cast %mul3A_223 : i32 to index
        %get3A_224 = tpu.vector_load %arg5[%get3A] {strides = array<i32>} : memref<2048xf32, #tpu.memory_space<vmem>>, vector<16xf32>,
        %mul3A_225 = arith.constant 16 : i32
        %mul3A_226 = arith.muli %scan3A_221, %mul3A_225 : i32
        %get3A_227 = arith.index_cast %mul3A_226 : i32 to index
        %get3A_228 = tpu.vector_load %arg7[%get3A_227] {strides = array<i32>} : memref<2048xf32, #tpu.memory_space<vmem>>, vector<16xf32>,
        %mul3A_229 = arith.constant 1.023000e+03 : f32
        %mul3A_230 = vector.broadcast %mul3A_229 : f32 to vector<16xf32>
        %mul3A_231 = arith.mulf %get3A_224, %mul3A_230 : vector<16xf32>
        %mul3A_232 = arith.constant 1.023000e+03 : f32
        %mul3A_233 = vector.broadcast %mul3A_232 : f32 to vector<16xf32>
        %mul3A_234 = arith.mulf %get3A_228, %mul3A_233 : vector<16xf32>
        %convert_element_type3A_235 = arith.fptosi %mul3A_231 : vector<16xf32> to vector<16xi32>
        %convert_element_type3A_236 = arith.fptosi %mul3A_234 : vector<16xf32> to vector<16xi32>
        %mul3A_237 = arith.constant 1024 : i32
        %mul3A_238 = vector.broadcast %mul3A_237 : i32 to vector<16xi32>
        %mul3A_239 = arith.muli %convert_element_type3A_236, %mul3A_238 : vector<16xi32>
        %add3A_240 = arith.addi %mul3A_239, %convert_element_type3A_235 : vector<16xi32>
        %mul3A_241 = arith.constant 16 : i32
        %mul3A_242 = arith.muli %scan3A_221, %mul3A_241 : i32
        %swap3A = arith.index_cast %mul3A_242 : i32 to index
        %swap3A_243 = tpu.vector_load %arg9[%swap3A] {strides = array<i32>} : memref<2048xi32, #tpu.memory_space<vmem>>, vector<16xi32>,
        tpu.vector_store %arg9[%swap3A], %add3A_240 {strides = array<i32>} : memref<2048xi32, #tpu.memory_space<vmem>>, vector<16xi32>,
        %convert_element_type3A_244 = arith.sitofp %convert_element_type3A_235 : vector<16xi32> to vector<16xf32>
        %sub3A_245 = arith.subf %mul3A_231, %convert_element_type3A_244 : vector<16xf32>
        %mul3A_246 = arith.constant 16 : i32
        %mul3A_247 = arith.muli %scan3A_221, %mul3A_246 : i32
        %swap3A_248 = arith.index_cast %mul3A_247 : i32 to index
        %swap3A_249 = tpu.vector_load %arg11[%swap3A_248] {strides = array<i32>} : memref<2048xf32, #tpu.memory_space<vmem>>, vector<16xf32>,
        tpu.vector_store %arg11[%swap3A_248], %sub3A_245 {strides = array<i32>} : memref<2048xf32, #tpu.memory_space<vmem>>, vector<16xf32>,
        %convert_element_type3A_250 = arith.sitofp %convert_element_type3A_236 : vector<16xi32> to vector<16xf32>
        %sub3A_251 = arith.subf %mul3A_234, %convert_element_type3A_250 : vector<16xf32>
        %mul3A_252 = arith.constant 16 : i32
        %mul3A_253 = arith.muli %scan3A_221, %mul3A_252 : i32
        %swap3A_254 = arith.index_cast %mul3A_253 : i32 to index
        %swap3A_255 = tpu.vector_load %arg13[%swap3A_254] {strides = array<i32>} : memref<2048xf32, #tpu.memory_space<vmem>>, vector<16xf32>,
        tpu.vector_store %arg13[%swap3A_254], %sub3A_251 {strides = array<i32>} : memref<2048xf32, #tpu.memory_space<vmem>>, vector<16xf32>,
        %scan3A_256 = arith.constant 1 : i32
        %scan3A_257 = arith.addi %scan3A_221, %scan3A_256 : i32
        %mul3A_258 = arith.constant 16 : i32
        %mul3A_259 = arith.muli %scan3A_257, %mul3A_258 : i32
        %get3A_260 = arith.index_cast %mul3A_259 : i32 to index
        %get3A_261 = tpu.vector_load %arg5[%get3A_260] {strides = array<i32>} : memref<2048xf32, #tpu.memory_space<vmem>>, vector<16xf32>,
        %mul3A_262 = arith.constant 16 : i32
        %mul3A_263 = arith.muli %scan3A_257, %mul3A_262 : i32
        %get3A_264 = arith.index_cast %mul3A_263 : i32 to index
        %get3A_265 = tpu.vector_load %arg7[%get3A_264] {strides = array<i32>} : memref<2048xf32, #tpu.memory_space<vmem>>, vector<16xf32>,
        %mul3A_266 = arith.constant 1.023000e+03 : f32
        %mul3A_267 = vector.broadcast %mul3A_266 : f32 to vector<16xf32>
        %mul3A_268 = arith.mulf %get3A_261, %mul3A_267 : vector<16xf32>
        %mul3A_269 = arith.constant 1.023000e+03 : f32
        %mul3A_270 = vector.broadcast %mul3A_269 : f32 to vector<16xf32>
        %mul3A_271 = arith.mulf %get3A_265, %mul3A_270 : vector<16xf32>
        %convert_element_type3A_272 = arith.fptosi %mul3A_268 : vector<16xf32> to vector<16xi32>
        %convert_element_type3A_273 = arith.fptosi %mul3A_271 : vector<16xf32> to vector<16xi32>
        %mul3A_274 = arith.constant 1024 : i32
        %mul3A_275 = vector.broadcast %mul3A_274 : i32 to vector<16xi32>
        %mul3A_276 = arith.muli %convert_element_type3A_273, %mul3A_275 : vector<16xi32>
        %add3A_277 = arith.addi %mul3A_276, %convert_element_type3A_272 : vector<16xi32>
        %mul3A_278 = arith.constant 16 : i32
        %mul3A_279 = arith.muli %scan3A_257, %mul3A_278 : i32
        %swap3A_280 = arith.index_cast %mul3A_279 : i32 to index
        %swap3A_281 = tpu.vector_load %arg9[%swap3A_280] {strides = array<i32>} : memref<2048xi32, #tpu.memory_space<vmem>>, vector<16xi32>,
        tpu.vector_store %arg9[%swap3A_280], %add3A_277 {strides = array<i32>} : memref<2048xi32, #tpu.memory_space<vmem>>, vector<16xi32>,
        %convert_element_type3A_282 = arith.sitofp %convert_element_type3A_272 : vector<16xi32> to vector<16xf32>
        %sub3A_283 = arith.subf %mul3A_268, %convert_element_type3A_282 : vector<16xf32>
        %mul3A_284 = arith.constant 16 : i32
        %mul3A_285 = arith.muli %scan3A_257, %mul3A_284 : i32
        %swap3A_286 = arith.index_cast %mul3A_285 : i32 to index
        %swap3A_287 = tpu.vector_load %arg11[%swap3A_286] {strides = array<i32>} : memref<2048xf32, #tpu.memory_space<vmem>>, vector<16xf32>,
        tpu.vector_store %arg11[%swap3A_286], %sub3A_283 {strides = array<i32>} : memref<2048xf32, #tpu.memory_space<vmem>>, vector<16xf32>,
        %convert_element_type3A_288 = arith.sitofp %convert_element_type3A_273 : vector<16xi32> to vector<16xf32>
        %sub3A_289 = arith.subf %mul3A_271, %convert_element_type3A_288 : vector<16xf32>
        %mul3A_290 = arith.constant 16 : i32
        %mul3A_291 = arith.muli %scan3A_257, %mul3A_290 : i32
        %swap3A_292 = arith.index_cast %mul3A_291 : i32 to index
        %swap3A_293 = tpu.vector_load %arg13[%swap3A_292] {strides = array<i32>} : memref<2048xf32, #tpu.memory_space<vmem>>, vector<16xf32>,
        tpu.vector_store %arg13[%swap3A_292], %sub3A_289 {strides = array<i32>} : memref<2048xf32, #tpu.memory_space<vmem>>, vector<16xf32>,
        %scan3A_294 = arith.constant 2 : i32
        %scan3A_295 = arith.addi %scan3A_221, %scan3A_294 : i32
        %mul3A_296 = arith.constant 16 : i32
        %mul3A_297 = arith.muli %scan3A_295, %mul3A_296 : i32
        %get3A_298 = arith.index_cast %mul3A_297 : i32 to index
        %get3A_299 = tpu.vector_load %arg5[%get3A_298] {strides = array<i32>} : memref<2048xf32, #tpu.memory_space<vmem>>, vector<16xf32>,
        %mul3A_300 = arith.constant 16 : i32
        %mul3A_301 = arith.muli %scan3A_295, %mul3A_300 : i32
        %get3A_302 = arith.index_cast %mul3A_301 : i32 to index
        %get3A_303 = tpu.vector_load %arg7[%get3A_302] {strides = array<i32>} : memref<2048xf32, #tpu.memory_space<vmem>>, vector<16xf32>,
        %mul3A_304 = arith.constant 1.023000e+03 : f32
        %mul3A_305 = vector.broadcast %mul3A_304 : f32 to vector<16xf32>
        %mul3A_306 = arith.mulf %get3A_299, %mul3A_305 : vector<16xf32>
        %mul3A_307 = arith.constant 1.023000e+03 : f32
        %mul3A_308 = vector.broadcast %mul3A_307 : f32 to vector<16xf32>
        %mul3A_309 = arith.mulf %get3A_303, %mul3A_308 : vector<16xf32>
        %convert_element_type3A_310 = arith.fptosi %mul3A_306 : vector<16xf32> to vector<16xi32>
        %convert_element_type3A_311 = arith.fptosi %mul3A_309 : vector<16xf32> to vector<16xi32>
        %mul3A_312 = arith.constant 1024 : i32
        %mul3A_313 = vector.broadcast %mul3A_312 : i32 to vector<16xi32>
        %mul3A_314 = arith.muli %convert_element_type3A_311, %mul3A_313 : vector<16xi32>
        %add3A_315 = arith.addi %mul3A_314, %convert_element_type3A_310 : vector<16xi32>
        %mul3A_316 = arith.constant 16 : i32
        %mul3A_317 = arith.muli %scan3A_295, %mul3A_316 : i32
        %swap3A_318 = arith.index_cast %mul3A_317 : i32 to index
        %swap3A_319 = tpu.vector_load %arg9[%swap3A_318] {strides = array<i32>} : memref<2048xi32, #tpu.memory_space<vmem>>, vector<16xi32>,
        tpu.vector_store %arg9[%swap3A_318], %add3A_315 {strides = array<i32>} : memref<2048xi32, #tpu.memory_space<vmem>>, vector<16xi32>,
        %convert_element_type3A_320 = arith.sitofp %convert_element_type3A_310 : vector<16xi32> to vector<16xf32>
        %sub3A_321 = arith.subf %mul3A_306, %convert_element_type3A_320 : vector<16xf32>
        %mul3A_322 = arith.constant 16 : i32
        %mul3A_323 = arith.muli %scan3A_295, %mul3A_322 : i32
        %swap3A_324 = arith.index_cast %mul3A_323 : i32 to index
        %swap3A_325 = tpu.vector_load %arg11[%swap3A_324] {strides = array<i32>} : memref<2048xf32, #tpu.memory_space<vmem>>, vector<16xf32>,
        tpu.vector_store %arg11[%swap3A_324], %sub3A_321 {strides = array<i32>} : memref<2048xf32, #tpu.memory_space<vmem>>, vector<16xf32>,
        %convert_element_type3A_326 = arith.sitofp %convert_element_type3A_311 : vector<16xi32> to vector<16xf32>
        %sub3A_327 = arith.subf %mul3A_309, %convert_element_type3A_326 : vector<16xf32>
        %mul3A_328 = arith.constant 16 : i32
        %mul3A_329 = arith.muli %scan3A_295, %mul3A_328 : i32
        %swap3A_330 = arith.index_cast %mul3A_329 : i32 to index
        %swap3A_331 = tpu.vector_load %arg13[%swap3A_330] {strides = array<i32>} : memref<2048xf32, #tpu.memory_space<vmem>>, vector<16xf32>,
        tpu.vector_store %arg13[%swap3A_330], %sub3A_327 {strides = array<i32>} : memref<2048xf32, #tpu.memory_space<vmem>>, vector<16xf32>,
        %scan3A_332 = arith.constant 3 : i32
        %scan3A_333 = arith.addi %scan3A_221, %scan3A_332 : i32
        %mul3A_334 = arith.constant 16 : i32
        %mul3A_335 = arith.muli %scan3A_333, %mul3A_334 : i32
        %get3A_336 = arith.index_cast %mul3A_335 : i32 to index
        %get3A_337 = tpu.vector_load %arg5[%get3A_336] {strides = array<i32>} : memref<2048xf32, #tpu.memory_space<vmem>>, vector<16xf32>,
        %mul3A_338 = arith.constant 16 : i32
        %mul3A_339 = arith.muli %scan3A_333, %mul3A_338 : i32
        %get3A_340 = arith.index_cast %mul3A_339 : i32 to index
        %get3A_341 = tpu.vector_load %arg7[%get3A_340] {strides = array<i32>} : memref<2048xf32, #tpu.memory_space<vmem>>, vector<16xf32>,
        %mul3A_342 = arith.constant 1.023000e+03 : f32
        %mul3A_343 = vector.broadcast %mul3A_342 : f32 to vector<16xf32>
        %mul3A_344 = arith.mulf %get3A_337, %mul3A_343 : vector<16xf32>
        %mul3A_345 = arith.constant 1.023000e+03 : f32
        %mul3A_346 = vector.broadcast %mul3A_345 : f32 to vector<16xf32>
        %mul3A_347 = arith.mulf %get3A_341, %mul3A_346 : vector<16xf32>
        %convert_element_type3A_348 = arith.fptosi %mul3A_344 : vector<16xf32> to vector<16xi32>
        %convert_element_type3A_349 = arith.fptosi %mul3A_347 : vector<16xf32> to vector<16xi32>
        %mul3A_350 = arith.constant 1024 : i32
        %mul3A_351 = vector.broadcast %mul3A_350 : i32 to vector<16xi32>
        %mul3A_352 = arith.muli %convert_element_type3A_349, %mul3A_351 : vector<16xi32>
        %add3A_353 = arith.addi %mul3A_352, %convert_element_type3A_348 : vector<16xi32>
        %mul3A_354 = arith.constant 16 : i32
        %mul3A_355 = arith.muli %scan3A_333, %mul3A_354 : i32
        %swap3A_356 = arith.index_cast %mul3A_355 : i32 to index
        %swap3A_357 = tpu.vector_load %arg9[%swap3A_356] {strides = array<i32>} : memref<2048xi32, #tpu.memory_space<vmem>>, vector<16xi32>,
        tpu.vector_store %arg9[%swap3A_356], %add3A_353 {strides = array<i32>} : memref<2048xi32, #tpu.memory_space<vmem>>, vector<16xi32>,
        %convert_element_type3A_358 = arith.sitofp %convert_element_type3A_348 : vector<16xi32> to vector<16xf32>
        %sub3A_359 = arith.subf %mul3A_344, %convert_element_type3A_358 : vector<16xf32>
        %mul3A_360 = arith.constant 16 : i32
        %mul3A_361 = arith.muli %scan3A_333, %mul3A_360 : i32
        %swap3A_362 = arith.index_cast %mul3A_361 : i32 to index
        %swap3A_363 = tpu.vector_load %arg11[%swap3A_362] {strides = array<i32>} : memref<2048xf32, #tpu.memory_space<vmem>>, vector<16xf32>,
        tpu.vector_store %arg11[%swap3A_362], %sub3A_359 {strides = array<i32>} : memref<2048xf32, #tpu.memory_space<vmem>>, vector<16xf32>,
        %convert_element_type3A_364 = arith.sitofp %convert_element_type3A_349 : vector<16xi32> to vector<16xf32>
        %sub3A_365 = arith.subf %mul3A_347, %convert_element_type3A_364 : vector<16xf32>
        %mul3A_366 = arith.constant 16 : i32
        %mul3A_367 = arith.muli %scan3A_333, %mul3A_366 : i32
        %swap3A_368 = arith.index_cast %mul3A_367 : i32 to index
        %swap3A_369 = tpu.vector_load %arg13[%swap3A_368] {strides = array<i32>} : memref<2048xf32, #tpu.memory_space<vmem>>, vector<16xf32>,
        tpu.vector_store %arg13[%swap3A_368], %sub3A_365 {strides = array<i32>} : memref<2048xf32, #tpu.memory_space<vmem>>, vector<16xf32>,
      }
      %scan3A_143 = arith.constant 128 : i32
      %dma_start3A_144 = arith.constant 0 : i32
      %dma_start3A_145 = arith.constant 0 : i32
      %dma_start3A_146 = tpu.memref_slice %arg3[%dma_start3A_144, %dma_start3A_145] : memref<1048576x8xf32, #tpu.memory_space<hbm>> -> memref<1048576x8xf32, #tpu.memory_space<hbm>>
      tpu.enqueue_indirect_dma source(%dma_start3A_146 : memref<1048576x8xf32, #tpu.memory_space<hbm>>) target(%arg15 : memref<2048x8xf32, #tpu.memory_space<vmem>>) offsets(%arg9 : memref<2048xi32, #tpu.memory_space<vmem>>) semaphore(%arg22 : memref<!tpu.dma_semaphore, #tpu.memory_space<semaphore_mem>>)
      %ge3A = arith.constant 1 : i32
      %ge3A_147 = arith.cmpi sge, %mul3A_94, %ge3A : i32
      %convert_element_type3A_148 = arith.extui %ge3A_147 : i1 to i32
      %cond3A_149 = arith.constant 0 : i32
      %cond3A_150 = arith.cmpi ne, %convert_element_type3A_148, %cond3A_149 : i32
      scf.if %cond3A_150 {
        %ge3A_221 = arith.constant 2 : i32
        %ge3A_222 = arith.cmpi sge, %mul3A_94, %ge3A_221 : i32
        %convert_element_type3A_223 = arith.extui %ge3A_222 : i1 to i32
        %cond3A_224 = arith.constant 0 : i32
        %cond3A_225 = arith.cmpi ne, %convert_element_type3A_223, %cond3A_224 : i32
        scf.if %cond3A_225 {
          %add3A_273 = arith.addi %mul3A_2, %mul3A_94 : i32
          %sub3A_274 = arith.constant 2 : i32
          %sub3A_275 = arith.subi %add3A_273, %sub3A_274 : i32
          %jit3A_276 = arith.constant 8 : i32
          %div3A_277 = arith.divsi %sub3A_275, %jit3A_276 : i32
          %sign3A_278 = arith.constant 0 : i32
          %sign3A_279 = arith.cmpi sgt, %sub3A_275, %sign3A_278 : i32
          %sign3A_280 = arith.extui %sign3A_279 : i1 to i32
          %sign3A_281 = arith.constant 0 : i32
          %sign3A_282 = arith.cmpi slt, %sub3A_275, %sign3A_281 : i32
          %sign3A_283 = arith.extui %sign3A_282 : i1 to i32
          %sign3A_284 = arith.subi %sign3A_280, %sign3A_283 : i32
          %sign3A_285 = arith.constant 0 : i32
          %sign3A_286 = arith.cmpi sgt, %jit3A_276, %sign3A_285 : i32
          %sign3A_287 = arith.extui %sign3A_286 : i1 to i32
          %sign3A_288 = arith.constant 0 : i32
          %sign3A_289 = arith.cmpi slt, %jit3A_276, %sign3A_288 : i32
          %sign3A_290 = arith.extui %sign3A_289 : i1 to i32
          %sign3A_291 = arith.subi %sign3A_287, %sign3A_290 : i32
          %ne3A_292 = arith.cmpi ne, %sign3A_284, %sign3A_291 : i32
          %rem3A_293 = arith.remsi %sub3A_275, %jit3A_276 : i32
          %ne3A_294 = arith.constant 0 : i32
          %ne3A_295 = arith.cmpi ne, %rem3A_293, %ne3A_294 : i32
          %and3A_296 = arith.andi %ne3A_292, %ne3A_295 : i1
          %sub3A_297 = arith.constant 1 : i32
          %sub3A_298 = arith.subi %div3A_277, %sub3A_297 : i32
          %select_n3A_299 = arith.select %and3A_296, %sub3A_298, %div3A_277 : i32
          %mul3A_300 = arith.constant 32768 : i32
          %mul3A_301 = arith.muli %select_n3A_299, %mul3A_300 : i32
          %mul3A_302 = arith.constant 8 : i32
          %mul3A_303 = arith.muli %select_n3A_299, %mul3A_302 : i32
          %sub3A_304 = arith.subi %sub3A_275, %mul3A_303 : i32
          %mul3A_305 = arith.constant 2048 : i32
          %mul3A_306 = arith.muli %sub3A_304, %mul3A_305 : i32
          %add3A_307 = arith.addi %mul3A_301, %mul3A_306 : i32
          %dma_wait3A_308 = tpu.memref_slice %arg4[%add3A_307] : memref<6553600xf32, #tpu.memory_space<hbm>> -> memref<2048xf32, #tpu.memory_space<hbm>>
          %dma_wait3A_309 = tpu.memref_slice %arg4[%add3A_307] : memref<6553600xf32, #tpu.memory_space<hbm>> -> memref<2048xf32, #tpu.memory_space<hbm>>
          tpu.wait_dma2 semaphore(%arg23 : memref<!tpu.dma_semaphore, #tpu.memory_space<semaphore_mem>>) src(%arg17 : memref<2048xf32, #tpu.memory_space<vmem>>) dst(%dma_wait3A_309 : memref<2048xf32, #tpu.memory_space<hbm>>)
          %add3A_310 = arith.constant 16384 : i32
          %add3A_311 = arith.addi %add3A_307, %add3A_310 : i32
          %dma_wait3A_312 = tpu.memref_slice %arg4[%add3A_311] : memref<6553600xf32, #tpu.memory_space<hbm>> -> memref<2048xf32, #tpu.memory_space<hbm>>
          %dma_wait3A_313 = tpu.memref_slice %arg4[%add3A_311] : memref<6553600xf32, #tpu.memory_space<hbm>> -> memref<2048xf32, #tpu.memory_space<hbm>>
          tpu.wait_dma2 semaphore(%arg23 : memref<!tpu.dma_semaphore, #tpu.memory_space<semaphore_mem>>) src(%arg19 : memref<2048xf32, #tpu.memory_space<vmem>>) dst(%dma_wait3A_313 : memref<2048xf32, #tpu.memory_space<hbm>>)
        } else {
        }
        %scan3A_226 = arith.constant 0 : i32
        %scan3A_227 = arith.constant 0 : i32
        %scan3A_228 = arith.constant 128 : i32
        %scan3A_229 = arith.addi %scan3A_227, %scan3A_228 : i32
        %scan3A_230 = arith.constant 4 : i32
        scf.for %scan3A_273 = %scan3A_227 to %scan3A_229 step %scan3A_230  : i32 {
          %mul3A_274 = arith.constant 16 : i32
          %mul3A_275 = arith.muli %scan3A_273, %mul3A_274 : i32
          %add3A_276 = vector.broadcast %mul3A_275 : i32 to vector<16xi32>
          %add3A_277 = arith.addi %iota3A, %add3A_276 : vector<16xi32>
          %broadcast_in_dim3A = arith.constant 0 : i32
          %broadcast_in_dim3A_278 = vector.broadcast %broadcast_in_dim3A : i32 to vector<16xi32>
          %gather3A = tpu.vector_load_idx %arg16[%add3A_277, %broadcast_in_dim3A_278] : memref<2048x8xf32, #tpu.memory_space<vmem>>[vector<16xi32>, vector<16xi32>], vector<16xf32>,
          %broadcast_in_dim3A_279 = arith.constant 1 : i32
          %broadcast_in_dim3A_280 = vector.broadcast %broadcast_in_dim3A_279 : i32 to vector<16xi32>
          %gather3A_281 = tpu.vector_load_idx %arg16[%add3A_277, %broadcast_in_dim3A_280] : memref<2048x8xf32, #tpu.memory_space<vmem>>[vector<16xi32>, vector<16xi32>], vector<16xf32>,
          %broadcast_in_dim3A_282 = arith.constant 2 : i32
          %broadcast_in_dim3A_283 = vector.broadcast %broadcast_in_dim3A_282 : i32 to vector<16xi32>
          %gather3A_284 = tpu.vector_load_idx %arg16[%add3A_277, %broadcast_in_dim3A_283] : memref<2048x8xf32, #tpu.memory_space<vmem>>[vector<16xi32>, vector<16xi32>], vector<16xf32>,
          %broadcast_in_dim3A_285 = arith.constant 3 : i32
          %broadcast_in_dim3A_286 = vector.broadcast %broadcast_in_dim3A_285 : i32 to vector<16xi32>
          %gather3A_287 = tpu.vector_load_idx %arg16[%add3A_277, %broadcast_in_dim3A_286] : memref<2048x8xf32, #tpu.memory_space<vmem>>[vector<16xi32>, vector<16xi32>], vector<16xf32>,
          %broadcast_in_dim3A_288 = arith.constant 4 : i32
          %broadcast_in_dim3A_289 = vector.broadcast %broadcast_in_dim3A_288 : i32 to vector<16xi32>
          %gather3A_290 = tpu.vector_load_idx %arg16[%add3A_277, %broadcast_in_dim3A_289] : memref<2048x8xf32, #tpu.memory_space<vmem>>[vector<16xi32>, vector<16xi32>], vector<16xf32>,
          %broadcast_in_dim3A_291 = arith.constant 5 : i32
          %broadcast_in_dim3A_292 = vector.broadcast %broadcast_in_dim3A_291 : i32 to vector<16xi32>
          %gather3A_293 = tpu.vector_load_idx %arg16[%add3A_277, %broadcast_in_dim3A_292] : memref<2048x8xf32, #tpu.memory_space<vmem>>[vector<16xi32>, vector<16xi32>], vector<16xf32>,
          %broadcast_in_dim3A_294 = arith.constant 6 : i32
          %broadcast_in_dim3A_295 = vector.broadcast %broadcast_in_dim3A_294 : i32 to vector<16xi32>
          %gather3A_296 = tpu.vector_load_idx %arg16[%add3A_277, %broadcast_in_dim3A_295] : memref<2048x8xf32, #tpu.memory_space<vmem>>[vector<16xi32>, vector<16xi32>], vector<16xf32>,
          %broadcast_in_dim3A_297 = arith.constant 7 : i32
          %broadcast_in_dim3A_298 = vector.broadcast %broadcast_in_dim3A_297 : i32 to vector<16xi32>
          %gather3A_299 = tpu.vector_load_idx %arg16[%add3A_277, %broadcast_in_dim3A_298] : memref<2048x8xf32, #tpu.memory_space<vmem>>[vector<16xi32>, vector<16xi32>], vector<16xf32>,
          %get3A = arith.index_cast %mul3A_275 : i32 to index
          %get3A_300 = tpu.vector_load %arg12[%get3A] {strides = array<i32>} : memref<2048xf32, #tpu.memory_space<vmem>>, vector<16xf32>,
          %get3A_301 = arith.index_cast %mul3A_275 : i32 to index
          %get3A_302 = tpu.vector_load %arg14[%get3A_301] {strides = array<i32>} : memref<2048xf32, #tpu.memory_space<vmem>>, vector<16xf32>,
          %sub3A_303 = arith.subf %gather3A_284, %gather3A : vector<16xf32>
          %mul3A_304 = arith.mulf %get3A_300, %sub3A_303 : vector<16xf32>
          %add3A_305 = arith.addf %gather3A, %mul3A_304 : vector<16xf32>
          %sub3A_306 = arith.subf %gather3A_287, %gather3A_281 : vector<16xf32>
          %mul3A_307 = arith.mulf %get3A_300, %sub3A_306 : vector<16xf32>
          %add3A_308 = arith.addf %gather3A_281, %mul3A_307 : vector<16xf32>
          %sub3A_309 = arith.subf %gather3A_296, %gather3A_290 : vector<16xf32>
          %mul3A_310 = arith.mulf %get3A_300, %sub3A_309 : vector<16xf32>
          %add3A_311 = arith.addf %gather3A_290, %mul3A_310 : vector<16xf32>
          %sub3A_312 = arith.subf %gather3A_299, %gather3A_293 : vector<16xf32>
          %mul3A_313 = arith.mulf %get3A_300, %sub3A_312 : vector<16xf32>
          %add3A_314 = arith.addf %gather3A_293, %mul3A_313 : vector<16xf32>
          %sub3A_315 = arith.subf %add3A_311, %add3A_305 : vector<16xf32>
          %mul3A_316 = arith.mulf %get3A_302, %sub3A_315 : vector<16xf32>
          %add3A_317 = arith.addf %add3A_305, %mul3A_316 : vector<16xf32>
          %swap3A = arith.index_cast %mul3A_275 : i32 to index
          %swap3A_318 = tpu.vector_load %arg18[%swap3A] {strides = array<i32>} : memref<2048xf32, #tpu.memory_space<vmem>>, vector<16xf32>,
          tpu.vector_store %arg18[%swap3A], %add3A_317 {strides = array<i32>} : memref<2048xf32, #tpu.memory_space<vmem>>, vector<16xf32>,
          %sub3A_319 = arith.subf %add3A_314, %add3A_308 : vector<16xf32>
          %mul3A_320 = arith.mulf %get3A_302, %sub3A_319 : vector<16xf32>
          %add3A_321 = arith.addf %add3A_308, %mul3A_320 : vector<16xf32>
          %swap3A_322 = arith.index_cast %mul3A_275 : i32 to index
          %swap3A_323 = tpu.vector_load %arg20[%swap3A_322] {strides = array<i32>} : memref<2048xf32, #tpu.memory_space<vmem>>, vector<16xf32>,
          tpu.vector_store %arg20[%swap3A_322], %add3A_321 {strides = array<i32>} : memref<2048xf32, #tpu.memory_space<vmem>>, vector<16xf32>,
          %scan3A_324 = arith.constant 1 : i32
          %scan3A_325 = arith.addi %scan3A_273, %scan3A_324 : i32
          %mul3A_326 = arith.constant 16 : i32
          %mul3A_327 = arith.muli %scan3A_325, %mul3A_326 : i32
          %add3A_328 = vector.broadcast %mul3A_327 : i32 to vector<16xi32>
          %add3A_329 = arith.addi %iota3A, %add3A_328 : vector<16xi32>
          %broadcast_in_dim3A_330 = arith.constant 0 : i32
          %broadcast_in_dim3A_331 = vector.broadcast %broadcast_in_dim3A_330 : i32 to vector<16xi32>
          %gather3A_332 = tpu.vector_load_idx %arg16[%add3A_329, %broadcast_in_dim3A_331] : memref<2048x8xf32, #tpu.memory_space<vmem>>[vector<16xi32>, vector<16xi32>], vector<16xf32>,
          %broadcast_in_dim3A_333 = arith.constant 1 : i32
          %broadcast_in_dim3A_334 = vector.broadcast %broadcast_in_dim3A_333 : i32 to vector<16xi32>
          %gather3A_335 = tpu.vector_load_idx %arg16[%add3A_329, %broadcast_in_dim3A_334] : memref<2048x8xf32, #tpu.memory_space<vmem>>[vector<16xi32>, vector<16xi32>], vector<16xf32>,
          %broadcast_in_dim3A_336 = arith.constant 2 : i32
          %broadcast_in_dim3A_337 = vector.broadcast %broadcast_in_dim3A_336 : i32 to vector<16xi32>
          %gather3A_338 = tpu.vector_load_idx %arg16[%add3A_329, %broadcast_in_dim3A_337] : memref<2048x8xf32, #tpu.memory_space<vmem>>[vector<16xi32>, vector<16xi32>], vector<16xf32>,
          %broadcast_in_dim3A_339 = arith.constant 3 : i32
          %broadcast_in_dim3A_340 = vector.broadcast %broadcast_in_dim3A_339 : i32 to vector<16xi32>
          %gather3A_341 = tpu.vector_load_idx %arg16[%add3A_329, %broadcast_in_dim3A_340] : memref<2048x8xf32, #tpu.memory_space<vmem>>[vector<16xi32>, vector<16xi32>], vector<16xf32>,
          %broadcast_in_dim3A_342 = arith.constant 4 : i32
          %broadcast_in_dim3A_343 = vector.broadcast %broadcast_in_dim3A_342 : i32 to vector<16xi32>
          %gather3A_344 = tpu.vector_load_idx %arg16[%add3A_329, %broadcast_in_dim3A_343] : memref<2048x8xf32, #tpu.memory_space<vmem>>[vector<16xi32>, vector<16xi32>], vector<16xf32>,
          %broadcast_in_dim3A_345 = arith.constant 5 : i32
          %broadcast_in_dim3A_346 = vector.broadcast %broadcast_in_dim3A_345 : i32 to vector<16xi32>
          %gather3A_347 = tpu.vector_load_idx %arg16[%add3A_329, %broadcast_in_dim3A_346] : memref<2048x8xf32, #tpu.memory_space<vmem>>[vector<16xi32>, vector<16xi32>], vector<16xf32>,
          %broadcast_in_dim3A_348 = arith.constant 6 : i32
          %broadcast_in_dim3A_349 = vector.broadcast %broadcast_in_dim3A_348 : i32 to vector<16xi32>
          %gather3A_350 = tpu.vector_load_idx %arg16[%add3A_329, %broadcast_in_dim3A_349] : memref<2048x8xf32, #tpu.memory_space<vmem>>[vector<16xi32>, vector<16xi32>], vector<16xf32>,
          %broadcast_in_dim3A_351 = arith.constant 7 : i32
          %broadcast_in_dim3A_352 = vector.broadcast %broadcast_in_dim3A_351 : i32 to vector<16xi32>
          %gather3A_353 = tpu.vector_load_idx %arg16[%add3A_329, %broadcast_in_dim3A_352] : memref<2048x8xf32, #tpu.memory_space<vmem>>[vector<16xi32>, vector<16xi32>], vector<16xf32>,
          %get3A_354 = arith.index_cast %mul3A_327 : i32 to index
          %get3A_355 = tpu.vector_load %arg12[%get3A_354] {strides = array<i32>} : memref<2048xf32, #tpu.memory_space<vmem>>, vector<16xf32>,
          %get3A_356 = arith.index_cast %mul3A_327 : i32 to index
          %get3A_357 = tpu.vector_load %arg14[%get3A_356] {strides = array<i32>} : memref<2048xf32, #tpu.memory_space<vmem>>, vector<16xf32>,
          %sub3A_358 = arith.subf %gather3A_338, %gather3A_332 : vector<16xf32>
          %mul3A_359 = arith.mulf %get3A_355, %sub3A_358 : vector<16xf32>
          %add3A_360 = arith.addf %gather3A_332, %mul3A_359 : vector<16xf32>
          %sub3A_361 = arith.subf %gather3A_341, %gather3A_335 : vector<16xf32>
          %mul3A_362 = arith.mulf %get3A_355, %sub3A_361 : vector<16xf32>
          %add3A_363 = arith.addf %gather3A_335, %mul3A_362 : vector<16xf32>
          %sub3A_364 = arith.subf %gather3A_350, %gather3A_344 : vector<16xf32>
          %mul3A_365 = arith.mulf %get3A_355, %sub3A_364 : vector<16xf32>
          %add3A_366 = arith.addf %gather3A_344, %mul3A_365 : vector<16xf32>
          %sub3A_367 = arith.subf %gather3A_353, %gather3A_347 : vector<16xf32>
          %mul3A_368 = arith.mulf %get3A_355, %sub3A_367 : vector<16xf32>
          %add3A_369 = arith.addf %gather3A_347, %mul3A_368 : vector<16xf32>
          %sub3A_370 = arith.subf %add3A_366, %add3A_360 : vector<16xf32>
          %mul3A_371 = arith.mulf %get3A_357, %sub3A_370 : vector<16xf32>
          %add3A_372 = arith.addf %add3A_360, %mul3A_371 : vector<16xf32>
          %swap3A_373 = arith.index_cast %mul3A_327 : i32 to index
          %swap3A_374 = tpu.vector_load %arg18[%swap3A_373] {strides = array<i32>} : memref<2048xf32, #tpu.memory_space<vmem>>, vector<16xf32>,
          tpu.vector_store %arg18[%swap3A_373], %add3A_372 {strides = array<i32>} : memref<2048xf32, #tpu.memory_space<vmem>>, vector<16xf32>,
          %sub3A_375 = arith.subf %add3A_369, %add3A_363 : vector<16xf32>
          %mul3A_376 = arith.mulf %get3A_357, %sub3A_375 : vector<16xf32>
          %add3A_377 = arith.addf %add3A_363, %mul3A_376 : vector<16xf32>
          %swap3A_378 = arith.index_cast %mul3A_327 : i32 to index
          %swap3A_379 = tpu.vector_load %arg20[%swap3A_378] {strides = array<i32>} : memref<2048xf32, #tpu.memory_space<vmem>>, vector<16xf32>,
          tpu.vector_store %arg20[%swap3A_378], %add3A_377 {strides = array<i32>} : memref<2048xf32, #tpu.memory_space<vmem>>, vector<16xf32>,
          %scan3A_380 = arith.constant 2 : i32
          %scan3A_381 = arith.addi %scan3A_273, %scan3A_380 : i32
          %mul3A_382 = arith.constant 16 : i32
          %mul3A_383 = arith.muli %scan3A_381, %mul3A_382 : i32
          %add3A_384 = vector.broadcast %mul3A_383 : i32 to vector<16xi32>
          %add3A_385 = arith.addi %iota3A, %add3A_384 : vector<16xi32>
          %broadcast_in_dim3A_386 = arith.constant 0 : i32
          %broadcast_in_dim3A_387 = vector.broadcast %broadcast_in_dim3A_386 : i32 to vector<16xi32>
          %gather3A_388 = tpu.vector_load_idx %arg16[%add3A_385, %broadcast_in_dim3A_387] : memref<2048x8xf32, #tpu.memory_space<vmem>>[vector<16xi32>, vector<16xi32>], vector<16xf32>,
          %broadcast_in_dim3A_389 = arith.constant 1 : i32
          %broadcast_in_dim3A_390 = vector.broadcast %broadcast_in_dim3A_389 : i32 to vector<16xi32>
          %gather3A_391 = tpu.vector_load_idx %arg16[%add3A_385, %broadcast_in_dim3A_390] : memref<2048x8xf32, #tpu.memory_space<vmem>>[vector<16xi32>, vector<16xi32>], vector<16xf32>,
          %broadcast_in_dim3A_392 = arith.constant 2 : i32
          %broadcast_in_dim3A_393 = vector.broadcast %broadcast_in_dim3A_392 : i32 to vector<16xi32>
          %gather3A_394 = tpu.vector_load_idx %arg16[%add3A_385, %broadcast_in_dim3A_393] : memref<2048x8xf32, #tpu.memory_space<vmem>>[vector<16xi32>, vector<16xi32>], vector<16xf32>,
          %broadcast_in_dim3A_395 = arith.constant 3 : i32
          %broadcast_in_dim3A_396 = vector.broadcast %broadcast_in_dim3A_395 : i32 to vector<16xi32>
          %gather3A_397 = tpu.vector_load_idx %arg16[%add3A_385, %broadcast_in_dim3A_396] : memref<2048x8xf32, #tpu.memory_space<vmem>>[vector<16xi32>, vector<16xi32>], vector<16xf32>,
          %broadcast_in_dim3A_398 = arith.constant 4 : i32
          %broadcast_in_dim3A_399 = vector.broadcast %broadcast_in_dim3A_398 : i32 to vector<16xi32>
          %gather3A_400 = tpu.vector_load_idx %arg16[%add3A_385, %broadcast_in_dim3A_399] : memref<2048x8xf32, #tpu.memory_space<vmem>>[vector<16xi32>, vector<16xi32>], vector<16xf32>,
          %broadcast_in_dim3A_401 = arith.constant 5 : i32
          %broadcast_in_dim3A_402 = vector.broadcast %broadcast_in_dim3A_401 : i32 to vector<16xi32>
          %gather3A_403 = tpu.vector_load_idx %arg16[%add3A_385, %broadcast_in_dim3A_402] : memref<2048x8xf32, #tpu.memory_space<vmem>>[vector<16xi32>, vector<16xi32>], vector<16xf32>,
          %broadcast_in_dim3A_404 = arith.constant 6 : i32
          %broadcast_in_dim3A_405 = vector.broadcast %broadcast_in_dim3A_404 : i32 to vector<16xi32>
          %gather3A_406 = tpu.vector_load_idx %arg16[%add3A_385, %broadcast_in_dim3A_405] : memref<2048x8xf32, #tpu.memory_space<vmem>>[vector<16xi32>, vector<16xi32>], vector<16xf32>,
          %broadcast_in_dim3A_407 = arith.constant 7 : i32
          %broadcast_in_dim3A_408 = vector.broadcast %broadcast_in_dim3A_407 : i32 to vector<16xi32>
          %gather3A_409 = tpu.vector_load_idx %arg16[%add3A_385, %broadcast_in_dim3A_408] : memref<2048x8xf32, #tpu.memory_space<vmem>>[vector<16xi32>, vector<16xi32>], vector<16xf32>,
          %get3A_410 = arith.index_cast %mul3A_383 : i32 to index
          %get3A_411 = tpu.vector_load %arg12[%get3A_410] {strides = array<i32>} : memref<2048xf32, #tpu.memory_space<vmem>>, vector<16xf32>,
          %get3A_412 = arith.index_cast %mul3A_383 : i32 to index
          %get3A_413 = tpu.vector_load %arg14[%get3A_412] {strides = array<i32>} : memref<2048xf32, #tpu.memory_space<vmem>>, vector<16xf32>,
          %sub3A_414 = arith.subf %gather3A_394, %gather3A_388 : vector<16xf32>
          %mul3A_415 = arith.mulf %get3A_411, %sub3A_414 : vector<16xf32>
          %add3A_416 = arith.addf %gather3A_388, %mul3A_415 : vector<16xf32>
          %sub3A_417 = arith.subf %gather3A_397, %gather3A_391 : vector<16xf32>
          %mul3A_418 = arith.mulf %get3A_411, %sub3A_417 : vector<16xf32>
          %add3A_419 = arith.addf %gather3A_391, %mul3A_418 : vector<16xf32>
          %sub3A_420 = arith.subf %gather3A_406, %gather3A_400 : vector<16xf32>
          %mul3A_421 = arith.mulf %get3A_411, %sub3A_420 : vector<16xf32>
          %add3A_422 = arith.addf %gather3A_400, %mul3A_421 : vector<16xf32>
          %sub3A_423 = arith.subf %gather3A_409, %gather3A_403 : vector<16xf32>
          %mul3A_424 = arith.mulf %get3A_411, %sub3A_423 : vector<16xf32>
          %add3A_425 = arith.addf %gather3A_403, %mul3A_424 : vector<16xf32>
          %sub3A_426 = arith.subf %add3A_422, %add3A_416 : vector<16xf32>
          %mul3A_427 = arith.mulf %get3A_413, %sub3A_426 : vector<16xf32>
          %add3A_428 = arith.addf %add3A_416, %mul3A_427 : vector<16xf32>
          %swap3A_429 = arith.index_cast %mul3A_383 : i32 to index
          %swap3A_430 = tpu.vector_load %arg18[%swap3A_429] {strides = array<i32>} : memref<2048xf32, #tpu.memory_space<vmem>>, vector<16xf32>,
          tpu.vector_store %arg18[%swap3A_429], %add3A_428 {strides = array<i32>} : memref<2048xf32, #tpu.memory_space<vmem>>, vector<16xf32>,
          %sub3A_431 = arith.subf %add3A_425, %add3A_419 : vector<16xf32>
          %mul3A_432 = arith.mulf %get3A_413, %sub3A_431 : vector<16xf32>
          %add3A_433 = arith.addf %add3A_419, %mul3A_432 : vector<16xf32>
          %swap3A_434 = arith.index_cast %mul3A_383 : i32 to index
          %swap3A_435 = tpu.vector_load %arg20[%swap3A_434] {strides = array<i32>} : memref<2048xf32, #tpu.memory_space<vmem>>, vector<16xf32>,
          tpu.vector_store %arg20[%swap3A_434], %add3A_433 {strides = array<i32>} : memref<2048xf32, #tpu.memory_space<vmem>>, vector<16xf32>,
          %scan3A_436 = arith.constant 3 : i32
          %scan3A_437 = arith.addi %scan3A_273, %scan3A_436 : i32
          %mul3A_438 = arith.constant 16 : i32
          %mul3A_439 = arith.muli %scan3A_437, %mul3A_438 : i32
          %add3A_440 = vector.broadcast %mul3A_439 : i32 to vector<16xi32>
          %add3A_441 = arith.addi %iota3A, %add3A_440 : vector<16xi32>
          %broadcast_in_dim3A_442 = arith.constant 0 : i32
          %broadcast_in_dim3A_443 = vector.broadcast %broadcast_in_dim3A_442 : i32 to vector<16xi32>
          %gather3A_444 = tpu.vector_load_idx %arg16[%add3A_441, %broadcast_in_dim3A_443] : memref<2048x8xf32, #tpu.memory_space<vmem>>[vector<16xi32>, vector<16xi32>], vector<16xf32>,
          %broadcast_in_dim3A_445 = arith.constant 1 : i32
          %broadcast_in_dim3A_446 = vector.broadcast %broadcast_in_dim3A_445 : i32 to vector<16xi32>
          %gather3A_447 = tpu.vector_load_idx %arg16[%add3A_441, %broadcast_in_dim3A_446] : memref<2048x8xf32, #tpu.memory_space<vmem>>[vector<16xi32>, vector<16xi32>], vector<16xf32>,
          %broadcast_in_dim3A_448 = arith.constant 2 : i32
          %broadcast_in_dim3A_449 = vector.broadcast %broadcast_in_dim3A_448 : i32 to vector<16xi32>
          %gather3A_450 = tpu.vector_load_idx %arg16[%add3A_441, %broadcast_in_dim3A_449] : memref<2048x8xf32, #tpu.memory_space<vmem>>[vector<16xi32>, vector<16xi32>], vector<16xf32>,
          %broadcast_in_dim3A_451 = arith.constant 3 : i32
          %broadcast_in_dim3A_452 = vector.broadcast %broadcast_in_dim3A_451 : i32 to vector<16xi32>
          %gather3A_453 = tpu.vector_load_idx %arg16[%add3A_441, %broadcast_in_dim3A_452] : memref<2048x8xf32, #tpu.memory_space<vmem>>[vector<16xi32>, vector<16xi32>], vector<16xf32>,
          %broadcast_in_dim3A_454 = arith.constant 4 : i32
          %broadcast_in_dim3A_455 = vector.broadcast %broadcast_in_dim3A_454 : i32 to vector<16xi32>
          %gather3A_456 = tpu.vector_load_idx %arg16[%add3A_441, %broadcast_in_dim3A_455] : memref<2048x8xf32, #tpu.memory_space<vmem>>[vector<16xi32>, vector<16xi32>], vector<16xf32>,
          %broadcast_in_dim3A_457 = arith.constant 5 : i32
          %broadcast_in_dim3A_458 = vector.broadcast %broadcast_in_dim3A_457 : i32 to vector<16xi32>
          %gather3A_459 = tpu.vector_load_idx %arg16[%add3A_441, %broadcast_in_dim3A_458] : memref<2048x8xf32, #tpu.memory_space<vmem>>[vector<16xi32>, vector<16xi32>], vector<16xf32>,
          %broadcast_in_dim3A_460 = arith.constant 6 : i32
          %broadcast_in_dim3A_461 = vector.broadcast %broadcast_in_dim3A_460 : i32 to vector<16xi32>
          %gather3A_462 = tpu.vector_load_idx %arg16[%add3A_441, %broadcast_in_dim3A_461] : memref<2048x8xf32, #tpu.memory_space<vmem>>[vector<16xi32>, vector<16xi32>], vector<16xf32>,
          %broadcast_in_dim3A_463 = arith.constant 7 : i32
          %broadcast_in_dim3A_464 = vector.broadcast %broadcast_in_dim3A_463 : i32 to vector<16xi32>
          %gather3A_465 = tpu.vector_load_idx %arg16[%add3A_441, %broadcast_in_dim3A_464] : memref<2048x8xf32, #tpu.memory_space<vmem>>[vector<16xi32>, vector<16xi32>], vector<16xf32>,
          %get3A_466 = arith.index_cast %mul3A_439 : i32 to index
          %get3A_467 = tpu.vector_load %arg12[%get3A_466] {strides = array<i32>} : memref<2048xf32, #tpu.memory_space<vmem>>, vector<16xf32>,
          %get3A_468 = arith.index_cast %mul3A_439 : i32 to index
          %get3A_469 = tpu.vector_load %arg14[%get3A_468] {strides = array<i32>} : memref<2048xf32, #tpu.memory_space<vmem>>, vector<16xf32>,
          %sub3A_470 = arith.subf %gather3A_450, %gather3A_444 : vector<16xf32>
          %mul3A_471 = arith.mulf %get3A_467, %sub3A_470 : vector<16xf32>
          %add3A_472 = arith.addf %gather3A_444, %mul3A_471 : vector<16xf32>
          %sub3A_473 = arith.subf %gather3A_453, %gather3A_447 : vector<16xf32>
          %mul3A_474 = arith.mulf %get3A_467, %sub3A_473 : vector<16xf32>
          %add3A_475 = arith.addf %gather3A_447, %mul3A_474 : vector<16xf32>
          %sub3A_476 = arith.subf %gather3A_462, %gather3A_456 : vector<16xf32>
          %mul3A_477 = arith.mulf %get3A_467, %sub3A_476 : vector<16xf32>
          %add3A_478 = arith.addf %gather3A_456, %mul3A_477 : vector<16xf32>
          %sub3A_479 = arith.subf %gather3A_465, %gather3A_459 : vector<16xf32>
          %mul3A_480 = arith.mulf %get3A_467, %sub3A_479 : vector<16xf32>
          %add3A_481 = arith.addf %gather3A_459, %mul3A_480 : vector<16xf32>
          %sub3A_482 = arith.subf %add3A_478, %add3A_472 : vector<16xf32>
          %mul3A_483 = arith.mulf %get3A_469, %sub3A_482 : vector<16xf32>
          %add3A_484 = arith.addf %add3A_472, %mul3A_483 : vector<16xf32>
          %swap3A_485 = arith.index_cast %mul3A_439 : i32 to index
          %swap3A_486 = tpu.vector_load %arg18[%swap3A_485] {strides = array<i32>} : memref<2048xf32, #tpu.memory_space<vmem>>, vector<16xf32>,
          tpu.vector_store %arg18[%swap3A_485], %add3A_484 {strides = array<i32>} : memref<2048xf32, #tpu.memory_space<vmem>>, vector<16xf32>,
          %sub3A_487 = arith.subf %add3A_481, %add3A_475 : vector<16xf32>
          %mul3A_488 = arith.mulf %get3A_469, %sub3A_487 : vector<16xf32>
          %add3A_489 = arith.addf %add3A_475, %mul3A_488 : vector<16xf32>
          %swap3A_490 = arith.index_cast %mul3A_439 : i32 to index
          %swap3A_491 = tpu.vector_load %arg20[%swap3A_490] {strides = array<i32>} : memref<2048xf32, #tpu.memory_space<vmem>>, vector<16xf32>,
          tpu.vector_store %arg20[%swap3A_490], %add3A_489 {strides = array<i32>} : memref<2048xf32, #tpu.memory_space<vmem>>, vector<16xf32>,
        }
        %scan3A_231 = arith.constant 128 : i32
        %add3A_232 = arith.addi %mul3A_2, %mul3A_94 : i32
        %sub3A_233 = arith.constant 1 : i32
        %sub3A_234 = arith.subi %add3A_232, %sub3A_233 : i32
        %jit3A_235 = arith.constant 8 : i32
        %div3A_236 = arith.divsi %sub3A_234, %jit3A_235 : i32
        %sign3A_237 = arith.constant 0 : i32
        %sign3A_238 = arith.cmpi sgt, %sub3A_234, %sign3A_237 : i32
        %sign3A_239 = arith.extui %sign3A_238 : i1 to i32
        %sign3A_240 = arith.constant 0 : i32
        %sign3A_241 = arith.cmpi slt, %sub3A_234, %sign3A_240 : i32
        %sign3A_242 = arith.extui %sign3A_241 : i1 to i32
        %sign3A_243 = arith.subi %sign3A_239, %sign3A_242 : i32
        %sign3A_244 = arith.constant 0 : i32
        %sign3A_245 = arith.cmpi sgt, %jit3A_235, %sign3A_244 : i32
        %sign3A_246 = arith.extui %sign3A_245 : i1 to i32
        %sign3A_247 = arith.constant 0 : i32
        %sign3A_248 = arith.cmpi slt, %jit3A_235, %sign3A_247 : i32
        %sign3A_249 = arith.extui %sign3A_248 : i1 to i32
        %sign3A_250 = arith.subi %sign3A_246, %sign3A_249 : i32
        %ne3A_251 = arith.cmpi ne, %sign3A_243, %sign3A_250 : i32
        %rem3A_252 = arith.remsi %sub3A_234, %jit3A_235 : i32
        %ne3A_253 = arith.constant 0 : i32
        %ne3A_254 = arith.cmpi ne, %rem3A_252, %ne3A_253 : i32
        %and3A_255 = arith.andi %ne3A_251, %ne3A_254 : i1
        %sub3A_256 = arith.constant 1 : i32
        %sub3A_257 = arith.subi %div3A_236, %sub3A_256 : i32
        %select_n3A_258 = arith.select %and3A_255, %sub3A_257, %div3A_236 : i32
        %mul3A_259 = arith.constant 32768 : i32
        %mul3A_260 = arith.muli %select_n3A_258, %mul3A_259 : i32
        %mul3A_261 = arith.constant 8 : i32
        %mul3A_262 = arith.muli %select_n3A_258, %mul3A_261 : i32
        %sub3A_263 = arith.subi %sub3A_234, %mul3A_262 : i32
        %mul3A_264 = arith.constant 2048 : i32
        %mul3A_265 = arith.muli %sub3A_263, %mul3A_264 : i32
        %add3A_266 = arith.addi %mul3A_260, %mul3A_265 : i32
        %dma_start3A_267 = tpu.memref_slice %arg4[%add3A_266] : memref<6553600xf32, #tpu.memory_space<hbm>> -> memref<2048xf32, #tpu.memory_space<hbm>>
        %dma_start3A_268 = tpu.memref_slice %arg4[%add3A_266] : memref<6553600xf32, #tpu.memory_space<hbm>> -> memref<2048xf32, #tpu.memory_space<hbm>>
        tpu.enqueue_dma source(%arg18 : memref<2048xf32, #tpu.memory_space<vmem>>) target(%dma_start3A_268 : memref<2048xf32, #tpu.memory_space<hbm>>) target_semaphore(%arg23 : memref<!tpu.dma_semaphore, #tpu.memory_space<semaphore_mem>>)
        %add3A_269 = arith.constant 16384 : i32
        %add3A_270 = arith.addi %add3A_266, %add3A_269 : i32
        %dma_start3A_271 = tpu.memref_slice %arg4[%add3A_270] : memref<6553600xf32, #tpu.memory_space<hbm>> -> memref<2048xf32, #tpu.memory_space<hbm>>
        %dma_start3A_272 = tpu.memref_slice %arg4[%add3A_270] : memref<6553600xf32, #tpu.memory_space<hbm>> -> memref<2048xf32, #tpu.memory_space<hbm>>
        tpu.enqueue_dma source(%arg20 : memref<2048xf32, #tpu.memory_space<vmem>>) target(%dma_start3A_272 : memref<2048xf32, #tpu.memory_space<hbm>>) target_semaphore(%arg23 : memref<!tpu.dma_semaphore, #tpu.memory_space<semaphore_mem>>)
      } else {
      }
      %dma_wait3A_151 = arith.constant 0 : i32
      %dma_wait3A_152 = arith.constant 0 : i32
      %dma_wait3A_153 = tpu.memref_slice %arg3[%dma_wait3A_151, %dma_wait3A_152] : memref<1048576x8xf32, #tpu.memory_space<hbm>> -> memref<1048576x8xf32, #tpu.memory_space<hbm>>
      tpu.wait_indirect_dma semaphore(%arg22 : memref<!tpu.dma_semaphore, #tpu.memory_space<semaphore_mem>>) src(%dma_wait3A_153 : memref<1048576x8xf32, #tpu.memory_space<hbm>>) dst(%arg15 : memref<2048x8xf32, #tpu.memory_space<vmem>>)
      %mul3A_154 = arith.constant 2 : i32
      %mul3A_155 = arith.muli %scan3A_92, %mul3A_154 : i32
      %add3A_156 = arith.constant 1 : i32
      %add3A_157 = arith.addi %mul3A_155, %add3A_156 : i32
      %add3A_158 = arith.addi %mul3A_2, %add3A_157 : i32
      %jit3A_159 = arith.constant 8 : i32
      %div3A_160 = arith.divsi %add3A_158, %jit3A_159 : i32
      %sign3A_161 = arith.constant 0 : i32
      %sign3A_162 = arith.cmpi sgt, %add3A_158, %sign3A_161 : i32
      %sign3A_163 = arith.extui %sign3A_162 : i1 to i32
      %sign3A_164 = arith.constant 0 : i32
      %sign3A_165 = arith.cmpi slt, %add3A_158, %sign3A_164 : i32
      %sign3A_166 = arith.extui %sign3A_165 : i1 to i32
      %sign3A_167 = arith.subi %sign3A_163, %sign3A_166 : i32
      %sign3A_168 = arith.constant 0 : i32
      %sign3A_169 = arith.cmpi sgt, %jit3A_159, %sign3A_168 : i32
      %sign3A_170 = arith.extui %sign3A_169 : i1 to i32
      %sign3A_171 = arith.constant 0 : i32
      %sign3A_172 = arith.cmpi slt, %jit3A_159, %sign3A_171 : i32
      %sign3A_173 = arith.extui %sign3A_172 : i1 to i32
      %sign3A_174 = arith.subi %sign3A_170, %sign3A_173 : i32
      %ne3A_175 = arith.cmpi ne, %sign3A_167, %sign3A_174 : i32
      %rem3A_176 = arith.remsi %add3A_158, %jit3A_159 : i32
      %ne3A_177 = arith.constant 0 : i32
      %ne3A_178 = arith.cmpi ne, %rem3A_176, %ne3A_177 : i32
      %and3A_179 = arith.andi %ne3A_175, %ne3A_178 : i1
      %sub3A_180 = arith.constant 1 : i32
      %sub3A_181 = arith.subi %div3A_160, %sub3A_180 : i32
      %select_n3A_182 = arith.select %and3A_179, %sub3A_181, %div3A_160 : i32
      %mul3A_183 = arith.constant 32768 : i32
      %mul3A_184 = arith.muli %select_n3A_182, %mul3A_183 : i32
      %mul3A_185 = arith.constant 8 : i32
      %mul3A_186 = arith.muli %select_n3A_182, %mul3A_185 : i32
      %sub3A_187 = arith.subi %add3A_158, %mul3A_186 : i32
      %mul3A_188 = arith.constant 2048 : i32
      %mul3A_189 = arith.muli %sub3A_187, %mul3A_188 : i32
      %add3A_190 = arith.addi %mul3A_184, %mul3A_189 : i32
      %add3A_191 = arith.constant 1 : i32
      %add3A_192 = arith.addi %add3A_157, %add3A_191 : i32
      %lt3A_193 = arith.constant 50 : i32
      %lt3A_194 = arith.cmpi slt, %add3A_192, %lt3A_193 : i32
      %convert_element_type3A_195 = arith.extui %lt3A_194 : i1 to i32
      %cond3A_196 = arith.constant 0 : i32
      %cond3A_197 = arith.cmpi ne, %convert_element_type3A_195, %cond3A_196 : i32
      scf.if %cond3A_197 {
        %add3A_221 = arith.addi %mul3A_2, %add3A_157 : i32
        %add3A_222 = arith.constant 1 : i32
        %add3A_223 = arith.addi %add3A_221, %add3A_222 : i32
        %jit3A_224 = arith.constant 8 : i32
        %div3A_225 = arith.divsi %add3A_223, %jit3A_224 : i32
        %sign3A_226 = arith.constant 0 : i32
        %sign3A_227 = arith.cmpi sgt, %add3A_223, %sign3A_226 : i32
        %sign3A_228 = arith.extui %sign3A_227 : i1 to i32
        %sign3A_229 = arith.constant 0 : i32
        %sign3A_230 = arith.cmpi slt, %add3A_223, %sign3A_229 : i32
        %sign3A_231 = arith.extui %sign3A_230 : i1 to i32
        %sign3A_232 = arith.subi %sign3A_228, %sign3A_231 : i32
        %sign3A_233 = arith.constant 0 : i32
        %sign3A_234 = arith.cmpi sgt, %jit3A_224, %sign3A_233 : i32
        %sign3A_235 = arith.extui %sign3A_234 : i1 to i32
        %sign3A_236 = arith.constant 0 : i32
        %sign3A_237 = arith.cmpi slt, %jit3A_224, %sign3A_236 : i32
        %sign3A_238 = arith.extui %sign3A_237 : i1 to i32
        %sign3A_239 = arith.subi %sign3A_235, %sign3A_238 : i32
        %ne3A_240 = arith.cmpi ne, %sign3A_232, %sign3A_239 : i32
        %rem3A_241 = arith.remsi %add3A_223, %jit3A_224 : i32
        %ne3A_242 = arith.constant 0 : i32
        %ne3A_243 = arith.cmpi ne, %rem3A_241, %ne3A_242 : i32
        %and3A_244 = arith.andi %ne3A_240, %ne3A_243 : i1
        %sub3A_245 = arith.constant 1 : i32
        %sub3A_246 = arith.subi %div3A_225, %sub3A_245 : i32
        %select_n3A_247 = arith.select %and3A_244, %sub3A_246, %div3A_225 : i32
        %mul3A_248 = arith.constant 32768 : i32
        %mul3A_249 = arith.muli %select_n3A_247, %mul3A_248 : i32
        %mul3A_250 = arith.constant 8 : i32
        %mul3A_251 = arith.muli %select_n3A_247, %mul3A_250 : i32
        %sub3A_252 = arith.subi %add3A_223, %mul3A_251 : i32
        %mul3A_253 = arith.constant 2048 : i32
        %mul3A_254 = arith.muli %sub3A_252, %mul3A_253 : i32
        %add3A_255 = arith.addi %mul3A_249, %mul3A_254 : i32
        %dma_start3A_256 = tpu.memref_slice %arg2[%add3A_255] : memref<6553600xf32, #tpu.memory_space<hbm>> -> memref<2048xf32, #tpu.memory_space<hbm>>
        %dma_start3A_257 = tpu.memref_slice %arg2[%add3A_255] : memref<6553600xf32, #tpu.memory_space<hbm>> -> memref<2048xf32, #tpu.memory_space<hbm>>
        tpu.enqueue_dma source(%dma_start3A_257 : memref<2048xf32, #tpu.memory_space<hbm>>) target(%arg5 : memref<2048xf32, #tpu.memory_space<vmem>>) target_semaphore(%arg21 : memref<!tpu.dma_semaphore, #tpu.memory_space<semaphore_mem>>)
        %add3A_258 = arith.constant 16384 : i32
        %add3A_259 = arith.addi %add3A_255, %add3A_258 : i32
        %dma_start3A_260 = tpu.memref_slice %arg2[%add3A_259] : memref<6553600xf32, #tpu.memory_space<hbm>> -> memref<2048xf32, #tpu.memory_space<hbm>>
        %dma_start3A_261 = tpu.memref_slice %arg2[%add3A_259] : memref<6553600xf32, #tpu.memory_space<hbm>> -> memref<2048xf32, #tpu.memory_space<hbm>>
        tpu.enqueue_dma source(%dma_start3A_261 : memref<2048xf32, #tpu.memory_space<hbm>>) target(%arg7 : memref<2048xf32, #tpu.memory_space<vmem>>) target_semaphore(%arg21 : memref<!tpu.dma_semaphore, #tpu.memory_space<semaphore_mem>>)
      } else {
      }
      %dma_wait3A_198 = tpu.memref_slice %arg2[%add3A_190] : memref<6553600xf32, #tpu.memory_space<hbm>> -> memref<2048xf32, #tpu.memory_space<hbm>>
      %dma_wait3A_199 = tpu.memref_slice %arg2[%add3A_190] : memref<6553600xf32, #tpu.memory_space<hbm>> -> memref<2048xf32, #tpu.memory_space<hbm>>
      tpu.wait_dma2 semaphore(%arg21 : memref<!tpu.dma_semaphore, #tpu.memory_space<semaphore_mem>>) src(%dma_wait3A_199 : memref<2048xf32, #tpu.memory_space<hbm>>) dst(%arg6 : memref<2048xf32, #tpu.memory_space<vmem>>)
      %add3A_200 = arith.constant 16384 : i32
      %add3A_201 = arith.addi %add3A_190, %add3A_200 : i32
      %dma_wait3A_202 = tpu.memref_slice %arg2[%add3A_201] : memref<6553600xf32, #tpu.memory_space<hbm>> -> memref<2048xf32, #tpu.memory_space<hbm>>
      %dma_wait3A_203 = tpu.memref_slice %arg2[%add3A_201] : memref<6553600xf32, #tpu.memory_space<hbm>> -> memref<2048xf32, #tpu.memory_space<hbm>>
      tpu.wait_dma2 semaphore(%arg21 : memref<!tpu.dma_semaphore, #tpu.memory_space<semaphore_mem>>) src(%dma_wait3A_203 : memref<2048xf32, #tpu.memory_space<hbm>>) dst(%arg8 : memref<2048xf32, #tpu.memory_space<vmem>>)
      %scan3A_204 = arith.constant 0 : i32
      %scan3A_205 = arith.constant 0 : i32
      %scan3A_206 = arith.constant 128 : i32
      %scan3A_207 = arith.addi %scan3A_205, %scan3A_206 : i32
      %scan3A_208 = arith.constant 4 : i32
      scf.for %scan3A_221 = %scan3A_205 to %scan3A_207 step %scan3A_208  : i32 {
        %mul3A_222 = arith.constant 16 : i32
        %mul3A_223 = arith.muli %scan3A_221, %mul3A_222 : i32
        %get3A = arith.index_cast %mul3A_223 : i32 to index
        %get3A_224 = tpu.vector_load %arg6[%get3A] {strides = array<i32>} : memref<2048xf32, #tpu.memory_space<vmem>>, vector<16xf32>,
        %mul3A_225 = arith.constant 16 : i32
        %mul3A_226 = arith.muli %scan3A_221, %mul3A_225 : i32
        %get3A_227 = arith.index_cast %mul3A_226 : i32 to index
        %get3A_228 = tpu.vector_load %arg8[%get3A_227] {strides = array<i32>} : memref<2048xf32, #tpu.memory_space<vmem>>, vector<16xf32>,
        %mul3A_229 = arith.constant 1.023000e+03 : f32
        %mul3A_230 = vector.broadcast %mul3A_229 : f32 to vector<16xf32>
        %mul3A_231 = arith.mulf %get3A_224, %mul3A_230 : vector<16xf32>
        %mul3A_232 = arith.constant 1.023000e+03 : f32
        %mul3A_233 = vector.broadcast %mul3A_232 : f32 to vector<16xf32>
        %mul3A_234 = arith.mulf %get3A_228, %mul3A_233 : vector<16xf32>
        %convert_element_type3A_235 = arith.fptosi %mul3A_231 : vector<16xf32> to vector<16xi32>
        %convert_element_type3A_236 = arith.fptosi %mul3A_234 : vector<16xf32> to vector<16xi32>
        %mul3A_237 = arith.constant 1024 : i32
        %mul3A_238 = vector.broadcast %mul3A_237 : i32 to vector<16xi32>
        %mul3A_239 = arith.muli %convert_element_type3A_236, %mul3A_238 : vector<16xi32>
        %add3A_240 = arith.addi %mul3A_239, %convert_element_type3A_235 : vector<16xi32>
        %mul3A_241 = arith.constant 16 : i32
        %mul3A_242 = arith.muli %scan3A_221, %mul3A_241 : i32
        %swap3A = arith.index_cast %mul3A_242 : i32 to index
        %swap3A_243 = tpu.vector_load %arg10[%swap3A] {strides = array<i32>} : memref<2048xi32, #tpu.memory_space<vmem>>, vector<16xi32>,
        tpu.vector_store %arg10[%swap3A], %add3A_240 {strides = array<i32>} : memref<2048xi32, #tpu.memory_space<vmem>>, vector<16xi32>,
        %convert_element_type3A_244 = arith.sitofp %convert_element_type3A_235 : vector<16xi32> to vector<16xf32>
        %sub3A_245 = arith.subf %mul3A_231, %convert_element_type3A_244 : vector<16xf32>
        %mul3A_246 = arith.constant 16 : i32
        %mul3A_247 = arith.muli %scan3A_221, %mul3A_246 : i32
        %swap3A_248 = arith.index_cast %mul3A_247 : i32 to index
        %swap3A_249 = tpu.vector_load %arg12[%swap3A_248] {strides = array<i32>} : memref<2048xf32, #tpu.memory_space<vmem>>, vector<16xf32>,
        tpu.vector_store %arg12[%swap3A_248], %sub3A_245 {strides = array<i32>} : memref<2048xf32, #tpu.memory_space<vmem>>, vector<16xf32>,
        %convert_element_type3A_250 = arith.sitofp %convert_element_type3A_236 : vector<16xi32> to vector<16xf32>
        %sub3A_251 = arith.subf %mul3A_234, %convert_element_type3A_250 : vector<16xf32>
        %mul3A_252 = arith.constant 16 : i32
        %mul3A_253 = arith.muli %scan3A_221, %mul3A_252 : i32
        %swap3A_254 = arith.index_cast %mul3A_253 : i32 to index
        %swap3A_255 = tpu.vector_load %arg14[%swap3A_254] {strides = array<i32>} : memref<2048xf32, #tpu.memory_space<vmem>>, vector<16xf32>,
        tpu.vector_store %arg14[%swap3A_254], %sub3A_251 {strides = array<i32>} : memref<2048xf32, #tpu.memory_space<vmem>>, vector<16xf32>,
        %scan3A_256 = arith.constant 1 : i32
        %scan3A_257 = arith.addi %scan3A_221, %scan3A_256 : i32
        %mul3A_258 = arith.constant 16 : i32
        %mul3A_259 = arith.muli %scan3A_257, %mul3A_258 : i32
        %get3A_260 = arith.index_cast %mul3A_259 : i32 to index
        %get3A_261 = tpu.vector_load %arg6[%get3A_260] {strides = array<i32>} : memref<2048xf32, #tpu.memory_space<vmem>>, vector<16xf32>,
        %mul3A_262 = arith.constant 16 : i32
        %mul3A_263 = arith.muli %scan3A_257, %mul3A_262 : i32
        %get3A_264 = arith.index_cast %mul3A_263 : i32 to index
        %get3A_265 = tpu.vector_load %arg8[%get3A_264] {strides = array<i32>} : memref<2048xf32, #tpu.memory_space<vmem>>, vector<16xf32>,
        %mul3A_266 = arith.constant 1.023000e+03 : f32
        %mul3A_267 = vector.broadcast %mul3A_266 : f32 to vector<16xf32>
        %mul3A_268 = arith.mulf %get3A_261, %mul3A_267 : vector<16xf32>
        %mul3A_269 = arith.constant 1.023000e+03 : f32
        %mul3A_270 = vector.broadcast %mul3A_269 : f32 to vector<16xf32>
        %mul3A_271 = arith.mulf %get3A_265, %mul3A_270 : vector<16xf32>
        %convert_element_type3A_272 = arith.fptosi %mul3A_268 : vector<16xf32> to vector<16xi32>
        %convert_element_type3A_273 = arith.fptosi %mul3A_271 : vector<16xf32> to vector<16xi32>
        %mul3A_274 = arith.constant 1024 : i32
        %mul3A_275 = vector.broadcast %mul3A_274 : i32 to vector<16xi32>
        %mul3A_276 = arith.muli %convert_element_type3A_273, %mul3A_275 : vector<16xi32>
        %add3A_277 = arith.addi %mul3A_276, %convert_element_type3A_272 : vector<16xi32>
        %mul3A_278 = arith.constant 16 : i32
        %mul3A_279 = arith.muli %scan3A_257, %mul3A_278 : i32
        %swap3A_280 = arith.index_cast %mul3A_279 : i32 to index
        %swap3A_281 = tpu.vector_load %arg10[%swap3A_280] {strides = array<i32>} : memref<2048xi32, #tpu.memory_space<vmem>>, vector<16xi32>,
        tpu.vector_store %arg10[%swap3A_280], %add3A_277 {strides = array<i32>} : memref<2048xi32, #tpu.memory_space<vmem>>, vector<16xi32>,
        %convert_element_type3A_282 = arith.sitofp %convert_element_type3A_272 : vector<16xi32> to vector<16xf32>
        %sub3A_283 = arith.subf %mul3A_268, %convert_element_type3A_282 : vector<16xf32>
        %mul3A_284 = arith.constant 16 : i32
        %mul3A_285 = arith.muli %scan3A_257, %mul3A_284 : i32
        %swap3A_286 = arith.index_cast %mul3A_285 : i32 to index
        %swap3A_287 = tpu.vector_load %arg12[%swap3A_286] {strides = array<i32>} : memref<2048xf32, #tpu.memory_space<vmem>>, vector<16xf32>,
        tpu.vector_store %arg12[%swap3A_286], %sub3A_283 {strides = array<i32>} : memref<2048xf32, #tpu.memory_space<vmem>>, vector<16xf32>,
        %convert_element_type3A_288 = arith.sitofp %convert_element_type3A_273 : vector<16xi32> to vector<16xf32>
        %sub3A_289 = arith.subf %mul3A_271, %convert_element_type3A_288 : vector<16xf32>
        %mul3A_290 = arith.constant 16 : i32
        %mul3A_291 = arith.muli %scan3A_257, %mul3A_290 : i32
        %swap3A_292 = arith.index_cast %mul3A_291 : i32 to index
        %swap3A_293 = tpu.vector_load %arg14[%swap3A_292] {strides = array<i32>} : memref<2048xf32, #tpu.memory_space<vmem>>, vector<16xf32>,
        tpu.vector_store %arg14[%swap3A_292], %sub3A_289 {strides = array<i32>} : memref<2048xf32, #tpu.memory_space<vmem>>, vector<16xf32>,
        %scan3A_294 = arith.constant 2 : i32
        %scan3A_295 = arith.addi %scan3A_221, %scan3A_294 : i32
        %mul3A_296 = arith.constant 16 : i32
        %mul3A_297 = arith.muli %scan3A_295, %mul3A_296 : i32
        %get3A_298 = arith.index_cast %mul3A_297 : i32 to index
        %get3A_299 = tpu.vector_load %arg6[%get3A_298] {strides = array<i32>} : memref<2048xf32, #tpu.memory_space<vmem>>, vector<16xf32>,
        %mul3A_300 = arith.constant 16 : i32
        %mul3A_301 = arith.muli %scan3A_295, %mul3A_300 : i32
        %get3A_302 = arith.index_cast %mul3A_301 : i32 to index
        %get3A_303 = tpu.vector_load %arg8[%get3A_302] {strides = array<i32>} : memref<2048xf32, #tpu.memory_space<vmem>>, vector<16xf32>,
        %mul3A_304 = arith.constant 1.023000e+03 : f32
        %mul3A_305 = vector.broadcast %mul3A_304 : f32 to vector<16xf32>
        %mul3A_306 = arith.mulf %get3A_299, %mul3A_305 : vector<16xf32>
        %mul3A_307 = arith.constant 1.023000e+03 : f32
        %mul3A_308 = vector.broadcast %mul3A_307 : f32 to vector<16xf32>
        %mul3A_309 = arith.mulf %get3A_303, %mul3A_308 : vector<16xf32>
        %convert_element_type3A_310 = arith.fptosi %mul3A_306 : vector<16xf32> to vector<16xi32>
        %convert_element_type3A_311 = arith.fptosi %mul3A_309 : vector<16xf32> to vector<16xi32>
        %mul3A_312 = arith.constant 1024 : i32
        %mul3A_313 = vector.broadcast %mul3A_312 : i32 to vector<16xi32>
        %mul3A_314 = arith.muli %convert_element_type3A_311, %mul3A_313 : vector<16xi32>
        %add3A_315 = arith.addi %mul3A_314, %convert_element_type3A_310 : vector<16xi32>
        %mul3A_316 = arith.constant 16 : i32
        %mul3A_317 = arith.muli %scan3A_295, %mul3A_316 : i32
        %swap3A_318 = arith.index_cast %mul3A_317 : i32 to index
        %swap3A_319 = tpu.vector_load %arg10[%swap3A_318] {strides = array<i32>} : memref<2048xi32, #tpu.memory_space<vmem>>, vector<16xi32>,
        tpu.vector_store %arg10[%swap3A_318], %add3A_315 {strides = array<i32>} : memref<2048xi32, #tpu.memory_space<vmem>>, vector<16xi32>,
        %convert_element_type3A_320 = arith.sitofp %convert_element_type3A_310 : vector<16xi32> to vector<16xf32>
        %sub3A_321 = arith.subf %mul3A_306, %convert_element_type3A_320 : vector<16xf32>
        %mul3A_322 = arith.constant 16 : i32
        %mul3A_323 = arith.muli %scan3A_295, %mul3A_322 : i32
        %swap3A_324 = arith.index_cast %mul3A_323 : i32 to index
        %swap3A_325 = tpu.vector_load %arg12[%swap3A_324] {strides = array<i32>} : memref<2048xf32, #tpu.memory_space<vmem>>, vector<16xf32>,
        tpu.vector_store %arg12[%swap3A_324], %sub3A_321 {strides = array<i32>} : memref<2048xf32, #tpu.memory_space<vmem>>, vector<16xf32>,
        %convert_element_type3A_326 = arith.sitofp %convert_element_type3A_311 : vector<16xi32> to vector<16xf32>
        %sub3A_327 = arith.subf %mul3A_309, %convert_element_type3A_326 : vector<16xf32>
        %mul3A_328 = arith.constant 16 : i32
        %mul3A_329 = arith.muli %scan3A_295, %mul3A_328 : i32
        %swap3A_330 = arith.index_cast %mul3A_329 : i32 to index
        %swap3A_331 = tpu.vector_load %arg14[%swap3A_330] {strides = array<i32>} : memref<2048xf32, #tpu.memory_space<vmem>>, vector<16xf32>,
        tpu.vector_store %arg14[%swap3A_330], %sub3A_327 {strides = array<i32>} : memref<2048xf32, #tpu.memory_space<vmem>>, vector<16xf32>,
        %scan3A_332 = arith.constant 3 : i32
        %scan3A_333 = arith.addi %scan3A_221, %scan3A_332 : i32
        %mul3A_334 = arith.constant 16 : i32
        %mul3A_335 = arith.muli %scan3A_333, %mul3A_334 : i32
        %get3A_336 = arith.index_cast %mul3A_335 : i32 to index
        %get3A_337 = tpu.vector_load %arg6[%get3A_336] {strides = array<i32>} : memref<2048xf32, #tpu.memory_space<vmem>>, vector<16xf32>,
        %mul3A_338 = arith.constant 16 : i32
        %mul3A_339 = arith.muli %scan3A_333, %mul3A_338 : i32
        %get3A_340 = arith.index_cast %mul3A_339 : i32 to index
        %get3A_341 = tpu.vector_load %arg8[%get3A_340] {strides = array<i32>} : memref<2048xf32, #tpu.memory_space<vmem>>, vector<16xf32>,
        %mul3A_342 = arith.constant 1.023000e+03 : f32
        %mul3A_343 = vector.broadcast %mul3A_342 : f32 to vector<16xf32>
        %mul3A_344 = arith.mulf %get3A_337, %mul3A_343 : vector<16xf32>
        %mul3A_345 = arith.constant 1.023000e+03 : f32
        %mul3A_346 = vector.broadcast %mul3A_345 : f32 to vector<16xf32>
        %mul3A_347 = arith.mulf %get3A_341, %mul3A_346 : vector<16xf32>
        %convert_element_type3A_348 = arith.fptosi %mul3A_344 : vector<16xf32> to vector<16xi32>
        %convert_element_type3A_349 = arith.fptosi %mul3A_347 : vector<16xf32> to vector<16xi32>
        %mul3A_350 = arith.constant 1024 : i32
        %mul3A_351 = vector.broadcast %mul3A_350 : i32 to vector<16xi32>
        %mul3A_352 = arith.muli %convert_element_type3A_349, %mul3A_351 : vector<16xi32>
        %add3A_353 = arith.addi %mul3A_352, %convert_element_type3A_348 : vector<16xi32>
        %mul3A_354 = arith.constant 16 : i32
        %mul3A_355 = arith.muli %scan3A_333, %mul3A_354 : i32
        %swap3A_356 = arith.index_cast %mul3A_355 : i32 to index
        %swap3A_357 = tpu.vector_load %arg10[%swap3A_356] {strides = array<i32>} : memref<2048xi32, #tpu.memory_space<vmem>>, vector<16xi32>,
        tpu.vector_store %arg10[%swap3A_356], %add3A_353 {strides = array<i32>} : memref<2048xi32, #tpu.memory_space<vmem>>, vector<16xi32>,
        %convert_element_type3A_358 = arith.sitofp %convert_element_type3A_348 : vector<16xi32> to vector<16xf32>
        %sub3A_359 = arith.subf %mul3A_344, %convert_element_type3A_358 : vector<16xf32>
        %mul3A_360 = arith.constant 16 : i32
        %mul3A_361 = arith.muli %scan3A_333, %mul3A_360 : i32
        %swap3A_362 = arith.index_cast %mul3A_361 : i32 to index
        %swap3A_363 = tpu.vector_load %arg12[%swap3A_362] {strides = array<i32>} : memref<2048xf32, #tpu.memory_space<vmem>>, vector<16xf32>,
        tpu.vector_store %arg12[%swap3A_362], %sub3A_359 {strides = array<i32>} : memref<2048xf32, #tpu.memory_space<vmem>>, vector<16xf32>,
        %convert_element_type3A_364 = arith.sitofp %convert_element_type3A_349 : vector<16xi32> to vector<16xf32>
        %sub3A_365 = arith.subf %mul3A_347, %convert_element_type3A_364 : vector<16xf32>
        %mul3A_366 = arith.constant 16 : i32
        %mul3A_367 = arith.muli %scan3A_333, %mul3A_366 : i32
        %swap3A_368 = arith.index_cast %mul3A_367 : i32 to index
        %swap3A_369 = tpu.vector_load %arg14[%swap3A_368] {strides = array<i32>} : memref<2048xf32, #tpu.memory_space<vmem>>, vector<16xf32>,
        tpu.vector_store %arg14[%swap3A_368], %sub3A_365 {strides = array<i32>} : memref<2048xf32, #tpu.memory_space<vmem>>, vector<16xf32>,
      }
      %scan3A_209 = arith.constant 128 : i32
      %dma_start3A_210 = arith.constant 0 : i32
      %dma_start3A_211 = arith.constant 0 : i32
      %dma_start3A_212 = tpu.memref_slice %arg3[%dma_start3A_210, %dma_start3A_211] : memref<1048576x8xf32, #tpu.memory_space<hbm>> -> memref<1048576x8xf32, #tpu.memory_space<hbm>>
      tpu.enqueue_indirect_dma source(%dma_start3A_212 : memref<1048576x8xf32, #tpu.memory_space<hbm>>) target(%arg16 : memref<2048x8xf32, #tpu.memory_space<vmem>>) offsets(%arg10 : memref<2048xi32, #tpu.memory_space<vmem>>) semaphore(%arg22 : memref<!tpu.dma_semaphore, #tpu.memory_space<semaphore_mem>>)
      %ge3A_213 = arith.constant 1 : i32
      %ge3A_214 = arith.cmpi sge, %add3A_157, %ge3A_213 : i32
      %convert_element_type3A_215 = arith.extui %ge3A_214 : i1 to i32
      %cond3A_216 = arith.constant 0 : i32
      %cond3A_217 = arith.cmpi ne, %convert_element_type3A_215, %cond3A_216 : i32
      scf.if %cond3A_217 {
        %ge3A_221 = arith.constant 2 : i32
        %ge3A_222 = arith.cmpi sge, %add3A_157, %ge3A_221 : i32
        %convert_element_type3A_223 = arith.extui %ge3A_222 : i1 to i32
        %cond3A_224 = arith.constant 0 : i32
        %cond3A_225 = arith.cmpi ne, %convert_element_type3A_223, %cond3A_224 : i32
        scf.if %cond3A_225 {
          %add3A_273 = arith.addi %mul3A_2, %add3A_157 : i32
          %sub3A_274 = arith.constant 2 : i32
          %sub3A_275 = arith.subi %add3A_273, %sub3A_274 : i32
          %jit3A_276 = arith.constant 8 : i32
          %div3A_277 = arith.divsi %sub3A_275, %jit3A_276 : i32
          %sign3A_278 = arith.constant 0 : i32
          %sign3A_279 = arith.cmpi sgt, %sub3A_275, %sign3A_278 : i32
          %sign3A_280 = arith.extui %sign3A_279 : i1 to i32
          %sign3A_281 = arith.constant 0 : i32
          %sign3A_282 = arith.cmpi slt, %sub3A_275, %sign3A_281 : i32
          %sign3A_283 = arith.extui %sign3A_282 : i1 to i32
          %sign3A_284 = arith.subi %sign3A_280, %sign3A_283 : i32
          %sign3A_285 = arith.constant 0 : i32
          %sign3A_286 = arith.cmpi sgt, %jit3A_276, %sign3A_285 : i32
          %sign3A_287 = arith.extui %sign3A_286 : i1 to i32
          %sign3A_288 = arith.constant 0 : i32
          %sign3A_289 = arith.cmpi slt, %jit3A_276, %sign3A_288 : i32
          %sign3A_290 = arith.extui %sign3A_289 : i1 to i32
          %sign3A_291 = arith.subi %sign3A_287, %sign3A_290 : i32
          %ne3A_292 = arith.cmpi ne, %sign3A_284, %sign3A_291 : i32
          %rem3A_293 = arith.remsi %sub3A_275, %jit3A_276 : i32
          %ne3A_294 = arith.constant 0 : i32
          %ne3A_295 = arith.cmpi ne, %rem3A_293, %ne3A_294 : i32
          %and3A_296 = arith.andi %ne3A_292, %ne3A_295 : i1
          %sub3A_297 = arith.constant 1 : i32
          %sub3A_298 = arith.subi %div3A_277, %sub3A_297 : i32
          %select_n3A_299 = arith.select %and3A_296, %sub3A_298, %div3A_277 : i32
          %mul3A_300 = arith.constant 32768 : i32
          %mul3A_301 = arith.muli %select_n3A_299, %mul3A_300 : i32
          %mul3A_302 = arith.constant 8 : i32
          %mul3A_303 = arith.muli %select_n3A_299, %mul3A_302 : i32
          %sub3A_304 = arith.subi %sub3A_275, %mul3A_303 : i32
          %mul3A_305 = arith.constant 2048 : i32
          %mul3A_306 = arith.muli %sub3A_304, %mul3A_305 : i32
          %add3A_307 = arith.addi %mul3A_301, %mul3A_306 : i32
          %dma_wait3A_308 = tpu.memref_slice %arg4[%add3A_307] : memref<6553600xf32, #tpu.memory_space<hbm>> -> memref<2048xf32, #tpu.memory_space<hbm>>
          %dma_wait3A_309 = tpu.memref_slice %arg4[%add3A_307] : memref<6553600xf32, #tpu.memory_space<hbm>> -> memref<2048xf32, #tpu.memory_space<hbm>>
          tpu.wait_dma2 semaphore(%arg23 : memref<!tpu.dma_semaphore, #tpu.memory_space<semaphore_mem>>) src(%arg18 : memref<2048xf32, #tpu.memory_space<vmem>>) dst(%dma_wait3A_309 : memref<2048xf32, #tpu.memory_space<hbm>>)
          %add3A_310 = arith.constant 16384 : i32
          %add3A_311 = arith.addi %add3A_307, %add3A_310 : i32
          %dma_wait3A_312 = tpu.memref_slice %arg4[%add3A_311] : memref<6553600xf32, #tpu.memory_space<hbm>> -> memref<2048xf32, #tpu.memory_space<hbm>>
          %dma_wait3A_313 = tpu.memref_slice %arg4[%add3A_311] : memref<6553600xf32, #tpu.memory_space<hbm>> -> memref<2048xf32, #tpu.memory_space<hbm>>
          tpu.wait_dma2 semaphore(%arg23 : memref<!tpu.dma_semaphore, #tpu.memory_space<semaphore_mem>>) src(%arg20 : memref<2048xf32, #tpu.memory_space<vmem>>) dst(%dma_wait3A_313 : memref<2048xf32, #tpu.memory_space<hbm>>)
        } else {
        }
        %scan3A_226 = arith.constant 0 : i32
        %scan3A_227 = arith.constant 0 : i32
        %scan3A_228 = arith.constant 128 : i32
        %scan3A_229 = arith.addi %scan3A_227, %scan3A_228 : i32
        %scan3A_230 = arith.constant 4 : i32
        scf.for %scan3A_273 = %scan3A_227 to %scan3A_229 step %scan3A_230  : i32 {
          %mul3A_274 = arith.constant 16 : i32
          %mul3A_275 = arith.muli %scan3A_273, %mul3A_274 : i32
          %add3A_276 = vector.broadcast %mul3A_275 : i32 to vector<16xi32>
          %add3A_277 = arith.addi %iota3A, %add3A_276 : vector<16xi32>
          %broadcast_in_dim3A = arith.constant 0 : i32
          %broadcast_in_dim3A_278 = vector.broadcast %broadcast_in_dim3A : i32 to vector<16xi32>
          %gather3A = tpu.vector_load_idx %arg15[%add3A_277, %broadcast_in_dim3A_278] : memref<2048x8xf32, #tpu.memory_space<vmem>>[vector<16xi32>, vector<16xi32>], vector<16xf32>,
          %broadcast_in_dim3A_279 = arith.constant 1 : i32
          %broadcast_in_dim3A_280 = vector.broadcast %broadcast_in_dim3A_279 : i32 to vector<16xi32>
          %gather3A_281 = tpu.vector_load_idx %arg15[%add3A_277, %broadcast_in_dim3A_280] : memref<2048x8xf32, #tpu.memory_space<vmem>>[vector<16xi32>, vector<16xi32>], vector<16xf32>,
          %broadcast_in_dim3A_282 = arith.constant 2 : i32
          %broadcast_in_dim3A_283 = vector.broadcast %broadcast_in_dim3A_282 : i32 to vector<16xi32>
          %gather3A_284 = tpu.vector_load_idx %arg15[%add3A_277, %broadcast_in_dim3A_283] : memref<2048x8xf32, #tpu.memory_space<vmem>>[vector<16xi32>, vector<16xi32>], vector<16xf32>,
          %broadcast_in_dim3A_285 = arith.constant 3 : i32
          %broadcast_in_dim3A_286 = vector.broadcast %broadcast_in_dim3A_285 : i32 to vector<16xi32>
          %gather3A_287 = tpu.vector_load_idx %arg15[%add3A_277, %broadcast_in_dim3A_286] : memref<2048x8xf32, #tpu.memory_space<vmem>>[vector<16xi32>, vector<16xi32>], vector<16xf32>,
          %broadcast_in_dim3A_288 = arith.constant 4 : i32
          %broadcast_in_dim3A_289 = vector.broadcast %broadcast_in_dim3A_288 : i32 to vector<16xi32>
          %gather3A_290 = tpu.vector_load_idx %arg15[%add3A_277, %broadcast_in_dim3A_289] : memref<2048x8xf32, #tpu.memory_space<vmem>>[vector<16xi32>, vector<16xi32>], vector<16xf32>,
          %broadcast_in_dim3A_291 = arith.constant 5 : i32
          %broadcast_in_dim3A_292 = vector.broadcast %broadcast_in_dim3A_291 : i32 to vector<16xi32>
          %gather3A_293 = tpu.vector_load_idx %arg15[%add3A_277, %broadcast_in_dim3A_292] : memref<2048x8xf32, #tpu.memory_space<vmem>>[vector<16xi32>, vector<16xi32>], vector<16xf32>,
          %broadcast_in_dim3A_294 = arith.constant 6 : i32
          %broadcast_in_dim3A_295 = vector.broadcast %broadcast_in_dim3A_294 : i32 to vector<16xi32>
          %gather3A_296 = tpu.vector_load_idx %arg15[%add3A_277, %broadcast_in_dim3A_295] : memref<2048x8xf32, #tpu.memory_space<vmem>>[vector<16xi32>, vector<16xi32>], vector<16xf32>,
          %broadcast_in_dim3A_297 = arith.constant 7 : i32
          %broadcast_in_dim3A_298 = vector.broadcast %broadcast_in_dim3A_297 : i32 to vector<16xi32>
          %gather3A_299 = tpu.vector_load_idx %arg15[%add3A_277, %broadcast_in_dim3A_298] : memref<2048x8xf32, #tpu.memory_space<vmem>>[vector<16xi32>, vector<16xi32>], vector<16xf32>,
          %get3A = arith.index_cast %mul3A_275 : i32 to index
          %get3A_300 = tpu.vector_load %arg11[%get3A] {strides = array<i32>} : memref<2048xf32, #tpu.memory_space<vmem>>, vector<16xf32>,
          %get3A_301 = arith.index_cast %mul3A_275 : i32 to index
          %get3A_302 = tpu.vector_load %arg13[%get3A_301] {strides = array<i32>} : memref<2048xf32, #tpu.memory_space<vmem>>, vector<16xf32>,
          %sub3A_303 = arith.subf %gather3A_284, %gather3A : vector<16xf32>
          %mul3A_304 = arith.mulf %get3A_300, %sub3A_303 : vector<16xf32>
          %add3A_305 = arith.addf %gather3A, %mul3A_304 : vector<16xf32>
          %sub3A_306 = arith.subf %gather3A_287, %gather3A_281 : vector<16xf32>
          %mul3A_307 = arith.mulf %get3A_300, %sub3A_306 : vector<16xf32>
          %add3A_308 = arith.addf %gather3A_281, %mul3A_307 : vector<16xf32>
          %sub3A_309 = arith.subf %gather3A_296, %gather3A_290 : vector<16xf32>
          %mul3A_310 = arith.mulf %get3A_300, %sub3A_309 : vector<16xf32>
          %add3A_311 = arith.addf %gather3A_290, %mul3A_310 : vector<16xf32>
          %sub3A_312 = arith.subf %gather3A_299, %gather3A_293 : vector<16xf32>
          %mul3A_313 = arith.mulf %get3A_300, %sub3A_312 : vector<16xf32>
          %add3A_314 = arith.addf %gather3A_293, %mul3A_313 : vector<16xf32>
          %sub3A_315 = arith.subf %add3A_311, %add3A_305 : vector<16xf32>
          %mul3A_316 = arith.mulf %get3A_302, %sub3A_315 : vector<16xf32>
          %add3A_317 = arith.addf %add3A_305, %mul3A_316 : vector<16xf32>
          %swap3A = arith.index_cast %mul3A_275 : i32 to index
          %swap3A_318 = tpu.vector_load %arg17[%swap3A] {strides = array<i32>} : memref<2048xf32, #tpu.memory_space<vmem>>, vector<16xf32>,
          tpu.vector_store %arg17[%swap3A], %add3A_317 {strides = array<i32>} : memref<2048xf32, #tpu.memory_space<vmem>>, vector<16xf32>,
          %sub3A_319 = arith.subf %add3A_314, %add3A_308 : vector<16xf32>
          %mul3A_320 = arith.mulf %get3A_302, %sub3A_319 : vector<16xf32>
          %add3A_321 = arith.addf %add3A_308, %mul3A_320 : vector<16xf32>
          %swap3A_322 = arith.index_cast %mul3A_275 : i32 to index
          %swap3A_323 = tpu.vector_load %arg19[%swap3A_322] {strides = array<i32>} : memref<2048xf32, #tpu.memory_space<vmem>>, vector<16xf32>,
          tpu.vector_store %arg19[%swap3A_322], %add3A_321 {strides = array<i32>} : memref<2048xf32, #tpu.memory_space<vmem>>, vector<16xf32>,
          %scan3A_324 = arith.constant 1 : i32
          %scan3A_325 = arith.addi %scan3A_273, %scan3A_324 : i32
          %mul3A_326 = arith.constant 16 : i32
          %mul3A_327 = arith.muli %scan3A_325, %mul3A_326 : i32
          %add3A_328 = vector.broadcast %mul3A_327 : i32 to vector<16xi32>
          %add3A_329 = arith.addi %iota3A, %add3A_328 : vector<16xi32>
          %broadcast_in_dim3A_330 = arith.constant 0 : i32
          %broadcast_in_dim3A_331 = vector.broadcast %broadcast_in_dim3A_330 : i32 to vector<16xi32>
          %gather3A_332 = tpu.vector_load_idx %arg15[%add3A_329, %broadcast_in_dim3A_331] : memref<2048x8xf32, #tpu.memory_space<vmem>>[vector<16xi32>, vector<16xi32>], vector<16xf32>,
          %broadcast_in_dim3A_333 = arith.constant 1 : i32
          %broadcast_in_dim3A_334 = vector.broadcast %broadcast_in_dim3A_333 : i32 to vector<16xi32>
          %gather3A_335 = tpu.vector_load_idx %arg15[%add3A_329, %broadcast_in_dim3A_334] : memref<2048x8xf32, #tpu.memory_space<vmem>>[vector<16xi32>, vector<16xi32>], vector<16xf32>,
          %broadcast_in_dim3A_336 = arith.constant 2 : i32
          %broadcast_in_dim3A_337 = vector.broadcast %broadcast_in_dim3A_336 : i32 to vector<16xi32>
          %gather3A_338 = tpu.vector_load_idx %arg15[%add3A_329, %broadcast_in_dim3A_337] : memref<2048x8xf32, #tpu.memory_space<vmem>>[vector<16xi32>, vector<16xi32>], vector<16xf32>,
          %broadcast_in_dim3A_339 = arith.constant 3 : i32
          %broadcast_in_dim3A_340 = vector.broadcast %broadcast_in_dim3A_339 : i32 to vector<16xi32>
          %gather3A_341 = tpu.vector_load_idx %arg15[%add3A_329, %broadcast_in_dim3A_340] : memref<2048x8xf32, #tpu.memory_space<vmem>>[vector<16xi32>, vector<16xi32>], vector<16xf32>,
          %broadcast_in_dim3A_342 = arith.constant 4 : i32
          %broadcast_in_dim3A_343 = vector.broadcast %broadcast_in_dim3A_342 : i32 to vector<16xi32>
          %gather3A_344 = tpu.vector_load_idx %arg15[%add3A_329, %broadcast_in_dim3A_343] : memref<2048x8xf32, #tpu.memory_space<vmem>>[vector<16xi32>, vector<16xi32>], vector<16xf32>,
          %broadcast_in_dim3A_345 = arith.constant 5 : i32
          %broadcast_in_dim3A_346 = vector.broadcast %broadcast_in_dim3A_345 : i32 to vector<16xi32>
          %gather3A_347 = tpu.vector_load_idx %arg15[%add3A_329, %broadcast_in_dim3A_346] : memref<2048x8xf32, #tpu.memory_space<vmem>>[vector<16xi32>, vector<16xi32>], vector<16xf32>,
          %broadcast_in_dim3A_348 = arith.constant 6 : i32
          %broadcast_in_dim3A_349 = vector.broadcast %broadcast_in_dim3A_348 : i32 to vector<16xi32>
          %gather3A_350 = tpu.vector_load_idx %arg15[%add3A_329, %broadcast_in_dim3A_349] : memref<2048x8xf32, #tpu.memory_space<vmem>>[vector<16xi32>, vector<16xi32>], vector<16xf32>,
          %broadcast_in_dim3A_351 = arith.constant 7 : i32
          %broadcast_in_dim3A_352 = vector.broadcast %broadcast_in_dim3A_351 : i32 to vector<16xi32>
          %gather3A_353 = tpu.vector_load_idx %arg15[%add3A_329, %broadcast_in_dim3A_352] : memref<2048x8xf32, #tpu.memory_space<vmem>>[vector<16xi32>, vector<16xi32>], vector<16xf32>,
          %get3A_354 = arith.index_cast %mul3A_327 : i32 to index
          %get3A_355 = tpu.vector_load %arg11[%get3A_354] {strides = array<i32>} : memref<2048xf32, #tpu.memory_space<vmem>>, vector<16xf32>,
          %get3A_356 = arith.index_cast %mul3A_327 : i32 to index
          %get3A_357 = tpu.vector_load %arg13[%get3A_356] {strides = array<i32>} : memref<2048xf32, #tpu.memory_space<vmem>>, vector<16xf32>,
          %sub3A_358 = arith.subf %gather3A_338, %gather3A_332 : vector<16xf32>
          %mul3A_359 = arith.mulf %get3A_355, %sub3A_358 : vector<16xf32>
          %add3A_360 = arith.addf %gather3A_332, %mul3A_359 : vector<16xf32>
          %sub3A_361 = arith.subf %gather3A_341, %gather3A_335 : vector<16xf32>
          %mul3A_362 = arith.mulf %get3A_355, %sub3A_361 : vector<16xf32>
          %add3A_363 = arith.addf %gather3A_335, %mul3A_362 : vector<16xf32>
          %sub3A_364 = arith.subf %gather3A_350, %gather3A_344 : vector<16xf32>
          %mul3A_365 = arith.mulf %get3A_355, %sub3A_364 : vector<16xf32>
          %add3A_366 = arith.addf %gather3A_344, %mul3A_365 : vector<16xf32>
          %sub3A_367 = arith.subf %gather3A_353, %gather3A_347 : vector<16xf32>
          %mul3A_368 = arith.mulf %get3A_355, %sub3A_367 : vector<16xf32>
          %add3A_369 = arith.addf %gather3A_347, %mul3A_368 : vector<16xf32>
          %sub3A_370 = arith.subf %add3A_366, %add3A_360 : vector<16xf32>
          %mul3A_371 = arith.mulf %get3A_357, %sub3A_370 : vector<16xf32>
          %add3A_372 = arith.addf %add3A_360, %mul3A_371 : vector<16xf32>
          %swap3A_373 = arith.index_cast %mul3A_327 : i32 to index
          %swap3A_374 = tpu.vector_load %arg17[%swap3A_373] {strides = array<i32>} : memref<2048xf32, #tpu.memory_space<vmem>>, vector<16xf32>,
          tpu.vector_store %arg17[%swap3A_373], %add3A_372 {strides = array<i32>} : memref<2048xf32, #tpu.memory_space<vmem>>, vector<16xf32>,
          %sub3A_375 = arith.subf %add3A_369, %add3A_363 : vector<16xf32>
          %mul3A_376 = arith.mulf %get3A_357, %sub3A_375 : vector<16xf32>
          %add3A_377 = arith.addf %add3A_363, %mul3A_376 : vector<16xf32>
          %swap3A_378 = arith.index_cast %mul3A_327 : i32 to index
          %swap3A_379 = tpu.vector_load %arg19[%swap3A_378] {strides = array<i32>} : memref<2048xf32, #tpu.memory_space<vmem>>, vector<16xf32>,
          tpu.vector_store %arg19[%swap3A_378], %add3A_377 {strides = array<i32>} : memref<2048xf32, #tpu.memory_space<vmem>>, vector<16xf32>,
          %scan3A_380 = arith.constant 2 : i32
          %scan3A_381 = arith.addi %scan3A_273, %scan3A_380 : i32
          %mul3A_382 = arith.constant 16 : i32
          %mul3A_383 = arith.muli %scan3A_381, %mul3A_382 : i32
          %add3A_384 = vector.broadcast %mul3A_383 : i32 to vector<16xi32>
          %add3A_385 = arith.addi %iota3A, %add3A_384 : vector<16xi32>
          %broadcast_in_dim3A_386 = arith.constant 0 : i32
          %broadcast_in_dim3A_387 = vector.broadcast %broadcast_in_dim3A_386 : i32 to vector<16xi32>
          %gather3A_388 = tpu.vector_load_idx %arg15[%add3A_385, %broadcast_in_dim3A_387] : memref<2048x8xf32, #tpu.memory_space<vmem>>[vector<16xi32>, vector<16xi32>], vector<16xf32>,
          %broadcast_in_dim3A_389 = arith.constant 1 : i32
          %broadcast_in_dim3A_390 = vector.broadcast %broadcast_in_dim3A_389 : i32 to vector<16xi32>
          %gather3A_391 = tpu.vector_load_idx %arg15[%add3A_385, %broadcast_in_dim3A_390] : memref<2048x8xf32, #tpu.memory_space<vmem>>[vector<16xi32>, vector<16xi32>], vector<16xf32>,
          %broadcast_in_dim3A_392 = arith.constant 2 : i32
          %broadcast_in_dim3A_393 = vector.broadcast %broadcast_in_dim3A_392 : i32 to vector<16xi32>
          %gather3A_394 = tpu.vector_load_idx %arg15[%add3A_385, %broadcast_in_dim3A_393] : memref<2048x8xf32, #tpu.memory_space<vmem>>[vector<16xi32>, vector<16xi32>], vector<16xf32>,
          %broadcast_in_dim3A_395 = arith.constant 3 : i32
          %broadcast_in_dim3A_396 = vector.broadcast %broadcast_in_dim3A_395 : i32 to vector<16xi32>
          %gather3A_397 = tpu.vector_load_idx %arg15[%add3A_385, %broadcast_in_dim3A_396] : memref<2048x8xf32, #tpu.memory_space<vmem>>[vector<16xi32>, vector<16xi32>], vector<16xf32>,
          %broadcast_in_dim3A_398 = arith.constant 4 : i32
          %broadcast_in_dim3A_399 = vector.broadcast %broadcast_in_dim3A_398 : i32 to vector<16xi32>
          %gather3A_400 = tpu.vector_load_idx %arg15[%add3A_385, %broadcast_in_dim3A_399] : memref<2048x8xf32, #tpu.memory_space<vmem>>[vector<16xi32>, vector<16xi32>], vector<16xf32>,
          %broadcast_in_dim3A_401 = arith.constant 5 : i32
          %broadcast_in_dim3A_402 = vector.broadcast %broadcast_in_dim3A_401 : i32 to vector<16xi32>
          %gather3A_403 = tpu.vector_load_idx %arg15[%add3A_385, %broadcast_in_dim3A_402] : memref<2048x8xf32, #tpu.memory_space<vmem>>[vector<16xi32>, vector<16xi32>], vector<16xf32>,
          %broadcast_in_dim3A_404 = arith.constant 6 : i32
          %broadcast_in_dim3A_405 = vector.broadcast %broadcast_in_dim3A_404 : i32 to vector<16xi32>
          %gather3A_406 = tpu.vector_load_idx %arg15[%add3A_385, %broadcast_in_dim3A_405] : memref<2048x8xf32, #tpu.memory_space<vmem>>[vector<16xi32>, vector<16xi32>], vector<16xf32>,
          %broadcast_in_dim3A_407 = arith.constant 7 : i32
          %broadcast_in_dim3A_408 = vector.broadcast %broadcast_in_dim3A_407 : i32 to vector<16xi32>
          %gather3A_409 = tpu.vector_load_idx %arg15[%add3A_385, %broadcast_in_dim3A_408] : memref<2048x8xf32, #tpu.memory_space<vmem>>[vector<16xi32>, vector<16xi32>], vector<16xf32>,
          %get3A_410 = arith.index_cast %mul3A_383 : i32 to index
          %get3A_411 = tpu.vector_load %arg11[%get3A_410] {strides = array<i32>} : memref<2048xf32, #tpu.memory_space<vmem>>, vector<16xf32>,
          %get3A_412 = arith.index_cast %mul3A_383 : i32 to index
          %get3A_413 = tpu.vector_load %arg13[%get3A_412] {strides = array<i32>} : memref<2048xf32, #tpu.memory_space<vmem>>, vector<16xf32>,
          %sub3A_414 = arith.subf %gather3A_394, %gather3A_388 : vector<16xf32>
          %mul3A_415 = arith.mulf %get3A_411, %sub3A_414 : vector<16xf32>
          %add3A_416 = arith.addf %gather3A_388, %mul3A_415 : vector<16xf32>
          %sub3A_417 = arith.subf %gather3A_397, %gather3A_391 : vector<16xf32>
          %mul3A_418 = arith.mulf %get3A_411, %sub3A_417 : vector<16xf32>
          %add3A_419 = arith.addf %gather3A_391, %mul3A_418 : vector<16xf32>
          %sub3A_420 = arith.subf %gather3A_406, %gather3A_400 : vector<16xf32>
          %mul3A_421 = arith.mulf %get3A_411, %sub3A_420 : vector<16xf32>
          %add3A_422 = arith.addf %gather3A_400, %mul3A_421 : vector<16xf32>
          %sub3A_423 = arith.subf %gather3A_409, %gather3A_403 : vector<16xf32>
          %mul3A_424 = arith.mulf %get3A_411, %sub3A_423 : vector<16xf32>
          %add3A_425 = arith.addf %gather3A_403, %mul3A_424 : vector<16xf32>
          %sub3A_426 = arith.subf %add3A_422, %add3A_416 : vector<16xf32>
          %mul3A_427 = arith.mulf %get3A_413, %sub3A_426 : vector<16xf32>
          %add3A_428 = arith.addf %add3A_416, %mul3A_427 : vector<16xf32>
          %swap3A_429 = arith.index_cast %mul3A_383 : i32 to index
          %swap3A_430 = tpu.vector_load %arg17[%swap3A_429] {strides = array<i32>} : memref<2048xf32, #tpu.memory_space<vmem>>, vector<16xf32>,
          tpu.vector_store %arg17[%swap3A_429], %add3A_428 {strides = array<i32>} : memref<2048xf32, #tpu.memory_space<vmem>>, vector<16xf32>,
          %sub3A_431 = arith.subf %add3A_425, %add3A_419 : vector<16xf32>
          %mul3A_432 = arith.mulf %get3A_413, %sub3A_431 : vector<16xf32>
          %add3A_433 = arith.addf %add3A_419, %mul3A_432 : vector<16xf32>
          %swap3A_434 = arith.index_cast %mul3A_383 : i32 to index
          %swap3A_435 = tpu.vector_load %arg19[%swap3A_434] {strides = array<i32>} : memref<2048xf32, #tpu.memory_space<vmem>>, vector<16xf32>,
          tpu.vector_store %arg19[%swap3A_434], %add3A_433 {strides = array<i32>} : memref<2048xf32, #tpu.memory_space<vmem>>, vector<16xf32>,
          %scan3A_436 = arith.constant 3 : i32
          %scan3A_437 = arith.addi %scan3A_273, %scan3A_436 : i32
          %mul3A_438 = arith.constant 16 : i32
          %mul3A_439 = arith.muli %scan3A_437, %mul3A_438 : i32
          %add3A_440 = vector.broadcast %mul3A_439 : i32 to vector<16xi32>
          %add3A_441 = arith.addi %iota3A, %add3A_440 : vector<16xi32>
          %broadcast_in_dim3A_442 = arith.constant 0 : i32
          %broadcast_in_dim3A_443 = vector.broadcast %broadcast_in_dim3A_442 : i32 to vector<16xi32>
          %gather3A_444 = tpu.vector_load_idx %arg15[%add3A_441, %broadcast_in_dim3A_443] : memref<2048x8xf32, #tpu.memory_space<vmem>>[vector<16xi32>, vector<16xi32>], vector<16xf32>,
          %broadcast_in_dim3A_445 = arith.constant 1 : i32
          %broadcast_in_dim3A_446 = vector.broadcast %broadcast_in_dim3A_445 : i32 to vector<16xi32>
          %gather3A_447 = tpu.vector_load_idx %arg15[%add3A_441, %broadcast_in_dim3A_446] : memref<2048x8xf32, #tpu.memory_space<vmem>>[vector<16xi32>, vector<16xi32>], vector<16xf32>,
          %broadcast_in_dim3A_448 = arith.constant 2 : i32
          %broadcast_in_dim3A_449 = vector.broadcast %broadcast_in_dim3A_448 : i32 to vector<16xi32>
          %gather3A_450 = tpu.vector_load_idx %arg15[%add3A_441, %broadcast_in_dim3A_449] : memref<2048x8xf32, #tpu.memory_space<vmem>>[vector<16xi32>, vector<16xi32>], vector<16xf32>,
          %broadcast_in_dim3A_451 = arith.constant 3 : i32
          %broadcast_in_dim3A_452 = vector.broadcast %broadcast_in_dim3A_451 : i32 to vector<16xi32>
          %gather3A_453 = tpu.vector_load_idx %arg15[%add3A_441, %broadcast_in_dim3A_452] : memref<2048x8xf32, #tpu.memory_space<vmem>>[vector<16xi32>, vector<16xi32>], vector<16xf32>,
          %broadcast_in_dim3A_454 = arith.constant 4 : i32
          %broadcast_in_dim3A_455 = vector.broadcast %broadcast_in_dim3A_454 : i32 to vector<16xi32>
          %gather3A_456 = tpu.vector_load_idx %arg15[%add3A_441, %broadcast_in_dim3A_455] : memref<2048x8xf32, #tpu.memory_space<vmem>>[vector<16xi32>, vector<16xi32>], vector<16xf32>,
          %broadcast_in_dim3A_457 = arith.constant 5 : i32
          %broadcast_in_dim3A_458 = vector.broadcast %broadcast_in_dim3A_457 : i32 to vector<16xi32>
          %gather3A_459 = tpu.vector_load_idx %arg15[%add3A_441, %broadcast_in_dim3A_458] : memref<2048x8xf32, #tpu.memory_space<vmem>>[vector<16xi32>, vector<16xi32>], vector<16xf32>,
          %broadcast_in_dim3A_460 = arith.constant 6 : i32
          %broadcast_in_dim3A_461 = vector.broadcast %broadcast_in_dim3A_460 : i32 to vector<16xi32>
          %gather3A_462 = tpu.vector_load_idx %arg15[%add3A_441, %broadcast_in_dim3A_461] : memref<2048x8xf32, #tpu.memory_space<vmem>>[vector<16xi32>, vector<16xi32>], vector<16xf32>,
          %broadcast_in_dim3A_463 = arith.constant 7 : i32
          %broadcast_in_dim3A_464 = vector.broadcast %broadcast_in_dim3A_463 : i32 to vector<16xi32>
          %gather3A_465 = tpu.vector_load_idx %arg15[%add3A_441, %broadcast_in_dim3A_464] : memref<2048x8xf32, #tpu.memory_space<vmem>>[vector<16xi32>, vector<16xi32>], vector<16xf32>,
          %get3A_466 = arith.index_cast %mul3A_439 : i32 to index
          %get3A_467 = tpu.vector_load %arg11[%get3A_466] {strides = array<i32>} : memref<2048xf32, #tpu.memory_space<vmem>>, vector<16xf32>,
          %get3A_468 = arith.index_cast %mul3A_439 : i32 to index
          %get3A_469 = tpu.vector_load %arg13[%get3A_468] {strides = array<i32>} : memref<2048xf32, #tpu.memory_space<vmem>>, vector<16xf32>,
          %sub3A_470 = arith.subf %gather3A_450, %gather3A_444 : vector<16xf32>
          %mul3A_471 = arith.mulf %get3A_467, %sub3A_470 : vector<16xf32>
          %add3A_472 = arith.addf %gather3A_444, %mul3A_471 : vector<16xf32>
          %sub3A_473 = arith.subf %gather3A_453, %gather3A_447 : vector<16xf32>
          %mul3A_474 = arith.mulf %get3A_467, %sub3A_473 : vector<16xf32>
          %add3A_475 = arith.addf %gather3A_447, %mul3A_474 : vector<16xf32>
          %sub3A_476 = arith.subf %gather3A_462, %gather3A_456 : vector<16xf32>
          %mul3A_477 = arith.mulf %get3A_467, %sub3A_476 : vector<16xf32>
          %add3A_478 = arith.addf %gather3A_456, %mul3A_477 : vector<16xf32>
          %sub3A_479 = arith.subf %gather3A_465, %gather3A_459 : vector<16xf32>
          %mul3A_480 = arith.mulf %get3A_467, %sub3A_479 : vector<16xf32>
          %add3A_481 = arith.addf %gather3A_459, %mul3A_480 : vector<16xf32>
          %sub3A_482 = arith.subf %add3A_478, %add3A_472 : vector<16xf32>
          %mul3A_483 = arith.mulf %get3A_469, %sub3A_482 : vector<16xf32>
          %add3A_484 = arith.addf %add3A_472, %mul3A_483 : vector<16xf32>
          %swap3A_485 = arith.index_cast %mul3A_439 : i32 to index
          %swap3A_486 = tpu.vector_load %arg17[%swap3A_485] {strides = array<i32>} : memref<2048xf32, #tpu.memory_space<vmem>>, vector<16xf32>,
          tpu.vector_store %arg17[%swap3A_485], %add3A_484 {strides = array<i32>} : memref<2048xf32, #tpu.memory_space<vmem>>, vector<16xf32>,
          %sub3A_487 = arith.subf %add3A_481, %add3A_475 : vector<16xf32>
          %mul3A_488 = arith.mulf %get3A_469, %sub3A_487 : vector<16xf32>
          %add3A_489 = arith.addf %add3A_475, %mul3A_488 : vector<16xf32>
          %swap3A_490 = arith.index_cast %mul3A_439 : i32 to index
          %swap3A_491 = tpu.vector_load %arg19[%swap3A_490] {strides = array<i32>} : memref<2048xf32, #tpu.memory_space<vmem>>, vector<16xf32>,
          tpu.vector_store %arg19[%swap3A_490], %add3A_489 {strides = array<i32>} : memref<2048xf32, #tpu.memory_space<vmem>>, vector<16xf32>,
        }
        %scan3A_231 = arith.constant 128 : i32
        %add3A_232 = arith.addi %mul3A_2, %add3A_157 : i32
        %sub3A_233 = arith.constant 1 : i32
        %sub3A_234 = arith.subi %add3A_232, %sub3A_233 : i32
        %jit3A_235 = arith.constant 8 : i32
        %div3A_236 = arith.divsi %sub3A_234, %jit3A_235 : i32
        %sign3A_237 = arith.constant 0 : i32
        %sign3A_238 = arith.cmpi sgt, %sub3A_234, %sign3A_237 : i32
        %sign3A_239 = arith.extui %sign3A_238 : i1 to i32
        %sign3A_240 = arith.constant 0 : i32
        %sign3A_241 = arith.cmpi slt, %sub3A_234, %sign3A_240 : i32
        %sign3A_242 = arith.extui %sign3A_241 : i1 to i32
        %sign3A_243 = arith.subi %sign3A_239, %sign3A_242 : i32
        %sign3A_244 = arith.constant 0 : i32
        %sign3A_245 = arith.cmpi sgt, %jit3A_235, %sign3A_244 : i32
        %sign3A_246 = arith.extui %sign3A_245 : i1 to i32
        %sign3A_247 = arith.constant 0 : i32
        %sign3A_248 = arith.cmpi slt, %jit3A_235, %sign3A_247 : i32
        %sign3A_249 = arith.extui %sign3A_248 : i1 to i32
        %sign3A_250 = arith.subi %sign3A_246, %sign3A_249 : i32
        %ne3A_251 = arith.cmpi ne, %sign3A_243, %sign3A_250 : i32
        %rem3A_252 = arith.remsi %sub3A_234, %jit3A_235 : i32
        %ne3A_253 = arith.constant 0 : i32
        %ne3A_254 = arith.cmpi ne, %rem3A_252, %ne3A_253 : i32
        %and3A_255 = arith.andi %ne3A_251, %ne3A_254 : i1
        %sub3A_256 = arith.constant 1 : i32
        %sub3A_257 = arith.subi %div3A_236, %sub3A_256 : i32
        %select_n3A_258 = arith.select %and3A_255, %sub3A_257, %div3A_236 : i32
        %mul3A_259 = arith.constant 32768 : i32
        %mul3A_260 = arith.muli %select_n3A_258, %mul3A_259 : i32
        %mul3A_261 = arith.constant 8 : i32
        %mul3A_262 = arith.muli %select_n3A_258, %mul3A_261 : i32
        %sub3A_263 = arith.subi %sub3A_234, %mul3A_262 : i32
        %mul3A_264 = arith.constant 2048 : i32
        %mul3A_265 = arith.muli %sub3A_263, %mul3A_264 : i32
        %add3A_266 = arith.addi %mul3A_260, %mul3A_265 : i32
        %dma_start3A_267 = tpu.memref_slice %arg4[%add3A_266] : memref<6553600xf32, #tpu.memory_space<hbm>> -> memref<2048xf32, #tpu.memory_space<hbm>>
        %dma_start3A_268 = tpu.memref_slice %arg4[%add3A_266] : memref<6553600xf32, #tpu.memory_space<hbm>> -> memref<2048xf32, #tpu.memory_space<hbm>>
        tpu.enqueue_dma source(%arg17 : memref<2048xf32, #tpu.memory_space<vmem>>) target(%dma_start3A_268 : memref<2048xf32, #tpu.memory_space<hbm>>) target_semaphore(%arg23 : memref<!tpu.dma_semaphore, #tpu.memory_space<semaphore_mem>>)
        %add3A_269 = arith.constant 16384 : i32
        %add3A_270 = arith.addi %add3A_266, %add3A_269 : i32
        %dma_start3A_271 = tpu.memref_slice %arg4[%add3A_270] : memref<6553600xf32, #tpu.memory_space<hbm>> -> memref<2048xf32, #tpu.memory_space<hbm>>
        %dma_start3A_272 = tpu.memref_slice %arg4[%add3A_270] : memref<6553600xf32, #tpu.memory_space<hbm>> -> memref<2048xf32, #tpu.memory_space<hbm>>
        tpu.enqueue_dma source(%arg19 : memref<2048xf32, #tpu.memory_space<vmem>>) target(%dma_start3A_272 : memref<2048xf32, #tpu.memory_space<hbm>>) target_semaphore(%arg23 : memref<!tpu.dma_semaphore, #tpu.memory_space<semaphore_mem>>)
      } else {
      }
      %dma_wait3A_218 = arith.constant 0 : i32
      %dma_wait3A_219 = arith.constant 0 : i32
      %dma_wait3A_220 = tpu.memref_slice %arg3[%dma_wait3A_218, %dma_wait3A_219] : memref<1048576x8xf32, #tpu.memory_space<hbm>> -> memref<1048576x8xf32, #tpu.memory_space<hbm>>
      tpu.wait_indirect_dma semaphore(%arg22 : memref<!tpu.dma_semaphore, #tpu.memory_space<semaphore_mem>>) src(%dma_wait3A_220 : memref<1048576x8xf32, #tpu.memory_space<hbm>>) dst(%arg16 : memref<2048x8xf32, #tpu.memory_space<vmem>>)
    }
    %scan3A_36 = arith.constant 25 : i32
    %scan3A_37 = arith.constant 0 : i32
    %scan3A_38 = arith.constant 0 : i32
    %scan3A_39 = arith.constant 128 : i32
    %scan3A_40 = arith.addi %scan3A_38, %scan3A_39 : i32
    %scan3A_41 = arith.constant 4 : i32
    scf.for %scan3A_92 = %scan3A_38 to %scan3A_40 step %scan3A_41  : i32 {
      %mul3A_93 = arith.constant 16 : i32
      %mul3A_94 = arith.muli %scan3A_92, %mul3A_93 : i32
      %add3A_95 = vector.broadcast %mul3A_94 : i32 to vector<16xi32>
      %add3A_96 = arith.addi %iota3A, %add3A_95 : vector<16xi32>
      %broadcast_in_dim3A = arith.constant 0 : i32
      %broadcast_in_dim3A_97 = vector.broadcast %broadcast_in_dim3A : i32 to vector<16xi32>
      %gather3A = tpu.vector_load_idx %arg16[%add3A_96, %broadcast_in_dim3A_97] : memref<2048x8xf32, #tpu.memory_space<vmem>>[vector<16xi32>, vector<16xi32>], vector<16xf32>,
      %broadcast_in_dim3A_98 = arith.constant 1 : i32
      %broadcast_in_dim3A_99 = vector.broadcast %broadcast_in_dim3A_98 : i32 to vector<16xi32>
      %gather3A_100 = tpu.vector_load_idx %arg16[%add3A_96, %broadcast_in_dim3A_99] : memref<2048x8xf32, #tpu.memory_space<vmem>>[vector<16xi32>, vector<16xi32>], vector<16xf32>,
      %broadcast_in_dim3A_101 = arith.constant 2 : i32
      %broadcast_in_dim3A_102 = vector.broadcast %broadcast_in_dim3A_101 : i32 to vector<16xi32>
      %gather3A_103 = tpu.vector_load_idx %arg16[%add3A_96, %broadcast_in_dim3A_102] : memref<2048x8xf32, #tpu.memory_space<vmem>>[vector<16xi32>, vector<16xi32>], vector<16xf32>,
      %broadcast_in_dim3A_104 = arith.constant 3 : i32
      %broadcast_in_dim3A_105 = vector.broadcast %broadcast_in_dim3A_104 : i32 to vector<16xi32>
      %gather3A_106 = tpu.vector_load_idx %arg16[%add3A_96, %broadcast_in_dim3A_105] : memref<2048x8xf32, #tpu.memory_space<vmem>>[vector<16xi32>, vector<16xi32>], vector<16xf32>,
      %broadcast_in_dim3A_107 = arith.constant 4 : i32
      %broadcast_in_dim3A_108 = vector.broadcast %broadcast_in_dim3A_107 : i32 to vector<16xi32>
      %gather3A_109 = tpu.vector_load_idx %arg16[%add3A_96, %broadcast_in_dim3A_108] : memref<2048x8xf32, #tpu.memory_space<vmem>>[vector<16xi32>, vector<16xi32>], vector<16xf32>,
      %broadcast_in_dim3A_110 = arith.constant 5 : i32
      %broadcast_in_dim3A_111 = vector.broadcast %broadcast_in_dim3A_110 : i32 to vector<16xi32>
      %gather3A_112 = tpu.vector_load_idx %arg16[%add3A_96, %broadcast_in_dim3A_111] : memref<2048x8xf32, #tpu.memory_space<vmem>>[vector<16xi32>, vector<16xi32>], vector<16xf32>,
      %broadcast_in_dim3A_113 = arith.constant 6 : i32
      %broadcast_in_dim3A_114 = vector.broadcast %broadcast_in_dim3A_113 : i32 to vector<16xi32>
      %gather3A_115 = tpu.vector_load_idx %arg16[%add3A_96, %broadcast_in_dim3A_114] : memref<2048x8xf32, #tpu.memory_space<vmem>>[vector<16xi32>, vector<16xi32>], vector<16xf32>,
      %broadcast_in_dim3A_116 = arith.constant 7 : i32
      %broadcast_in_dim3A_117 = vector.broadcast %broadcast_in_dim3A_116 : i32 to vector<16xi32>
      %gather3A_118 = tpu.vector_load_idx %arg16[%add3A_96, %broadcast_in_dim3A_117] : memref<2048x8xf32, #tpu.memory_space<vmem>>[vector<16xi32>, vector<16xi32>], vector<16xf32>,
      %get3A = arith.index_cast %mul3A_94 : i32 to index
      %get3A_119 = tpu.vector_load %arg12[%get3A] {strides = array<i32>} : memref<2048xf32, #tpu.memory_space<vmem>>, vector<16xf32>,
      %get3A_120 = arith.index_cast %mul3A_94 : i32 to index
      %get3A_121 = tpu.vector_load %arg14[%get3A_120] {strides = array<i32>} : memref<2048xf32, #tpu.memory_space<vmem>>, vector<16xf32>,
      %sub3A_122 = arith.subf %gather3A_103, %gather3A : vector<16xf32>
      %mul3A_123 = arith.mulf %get3A_119, %sub3A_122 : vector<16xf32>
      %add3A_124 = arith.addf %gather3A, %mul3A_123 : vector<16xf32>
      %sub3A_125 = arith.subf %gather3A_106, %gather3A_100 : vector<16xf32>
      %mul3A_126 = arith.mulf %get3A_119, %sub3A_125 : vector<16xf32>
      %add3A_127 = arith.addf %gather3A_100, %mul3A_126 : vector<16xf32>
      %sub3A_128 = arith.subf %gather3A_115, %gather3A_109 : vector<16xf32>
      %mul3A_129 = arith.mulf %get3A_119, %sub3A_128 : vector<16xf32>
      %add3A_130 = arith.addf %gather3A_109, %mul3A_129 : vector<16xf32>
      %sub3A_131 = arith.subf %gather3A_118, %gather3A_112 : vector<16xf32>
      %mul3A_132 = arith.mulf %get3A_119, %sub3A_131 : vector<16xf32>
      %add3A_133 = arith.addf %gather3A_112, %mul3A_132 : vector<16xf32>
      %sub3A_134 = arith.subf %add3A_130, %add3A_124 : vector<16xf32>
      %mul3A_135 = arith.mulf %get3A_121, %sub3A_134 : vector<16xf32>
      %add3A_136 = arith.addf %add3A_124, %mul3A_135 : vector<16xf32>
      %swap3A = arith.index_cast %mul3A_94 : i32 to index
      %swap3A_137 = tpu.vector_load %arg18[%swap3A] {strides = array<i32>} : memref<2048xf32, #tpu.memory_space<vmem>>, vector<16xf32>,
      tpu.vector_store %arg18[%swap3A], %add3A_136 {strides = array<i32>} : memref<2048xf32, #tpu.memory_space<vmem>>, vector<16xf32>,
      %sub3A_138 = arith.subf %add3A_133, %add3A_127 : vector<16xf32>
      %mul3A_139 = arith.mulf %get3A_121, %sub3A_138 : vector<16xf32>
      %add3A_140 = arith.addf %add3A_127, %mul3A_139 : vector<16xf32>
      %swap3A_141 = arith.index_cast %mul3A_94 : i32 to index
      %swap3A_142 = tpu.vector_load %arg20[%swap3A_141] {strides = array<i32>} : memref<2048xf32, #tpu.memory_space<vmem>>, vector<16xf32>,
      tpu.vector_store %arg20[%swap3A_141], %add3A_140 {strides = array<i32>} : memref<2048xf32, #tpu.memory_space<vmem>>, vector<16xf32>,
      %scan3A_143 = arith.constant 1 : i32
      %scan3A_144 = arith.addi %scan3A_92, %scan3A_143 : i32
      %mul3A_145 = arith.constant 16 : i32
      %mul3A_146 = arith.muli %scan3A_144, %mul3A_145 : i32
      %add3A_147 = vector.broadcast %mul3A_146 : i32 to vector<16xi32>
      %add3A_148 = arith.addi %iota3A, %add3A_147 : vector<16xi32>
      %broadcast_in_dim3A_149 = arith.constant 0 : i32
      %broadcast_in_dim3A_150 = vector.broadcast %broadcast_in_dim3A_149 : i32 to vector<16xi32>
      %gather3A_151 = tpu.vector_load_idx %arg16[%add3A_148, %broadcast_in_dim3A_150] : memref<2048x8xf32, #tpu.memory_space<vmem>>[vector<16xi32>, vector<16xi32>], vector<16xf32>,
      %broadcast_in_dim3A_152 = arith.constant 1 : i32
      %broadcast_in_dim3A_153 = vector.broadcast %broadcast_in_dim3A_152 : i32 to vector<16xi32>
      %gather3A_154 = tpu.vector_load_idx %arg16[%add3A_148, %broadcast_in_dim3A_153] : memref<2048x8xf32, #tpu.memory_space<vmem>>[vector<16xi32>, vector<16xi32>], vector<16xf32>,
      %broadcast_in_dim3A_155 = arith.constant 2 : i32
      %broadcast_in_dim3A_156 = vector.broadcast %broadcast_in_dim3A_155 : i32 to vector<16xi32>
      %gather3A_157 = tpu.vector_load_idx %arg16[%add3A_148, %broadcast_in_dim3A_156] : memref<2048x8xf32, #tpu.memory_space<vmem>>[vector<16xi32>, vector<16xi32>], vector<16xf32>,
      %broadcast_in_dim3A_158 = arith.constant 3 : i32
      %broadcast_in_dim3A_159 = vector.broadcast %broadcast_in_dim3A_158 : i32 to vector<16xi32>
      %gather3A_160 = tpu.vector_load_idx %arg16[%add3A_148, %broadcast_in_dim3A_159] : memref<2048x8xf32, #tpu.memory_space<vmem>>[vector<16xi32>, vector<16xi32>], vector<16xf32>,
      %broadcast_in_dim3A_161 = arith.constant 4 : i32
      %broadcast_in_dim3A_162 = vector.broadcast %broadcast_in_dim3A_161 : i32 to vector<16xi32>
      %gather3A_163 = tpu.vector_load_idx %arg16[%add3A_148, %broadcast_in_dim3A_162] : memref<2048x8xf32, #tpu.memory_space<vmem>>[vector<16xi32>, vector<16xi32>], vector<16xf32>,
      %broadcast_in_dim3A_164 = arith.constant 5 : i32
      %broadcast_in_dim3A_165 = vector.broadcast %broadcast_in_dim3A_164 : i32 to vector<16xi32>
      %gather3A_166 = tpu.vector_load_idx %arg16[%add3A_148, %broadcast_in_dim3A_165] : memref<2048x8xf32, #tpu.memory_space<vmem>>[vector<16xi32>, vector<16xi32>], vector<16xf32>,
      %broadcast_in_dim3A_167 = arith.constant 6 : i32
      %broadcast_in_dim3A_168 = vector.broadcast %broadcast_in_dim3A_167 : i32 to vector<16xi32>
      %gather3A_169 = tpu.vector_load_idx %arg16[%add3A_148, %broadcast_in_dim3A_168] : memref<2048x8xf32, #tpu.memory_space<vmem>>[vector<16xi32>, vector<16xi32>], vector<16xf32>,
      %broadcast_in_dim3A_170 = arith.constant 7 : i32
      %broadcast_in_dim3A_171 = vector.broadcast %broadcast_in_dim3A_170 : i32 to vector<16xi32>
      %gather3A_172 = tpu.vector_load_idx %arg16[%add3A_148, %broadcast_in_dim3A_171] : memref<2048x8xf32, #tpu.memory_space<vmem>>[vector<16xi32>, vector<16xi32>], vector<16xf32>,
      %get3A_173 = arith.index_cast %mul3A_146 : i32 to index
      %get3A_174 = tpu.vector_load %arg12[%get3A_173] {strides = array<i32>} : memref<2048xf32, #tpu.memory_space<vmem>>, vector<16xf32>,
      %get3A_175 = arith.index_cast %mul3A_146 : i32 to index
      %get3A_176 = tpu.vector_load %arg14[%get3A_175] {strides = array<i32>} : memref<2048xf32, #tpu.memory_space<vmem>>, vector<16xf32>,
      %sub3A_177 = arith.subf %gather3A_157, %gather3A_151 : vector<16xf32>
      %mul3A_178 = arith.mulf %get3A_174, %sub3A_177 : vector<16xf32>
      %add3A_179 = arith.addf %gather3A_151, %mul3A_178 : vector<16xf32>
      %sub3A_180 = arith.subf %gather3A_160, %gather3A_154 : vector<16xf32>
      %mul3A_181 = arith.mulf %get3A_174, %sub3A_180 : vector<16xf32>
      %add3A_182 = arith.addf %gather3A_154, %mul3A_181 : vector<16xf32>
      %sub3A_183 = arith.subf %gather3A_169, %gather3A_163 : vector<16xf32>
      %mul3A_184 = arith.mulf %get3A_174, %sub3A_183 : vector<16xf32>
      %add3A_185 = arith.addf %gather3A_163, %mul3A_184 : vector<16xf32>
      %sub3A_186 = arith.subf %gather3A_172, %gather3A_166 : vector<16xf32>
      %mul3A_187 = arith.mulf %get3A_174, %sub3A_186 : vector<16xf32>
      %add3A_188 = arith.addf %gather3A_166, %mul3A_187 : vector<16xf32>
      %sub3A_189 = arith.subf %add3A_185, %add3A_179 : vector<16xf32>
      %mul3A_190 = arith.mulf %get3A_176, %sub3A_189 : vector<16xf32>
      %add3A_191 = arith.addf %add3A_179, %mul3A_190 : vector<16xf32>
      %swap3A_192 = arith.index_cast %mul3A_146 : i32 to index
      %swap3A_193 = tpu.vector_load %arg18[%swap3A_192] {strides = array<i32>} : memref<2048xf32, #tpu.memory_space<vmem>>, vector<16xf32>,
      tpu.vector_store %arg18[%swap3A_192], %add3A_191 {strides = array<i32>} : memref<2048xf32, #tpu.memory_space<vmem>>, vector<16xf32>,
      %sub3A_194 = arith.subf %add3A_188, %add3A_182 : vector<16xf32>
      %mul3A_195 = arith.mulf %get3A_176, %sub3A_194 : vector<16xf32>
      %add3A_196 = arith.addf %add3A_182, %mul3A_195 : vector<16xf32>
      %swap3A_197 = arith.index_cast %mul3A_146 : i32 to index
      %swap3A_198 = tpu.vector_load %arg20[%swap3A_197] {strides = array<i32>} : memref<2048xf32, #tpu.memory_space<vmem>>, vector<16xf32>,
      tpu.vector_store %arg20[%swap3A_197], %add3A_196 {strides = array<i32>} : memref<2048xf32, #tpu.memory_space<vmem>>, vector<16xf32>,
      %scan3A_199 = arith.constant 2 : i32
      %scan3A_200 = arith.addi %scan3A_92, %scan3A_199 : i32
      %mul3A_201 = arith.constant 16 : i32
      %mul3A_202 = arith.muli %scan3A_200, %mul3A_201 : i32
      %add3A_203 = vector.broadcast %mul3A_202 : i32 to vector<16xi32>
      %add3A_204 = arith.addi %iota3A, %add3A_203 : vector<16xi32>
      %broadcast_in_dim3A_205 = arith.constant 0 : i32
      %broadcast_in_dim3A_206 = vector.broadcast %broadcast_in_dim3A_205 : i32 to vector<16xi32>
      %gather3A_207 = tpu.vector_load_idx %arg16[%add3A_204, %broadcast_in_dim3A_206] : memref<2048x8xf32, #tpu.memory_space<vmem>>[vector<16xi32>, vector<16xi32>], vector<16xf32>,
      %broadcast_in_dim3A_208 = arith.constant 1 : i32
      %broadcast_in_dim3A_209 = vector.broadcast %broadcast_in_dim3A_208 : i32 to vector<16xi32>
      %gather3A_210 = tpu.vector_load_idx %arg16[%add3A_204, %broadcast_in_dim3A_209] : memref<2048x8xf32, #tpu.memory_space<vmem>>[vector<16xi32>, vector<16xi32>], vector<16xf32>,
      %broadcast_in_dim3A_211 = arith.constant 2 : i32
      %broadcast_in_dim3A_212 = vector.broadcast %broadcast_in_dim3A_211 : i32 to vector<16xi32>
      %gather3A_213 = tpu.vector_load_idx %arg16[%add3A_204, %broadcast_in_dim3A_212] : memref<2048x8xf32, #tpu.memory_space<vmem>>[vector<16xi32>, vector<16xi32>], vector<16xf32>,
      %broadcast_in_dim3A_214 = arith.constant 3 : i32
      %broadcast_in_dim3A_215 = vector.broadcast %broadcast_in_dim3A_214 : i32 to vector<16xi32>
      %gather3A_216 = tpu.vector_load_idx %arg16[%add3A_204, %broadcast_in_dim3A_215] : memref<2048x8xf32, #tpu.memory_space<vmem>>[vector<16xi32>, vector<16xi32>], vector<16xf32>,
      %broadcast_in_dim3A_217 = arith.constant 4 : i32
      %broadcast_in_dim3A_218 = vector.broadcast %broadcast_in_dim3A_217 : i32 to vector<16xi32>
      %gather3A_219 = tpu.vector_load_idx %arg16[%add3A_204, %broadcast_in_dim3A_218] : memref<2048x8xf32, #tpu.memory_space<vmem>>[vector<16xi32>, vector<16xi32>], vector<16xf32>,
      %broadcast_in_dim3A_220 = arith.constant 5 : i32
      %broadcast_in_dim3A_221 = vector.broadcast %broadcast_in_dim3A_220 : i32 to vector<16xi32>
      %gather3A_222 = tpu.vector_load_idx %arg16[%add3A_204, %broadcast_in_dim3A_221] : memref<2048x8xf32, #tpu.memory_space<vmem>>[vector<16xi32>, vector<16xi32>], vector<16xf32>,
      %broadcast_in_dim3A_223 = arith.constant 6 : i32
      %broadcast_in_dim3A_224 = vector.broadcast %broadcast_in_dim3A_223 : i32 to vector<16xi32>
      %gather3A_225 = tpu.vector_load_idx %arg16[%add3A_204, %broadcast_in_dim3A_224] : memref<2048x8xf32, #tpu.memory_space<vmem>>[vector<16xi32>, vector<16xi32>], vector<16xf32>,
      %broadcast_in_dim3A_226 = arith.constant 7 : i32
      %broadcast_in_dim3A_227 = vector.broadcast %broadcast_in_dim3A_226 : i32 to vector<16xi32>
      %gather3A_228 = tpu.vector_load_idx %arg16[%add3A_204, %broadcast_in_dim3A_227] : memref<2048x8xf32, #tpu.memory_space<vmem>>[vector<16xi32>, vector<16xi32>], vector<16xf32>,
      %get3A_229 = arith.index_cast %mul3A_202 : i32 to index
      %get3A_230 = tpu.vector_load %arg12[%get3A_229] {strides = array<i32>} : memref<2048xf32, #tpu.memory_space<vmem>>, vector<16xf32>,
      %get3A_231 = arith.index_cast %mul3A_202 : i32 to index
      %get3A_232 = tpu.vector_load %arg14[%get3A_231] {strides = array<i32>} : memref<2048xf32, #tpu.memory_space<vmem>>, vector<16xf32>,
      %sub3A_233 = arith.subf %gather3A_213, %gather3A_207 : vector<16xf32>
      %mul3A_234 = arith.mulf %get3A_230, %sub3A_233 : vector<16xf32>
      %add3A_235 = arith.addf %gather3A_207, %mul3A_234 : vector<16xf32>
      %sub3A_236 = arith.subf %gather3A_216, %gather3A_210 : vector<16xf32>
      %mul3A_237 = arith.mulf %get3A_230, %sub3A_236 : vector<16xf32>
      %add3A_238 = arith.addf %gather3A_210, %mul3A_237 : vector<16xf32>
      %sub3A_239 = arith.subf %gather3A_225, %gather3A_219 : vector<16xf32>
      %mul3A_240 = arith.mulf %get3A_230, %sub3A_239 : vector<16xf32>
      %add3A_241 = arith.addf %gather3A_219, %mul3A_240 : vector<16xf32>
      %sub3A_242 = arith.subf %gather3A_228, %gather3A_222 : vector<16xf32>
      %mul3A_243 = arith.mulf %get3A_230, %sub3A_242 : vector<16xf32>
      %add3A_244 = arith.addf %gather3A_222, %mul3A_243 : vector<16xf32>
      %sub3A_245 = arith.subf %add3A_241, %add3A_235 : vector<16xf32>
      %mul3A_246 = arith.mulf %get3A_232, %sub3A_245 : vector<16xf32>
      %add3A_247 = arith.addf %add3A_235, %mul3A_246 : vector<16xf32>
      %swap3A_248 = arith.index_cast %mul3A_202 : i32 to index
      %swap3A_249 = tpu.vector_load %arg18[%swap3A_248] {strides = array<i32>} : memref<2048xf32, #tpu.memory_space<vmem>>, vector<16xf32>,
      tpu.vector_store %arg18[%swap3A_248], %add3A_247 {strides = array<i32>} : memref<2048xf32, #tpu.memory_space<vmem>>, vector<16xf32>,
      %sub3A_250 = arith.subf %add3A_244, %add3A_238 : vector<16xf32>
      %mul3A_251 = arith.mulf %get3A_232, %sub3A_250 : vector<16xf32>
      %add3A_252 = arith.addf %add3A_238, %mul3A_251 : vector<16xf32>
      %swap3A_253 = arith.index_cast %mul3A_202 : i32 to index
      %swap3A_254 = tpu.vector_load %arg20[%swap3A_253] {strides = array<i32>} : memref<2048xf32, #tpu.memory_space<vmem>>, vector<16xf32>,
      tpu.vector_store %arg20[%swap3A_253], %add3A_252 {strides = array<i32>} : memref<2048xf32, #tpu.memory_space<vmem>>, vector<16xf32>,
      %scan3A_255 = arith.constant 3 : i32
      %scan3A_256 = arith.addi %scan3A_92, %scan3A_255 : i32
      %mul3A_257 = arith.constant 16 : i32
      %mul3A_258 = arith.muli %scan3A_256, %mul3A_257 : i32
      %add3A_259 = vector.broadcast %mul3A_258 : i32 to vector<16xi32>
      %add3A_260 = arith.addi %iota3A, %add3A_259 : vector<16xi32>
      %broadcast_in_dim3A_261 = arith.constant 0 : i32
      %broadcast_in_dim3A_262 = vector.broadcast %broadcast_in_dim3A_261 : i32 to vector<16xi32>
      %gather3A_263 = tpu.vector_load_idx %arg16[%add3A_260, %broadcast_in_dim3A_262] : memref<2048x8xf32, #tpu.memory_space<vmem>>[vector<16xi32>, vector<16xi32>], vector<16xf32>,
      %broadcast_in_dim3A_264 = arith.constant 1 : i32
      %broadcast_in_dim3A_265 = vector.broadcast %broadcast_in_dim3A_264 : i32 to vector<16xi32>
      %gather3A_266 = tpu.vector_load_idx %arg16[%add3A_260, %broadcast_in_dim3A_265] : memref<2048x8xf32, #tpu.memory_space<vmem>>[vector<16xi32>, vector<16xi32>], vector<16xf32>,
      %broadcast_in_dim3A_267 = arith.constant 2 : i32
      %broadcast_in_dim3A_268 = vector.broadcast %broadcast_in_dim3A_267 : i32 to vector<16xi32>
      %gather3A_269 = tpu.vector_load_idx %arg16[%add3A_260, %broadcast_in_dim3A_268] : memref<2048x8xf32, #tpu.memory_space<vmem>>[vector<16xi32>, vector<16xi32>], vector<16xf32>,
      %broadcast_in_dim3A_270 = arith.constant 3 : i32
      %broadcast_in_dim3A_271 = vector.broadcast %broadcast_in_dim3A_270 : i32 to vector<16xi32>
      %gather3A_272 = tpu.vector_load_idx %arg16[%add3A_260, %broadcast_in_dim3A_271] : memref<2048x8xf32, #tpu.memory_space<vmem>>[vector<16xi32>, vector<16xi32>], vector<16xf32>,
      %broadcast_in_dim3A_273 = arith.constant 4 : i32
      %broadcast_in_dim3A_274 = vector.broadcast %broadcast_in_dim3A_273 : i32 to vector<16xi32>
      %gather3A_275 = tpu.vector_load_idx %arg16[%add3A_260, %broadcast_in_dim3A_274] : memref<2048x8xf32, #tpu.memory_space<vmem>>[vector<16xi32>, vector<16xi32>], vector<16xf32>,
      %broadcast_in_dim3A_276 = arith.constant 5 : i32
      %broadcast_in_dim3A_277 = vector.broadcast %broadcast_in_dim3A_276 : i32 to vector<16xi32>
      %gather3A_278 = tpu.vector_load_idx %arg16[%add3A_260, %broadcast_in_dim3A_277] : memref<2048x8xf32, #tpu.memory_space<vmem>>[vector<16xi32>, vector<16xi32>], vector<16xf32>,
      %broadcast_in_dim3A_279 = arith.constant 6 : i32
      %broadcast_in_dim3A_280 = vector.broadcast %broadcast_in_dim3A_279 : i32 to vector<16xi32>
      %gather3A_281 = tpu.vector_load_idx %arg16[%add3A_260, %broadcast_in_dim3A_280] : memref<2048x8xf32, #tpu.memory_space<vmem>>[vector<16xi32>, vector<16xi32>], vector<16xf32>,
      %broadcast_in_dim3A_282 = arith.constant 7 : i32
      %broadcast_in_dim3A_283 = vector.broadcast %broadcast_in_dim3A_282 : i32 to vector<16xi32>
      %gather3A_284 = tpu.vector_load_idx %arg16[%add3A_260, %broadcast_in_dim3A_283] : memref<2048x8xf32, #tpu.memory_space<vmem>>[vector<16xi32>, vector<16xi32>], vector<16xf32>,
      %get3A_285 = arith.index_cast %mul3A_258 : i32 to index
      %get3A_286 = tpu.vector_load %arg12[%get3A_285] {strides = array<i32>} : memref<2048xf32, #tpu.memory_space<vmem>>, vector<16xf32>,
      %get3A_287 = arith.index_cast %mul3A_258 : i32 to index
      %get3A_288 = tpu.vector_load %arg14[%get3A_287] {strides = array<i32>} : memref<2048xf32, #tpu.memory_space<vmem>>, vector<16xf32>,
      %sub3A_289 = arith.subf %gather3A_269, %gather3A_263 : vector<16xf32>
      %mul3A_290 = arith.mulf %get3A_286, %sub3A_289 : vector<16xf32>
      %add3A_291 = arith.addf %gather3A_263, %mul3A_290 : vector<16xf32>
      %sub3A_292 = arith.subf %gather3A_272, %gather3A_266 : vector<16xf32>
      %mul3A_293 = arith.mulf %get3A_286, %sub3A_292 : vector<16xf32>
      %add3A_294 = arith.addf %gather3A_266, %mul3A_293 : vector<16xf32>
      %sub3A_295 = arith.subf %gather3A_281, %gather3A_275 : vector<16xf32>
      %mul3A_296 = arith.mulf %get3A_286, %sub3A_295 : vector<16xf32>
      %add3A_297 = arith.addf %gather3A_275, %mul3A_296 : vector<16xf32>
      %sub3A_298 = arith.subf %gather3A_284, %gather3A_278 : vector<16xf32>
      %mul3A_299 = arith.mulf %get3A_286, %sub3A_298 : vector<16xf32>
      %add3A_300 = arith.addf %gather3A_278, %mul3A_299 : vector<16xf32>
      %sub3A_301 = arith.subf %add3A_297, %add3A_291 : vector<16xf32>
      %mul3A_302 = arith.mulf %get3A_288, %sub3A_301 : vector<16xf32>
      %add3A_303 = arith.addf %add3A_291, %mul3A_302 : vector<16xf32>
      %swap3A_304 = arith.index_cast %mul3A_258 : i32 to index
      %swap3A_305 = tpu.vector_load %arg18[%swap3A_304] {strides = array<i32>} : memref<2048xf32, #tpu.memory_space<vmem>>, vector<16xf32>,
      tpu.vector_store %arg18[%swap3A_304], %add3A_303 {strides = array<i32>} : memref<2048xf32, #tpu.memory_space<vmem>>, vector<16xf32>,
      %sub3A_306 = arith.subf %add3A_300, %add3A_294 : vector<16xf32>
      %mul3A_307 = arith.mulf %get3A_288, %sub3A_306 : vector<16xf32>
      %add3A_308 = arith.addf %add3A_294, %mul3A_307 : vector<16xf32>
      %swap3A_309 = arith.index_cast %mul3A_258 : i32 to index
      %swap3A_310 = tpu.vector_load %arg20[%swap3A_309] {strides = array<i32>} : memref<2048xf32, #tpu.memory_space<vmem>>, vector<16xf32>,
      tpu.vector_store %arg20[%swap3A_309], %add3A_308 {strides = array<i32>} : memref<2048xf32, #tpu.memory_space<vmem>>, vector<16xf32>,
    }
    %scan3A_42 = arith.constant 128 : i32
    %add3A_43 = arith.constant 50 : i32
    %add3A_44 = arith.addi %mul3A_2, %add3A_43 : i32
    %sub3A_45 = arith.constant 1 : i32
    %sub3A_46 = arith.subi %add3A_44, %sub3A_45 : i32
    %jit3A_47 = arith.constant 8 : i32
    %div3A_48 = arith.divsi %sub3A_46, %jit3A_47 : i32
    %sign3A_49 = arith.constant 0 : i32
    %sign3A_50 = arith.cmpi sgt, %sub3A_46, %sign3A_49 : i32
    %sign3A_51 = arith.extui %sign3A_50 : i1 to i32
    %sign3A_52 = arith.constant 0 : i32
    %sign3A_53 = arith.cmpi slt, %sub3A_46, %sign3A_52 : i32
    %sign3A_54 = arith.extui %sign3A_53 : i1 to i32
    %sign3A_55 = arith.subi %sign3A_51, %sign3A_54 : i32
    %sign3A_56 = arith.constant 0 : i32
    %sign3A_57 = arith.cmpi sgt, %jit3A_47, %sign3A_56 : i32
    %sign3A_58 = arith.extui %sign3A_57 : i1 to i32
    %sign3A_59 = arith.constant 0 : i32
    %sign3A_60 = arith.cmpi slt, %jit3A_47, %sign3A_59 : i32
    %sign3A_61 = arith.extui %sign3A_60 : i1 to i32
    %sign3A_62 = arith.subi %sign3A_58, %sign3A_61 : i32
    %ne3A_63 = arith.cmpi ne, %sign3A_55, %sign3A_62 : i32
    %rem3A_64 = arith.remsi %sub3A_46, %jit3A_47 : i32
    %ne3A_65 = arith.constant 0 : i32
    %ne3A_66 = arith.cmpi ne, %rem3A_64, %ne3A_65 : i32
    %and3A_67 = arith.andi %ne3A_63, %ne3A_66 : i1
    %sub3A_68 = arith.constant 1 : i32
    %sub3A_69 = arith.subi %div3A_48, %sub3A_68 : i32
    %select_n3A_70 = arith.select %and3A_67, %sub3A_69, %div3A_48 : i32
    %mul3A_71 = arith.constant 32768 : i32
    %mul3A_72 = arith.muli %select_n3A_70, %mul3A_71 : i32
    %mul3A_73 = arith.constant 8 : i32
    %mul3A_74 = arith.muli %select_n3A_70, %mul3A_73 : i32
    %sub3A_75 = arith.subi %sub3A_46, %mul3A_74 : i32
    %mul3A_76 = arith.constant 2048 : i32
    %mul3A_77 = arith.muli %sub3A_75, %mul3A_76 : i32
    %add3A_78 = arith.addi %mul3A_72, %mul3A_77 : i32
    %dma_start3A_79 = tpu.memref_slice %arg4[%add3A_78] : memref<6553600xf32, #tpu.memory_space<hbm>> -> memref<2048xf32, #tpu.memory_space<hbm>>
    %dma_start3A_80 = tpu.memref_slice %arg4[%add3A_78] : memref<6553600xf32, #tpu.memory_space<hbm>> -> memref<2048xf32, #tpu.memory_space<hbm>>
    tpu.enqueue_dma source(%arg18 : memref<2048xf32, #tpu.memory_space<vmem>>) target(%dma_start3A_80 : memref<2048xf32, #tpu.memory_space<hbm>>) target_semaphore(%arg23 : memref<!tpu.dma_semaphore, #tpu.memory_space<semaphore_mem>>)
    %add3A_81 = arith.constant 16384 : i32
    %add3A_82 = arith.addi %add3A_78, %add3A_81 : i32
    %dma_start3A_83 = tpu.memref_slice %arg4[%add3A_82] : memref<6553600xf32, #tpu.memory_space<hbm>> -> memref<2048xf32, #tpu.memory_space<hbm>>
    %dma_start3A_84 = tpu.memref_slice %arg4[%add3A_82] : memref<6553600xf32, #tpu.memory_space<hbm>> -> memref<2048xf32, #tpu.memory_space<hbm>>
    tpu.enqueue_dma source(%arg20 : memref<2048xf32, #tpu.memory_space<vmem>>) target(%dma_start3A_84 : memref<2048xf32, #tpu.memory_space<hbm>>) target_semaphore(%arg23 : memref<!tpu.dma_semaphore, #tpu.memory_space<semaphore_mem>>)
    %dma_wait3A = tpu.memref_slice %arg4[%add3A_78] : memref<6553600xf32, #tpu.memory_space<hbm>> -> memref<2048xf32, #tpu.memory_space<hbm>>
    %dma_wait3A_85 = tpu.memref_slice %arg4[%add3A_78] : memref<6553600xf32, #tpu.memory_space<hbm>> -> memref<2048xf32, #tpu.memory_space<hbm>>
    tpu.wait_dma2 semaphore(%arg23 : memref<!tpu.dma_semaphore, #tpu.memory_space<semaphore_mem>>) src(%arg17 : memref<2048xf32, #tpu.memory_space<vmem>>) dst(%dma_wait3A_85 : memref<2048xf32, #tpu.memory_space<hbm>>)
    %dma_wait3A_86 = tpu.memref_slice %arg4[%add3A_78] : memref<6553600xf32, #tpu.memory_space<hbm>> -> memref<2048xf32, #tpu.memory_space<hbm>>
    %dma_wait3A_87 = tpu.memref_slice %arg4[%add3A_78] : memref<6553600xf32, #tpu.memory_space<hbm>> -> memref<2048xf32, #tpu.memory_space<hbm>>
    tpu.wait_dma2 semaphore(%arg23 : memref<!tpu.dma_semaphore, #tpu.memory_space<semaphore_mem>>) src(%arg17 : memref<2048xf32, #tpu.memory_space<vmem>>) dst(%dma_wait3A_87 : memref<2048xf32, #tpu.memory_space<hbm>>)
    %dma_wait3A_88 = tpu.memref_slice %arg4[%add3A_78] : memref<6553600xf32, #tpu.memory_space<hbm>> -> memref<2048xf32, #tpu.memory_space<hbm>>
    %dma_wait3A_89 = tpu.memref_slice %arg4[%add3A_78] : memref<6553600xf32, #tpu.memory_space<hbm>> -> memref<2048xf32, #tpu.memory_space<hbm>>
    tpu.wait_dma2 semaphore(%arg23 : memref<!tpu.dma_semaphore, #tpu.memory_space<semaphore_mem>>) src(%arg17 : memref<2048xf32, #tpu.memory_space<vmem>>) dst(%dma_wait3A_89 : memref<2048xf32, #tpu.memory_space<hbm>>)
    %dma_wait3A_90 = tpu.memref_slice %arg4[%add3A_78] : memref<6553600xf32, #tpu.memory_space<hbm>> -> memref<2048xf32, #tpu.memory_space<hbm>>
    %dma_wait3A_91 = tpu.memref_slice %arg4[%add3A_78] : memref<6553600xf32, #tpu.memory_space<hbm>> -> memref<2048xf32, #tpu.memory_space<hbm>>
    tpu.wait_dma2 semaphore(%arg23 : memref<!tpu.dma_semaphore, #tpu.memory_space<semaphore_mem>>) src(%arg17 : memref<2048xf32, #tpu.memory_space<vmem>>) dst(%dma_wait3A_91 : memref<2048xf32, #tpu.memory_space<hbm>>)
    return
  }
}

</mosaic_0001>

<sc_bundles>
// kernel: kernel.4.cloned.1.call-start
scs
__scs_entry_jumppad:
0x0: {  	(pc) =	sbr.rel $0x88, $3  }
0x1: {  	(tag) =	ssettag $0x0;
	lr =	simm.s32 $0x1  }
0x2: {  	[smem:$0x3F9F] =	sst lr;
	_ =	strace $0xD0000000  }
0x3: {  	_ = 	snop  }
0x4: {  	_ = 	snop  }
0x5: {  	_ = 	snop  }
0x6: {  	_ = 	snop  }
0x7: {  	_ = 	snop  }
__scs_overlays_trampoline_lowered:
0x8: {  	[smem:$0x3FAE] =	sst s0  }
0x9: {  	[smem:$0x3FAF] =	sst s1  }
0xa: {  	[smem:$0x3FB0] =	sst s2  }
0xb: {  	[smem:$0x3FB1] =	sst s3  }
0xc: {  	[smem:$0x3FB2] =	sst s4  }
0xd: {  	[smem:$0x3FB3] =	sst s5  }
0xe: {  	[smem:$0x3FB4] =	sst s6  }
0xf: {  	[smem:$0x3FB5] =	sst s7  }
0x10: {  	[smem:$0x3FB6] =	sst s8  }
0x11: {  	[smem:$0x3FB7] =	sst s9;
	s0 =	simm.s32 @!p0 $0x0  }
0x12: {  	s1 =	sld [smem:$0x3F9D];
	s0 =	simm.s32 @p0 $0x1  }
0x13: {  	[smem:$0x3FB8] =	sst s0;
	s0 =	simm.s32 @!p1 $0x0  }
0x14: {  	s2 =	sld [smem:$0x3F9C];
	s0 =	simm.s32 @p1 $0x1  }
0x15: {  	[smem:$0x3FB9] =	sst s0;
	s0 =	simm.s32 @!p2 $0x0  }
0x16: {  	s3 =	sld [smem:$0x3FDB];
	s0 =	simm.s32 @p2 $0x1  }
0x17: {  	s4 =	simm.s32 $0x1BF5;
	[smem:$0x3FBB] =	sst s0  }
0x18: {  	s0 =	sld [smem:$0x3F9E];
	_ =	swait.ge [sflag:s4], $0x0  }
0x19: {  	s7 =	sld [smem:$0x3F9F]  }
0x1a: {  	s8 =	sadd.s32 $0xFFFFE003, lr  }
0x1b: {  	s9 =	sadd.s32 $0xFFFFFEF7, lr;
	s5 =	simm.s32 $0xFFFFFFFF;
	p2 =	slt.u32 s8, $0xFFFFF086  }
0x1c: {  	p1 =	slt.u32 s9, $0xF7A;
	s5 =	simm.s32 @!p2 $0x0  }
0x1d: {  	s5 =	simm.s32 @p1 $0x1;
	p0 =	seq.s32 s7, s2  }
0x1e: {  	s7 =	smul.u32 @!p0 $0xF7A, s2;
	p2 =	seq.s32 @!p0 s5, $0x0  }
0x1f: {  	s9 =	smul.u32 $0xF7A, s1;
	s8 =	simm.s32 @!p0 $0x1BF5;
	p2 =	por !p2, p0  }
0x20: {  	[sflag:s8] =	ssyncset.s32 @!p0 $0xFFFFF086;
	s6 =	sadd.s32 @!p0 s3, s7;
	s7 =	simm.s32 @!p0 $0x108  }
0x21: {  	s3 =	sadd.s32 s3, s9;
	s6 =	sadd.s32 @!p0 $0x88, s6;
	s7 =	simm.s32 @p2 $0x1082  }
0x22: {  	[simem:s7], [sflag:s8] =	dma.local @!p0 [hbm:s6], $0xF7A  }
0x23: {  	s9 =	sor.u32 $0xD0000000, s2;
	s6 =	simm.s32 $0x108;
	_ =	swait.ge @!p0 [sflag:s8], $0x0  }
0x24: {  	s3 =	sadd.s32 $0x88, s3;
	s6 =	simm.s32 @!p1 $0x1082;
	[sflag:s4] =	ssyncset.s32 $0xFFFFF086  }
0x25: {  	[simem:s6], [sflag:s4] =	dma.local [hbm:s3], $0xF7A  }
0x26: {  	[smem:$0x3F9F] =	sst s1;
	(tag) =	ssettag s2;
	_ =	strace s9  }
0x27: {  	s1 =	sld [smem:$0x3FAF]  }
0x28: {  	s2 =	sld [smem:$0x3FB0]  }
0x29: {  	s4 =	sld [smem:$0x3FB2]  }
0x2a: {  	p0 =	seq.s32 s5, $0x0;
	s5 =	sld [smem:$0x3FB3]  }
0x2b: {  	s6 =	sld [smem:$0x3FB4]  }
0x2c: {  	s7 =	sld [smem:$0x3FB5]  }
0x2d: {  	s3 =	simm.s32 $0x108;
	s8 =	sld [smem:$0x3FB6]  }
0x2e: {  	s3 =	simm.s32 @!p0 $0x1082;
	s9 =	sld [smem:$0x3FB7]  }
0x2f: {  	lr =	sadd.s32 s0, s3;
	s0 =	sld [smem:$0x3FAE]  }
0x30: {  	s3 =	sld [smem:$0x3FB1]  }
0x31: {  	[smem:$0x3FBA] =	sst s10  }
0x32: {  	s10 =	sld [smem:$0x3FB8];
	_ =	sdelay $0x3  }
0x33: {  	p0 =	seq.s32 s10, $0x1;
	s10 =	sld [smem:$0x3FBA];
	_ =	sdelay $0x3  }
0x34: {  	[smem:$0x3FBA] =	sst s10  }
0x35: {  	s10 =	sld [smem:$0x3FB9];
	_ =	sdelay $0x3  }
0x36: {  	p1 =	seq.s32 s10, $0x1;
	s10 =	sld [smem:$0x3FBA];
	_ =	sdelay $0x3  }
0x37: {  	[smem:$0x3FBA] =	sst s10  }
0x38: {  	s10 =	sld [smem:$0x3FBB]  }
0x39: {  	_ = 	snop;
	(pc) =	sbr.ind lr, $3  }
0x3a: {  	_ = 	snop  }
0x3b: {  	_ = 	snop  }
0x3c: {  	p2 =	seq.s32 s10, $0x1;
	s10 =	sld [smem:$0x3FBA]  }
0x3d: {  	_ =	shalt  }
0x3e: {  	_ =	shalt  }
0x3f: {  	_ =	shalt  }
0x40: {  	_ =	shalt  }
0x41: {  	_ =	shalt  }
0x42: {  	_ =	shalt  }
0x43: {  	_ =	shalt  }
0x44: {  	_ =	shalt  }
0x45: {  	_ =	shalt  }
0x46: {  	_ =	shalt  }
0x47: {  	_ =	shalt  }
0x48: {  	_ =	shalt  }
0x49: {  	_ =	shalt  }
0x4a: {  	_ =	shalt  }
0x4b: {  	_ =	shalt  }
0x4c: {  	_ =	shalt  }
0x4d: {  	_ =	shalt  }
0x4e: {  	_ =	shalt  }
0x4f: {  	_ =	shalt  }
0x50: {  	_ =	shalt  }
0x51: {  	_ =	shalt  }
0x52: {  	_ =	shalt  }
0x53: {  	_ =	shalt  }
0x54: {  	_ =	shalt  }
0x55: {  	_ =	shalt  }
0x56: {  	_ =	shalt  }
0x57: {  	_ =	shalt  }
0x58: {  	_ =	shalt  }
0x59: {  	_ =	shalt  }
0x5a: {  	_ =	shalt  }
0x5b: {  	_ =	shalt  }
0x5c: {  	_ =	shalt  }
0x5d: {  	_ =	shalt  }
0x5e: {  	_ =	shalt  }
0x5f: {  	_ =	shalt  }
0x60: {  	_ =	shalt  }
0x61: {  	_ =	shalt  }
0x62: {  	_ =	shalt  }
0x63: {  	_ =	shalt  }
0x64: {  	_ =	shalt  }
0x65: {  	_ =	shalt  }
0x66: {  	_ =	shalt  }
0x67: {  	_ =	shalt  }
0x68: {  	_ =	shalt  }
0x69: {  	_ =	shalt  }
0x6a: {  	_ =	shalt  }
0x6b: {  	_ =	shalt  }
0x6c: {  	_ =	shalt  }
0x6d: {  	_ =	shalt  }
0x6e: {  	_ =	shalt  }
0x6f: {  	_ =	shalt  }
0x70: {  	_ =	shalt  }
0x71: {  	_ =	shalt  }
0x72: {  	_ =	shalt  }
0x73: {  	_ =	shalt  }
0x74: {  	_ =	shalt  }
0x75: {  	_ =	shalt  }
0x76: {  	_ =	shalt  }
0x77: {  	_ =	shalt  }
0x78: {  	_ =	shalt  }
0x79: {  	_ =	shalt  }
0x7a: {  	_ =	shalt  }
0x7b: {  	_ =	shalt  }
0x7c: {  	_ =	shalt  }
0x7d: {  	_ =	shalt  }
0x7e: {  	_ =	shalt  }
0x7f: {  	_ =	shalt  }
0x80: {  	_ =	shalt  }
0x81: {  	_ =	shalt  }
0x82: {  	_ =	shalt  }
0x83: {  	_ =	shalt  }
0x84: {  	_ =	shalt  }
0x85: {  	_ =	shalt  }
0x86: {  	_ =	shalt  }
0x87: {  	_ =	shalt  }
.Lfunc_end0:
.L_simem_size_0:
called_computation_lowered:
.L_overlay_start_0:
0x88: {  	s2 =	sld [smem:$0x3FD9]  }
0x89: {  	s3 =	sld [smem:$0x3FFE];
	_ =	sdelay $0x1  }
0x8a: {  	s1 =	srdreg.scid  }
0x8b: {  	s0 =	sand.u32 $0x1, s1  }
0x8c: {  	s16 =	sshll.u32 s0, $0xA;
	s2 =	sadd.s32 s3, s2  }
0x8d: {  	s2 =	sadd.s32 s2, s16  }
0x8e: {  	[smem:$0x3FC6] =	sst s2  }
0x8f: {  	_ = 	snop  }
0x90: {  	(tm) =	ssettm $0x1  }
0x91: {  	s17 =	sld [smem:$0x3FFB];
	_ =	sdelay $0x3  }
0x92: {  	_ =	strace s17  }
0x93: {  	s2 =	sld [smem:$0x3FFC];
	_ =	sdelay $0x3  }
0x94: {  	_ =	strace s2  }
0x95: {  	s2 =	sld [smem:$0x3FFD];
	_ =	sdelay $0x3  }
0x96: {  	_ =	strace s2  }
0x97: {  	_ =	strace $0x8FFFFFFF  }
0x98: {  	s18 =	sld [smem:$0x3FDB];
	_ =	sdelay $0x1  }
0x99: {  	s19 =	simm.s32 $_scs_section_size  }
0x9a: {  	s4 =	simm.s32 $_size__tile_overlayer_lowered;
	s5 =	simm.s32 $_tile_overlayer_lowered  }
0x9b: {  	s22 =	simm.s32 $0x1BFF;
	s21 =	sshll.u32 s5, $0x1;
	s2 =	sadd.s32 s19, s18  }
0x9c: {  	s6 =	simm.s32 $0x0;
	s20 =	sshll.u32 s4, $0x1;
	s4 =	sadd.s32 s21, s2  }
0x9d: {  	[timem:s6], [sflag:s22] =	dma.local [hbm:s4], s20  }
0x9e: {  	_ =	swait.ge [sflag:s22], s20  }
0x9f: {  	s3 =	ssub.s32 $0x0, s20;
	[sflag:s22] =	ssyncset.done $0x0  }
0xa0: {  	[sflag:s22] =	ssyncadd.s32 s3;
	_ =	sdelay $0x1  }
0xa1: {  	s23 =	simm.s32 $0x1B8B  }
0xa2: {  	_ =	swait.ge [sflag:s23], $0x1  }
0xa3: {  	[sflag:s23] =	ssyncset.done $0x0  }
0xa4: {  	s25 =	simm.s32 $0x1B8E;
	s24 =	sld [smem:$0x3FFE];
	[sflag:s23] =	ssyncadd.s32 $0xFFFFFFFF  }
0xa5: {  	s26 =	simm.s32 $execute0_lowered;
	[smem:$0x3FD2] =	sst s25  }
0xa6: {  	s4 =	sshll.u32 s26, $0x1;
	_ =	strace $0x80000046;
	[dreg:$0x1] =	wrdreg $0xFFFFFFFF  }
0xa7: {  	s28 =	simm.s32 $_size_execute0_lowered;
	s2 =	sadd.s32 s2, s4;
	[dreg:$0x0] =	wrdreg $0x0  }
0xa8: {  	s4 =	sshll.u32 s28, $0x1;
	[dreg:$0x2] =	wrdreg s2  }
0xa9: {  	[dreg:$0x3] =	wrdreg s4  }
0xaa: {  	[dreg:$0x4] =	wrdreg $0xC0  }
0xab: {  	_ =	task [dreg:s6], $0x5FFFF  }
0xac: {  	[dreg:$0x1] =	wrdreg $0xFFFFFFFF  }
0xad: {  	[dreg:$0x0] =	wrdreg $0x60  }
0xae: {  	[dreg:$0x2] =	wrdreg s24  }
0xaf: {  	[dreg:$0x3] =	wrdreg $0x9  }
0xb0: {  	_ =	task.clear_ibuf [dreg:s6], $0x4FFFF;
	_ =	strace $0x90000046  }
0xb1: {  	s29 =	simm.s32 $0x9;
	_ =	strace $0x80000048  }
0xb2: {  	_ =	swait.ge [sflag:s29], $0x1  }
0xb3: {  	[sflag:s29] =	ssyncadd.s32 $0xFFFFFFFF  }
0xb4: {  	_ =	strace $0x90000048  }
0xb5: {  	_ =	sfence  }
0xb6: {  	s30 =	sld [smem:$0x0];
	_ =	sdelay $0x2  }
0xb7: {  	s31 =	sshll.u32 s1, $0xD;
	s1 =	sshrl.u32 s1, $0x2  }
0xb8: {  	s3 =	sand.u32 $0x4000, s31;
	s1 =	sadd.s32 s1, s30  }
0xb9: {  	s0 =	sor.u32 s3, s0;
	s1 =	sshll.u32 s1, $0x11  }
0xba: {  	s0 =	sor.u32 s1, s0  }
0xbb: {  	s0 =	sadd.s32 $0x8F2B, s0  }
0xbc: {  	[sflag:s0] =	ssyncadd.remote.s32 $0x1  }
0xbd: {  	_ =	sfence.sel $0xFFFF  }
0xbe: {  	[dreg:$0x0] =	wrdreg $0xFFFFFFFF;
	(pc) =	sbr.abs _section_cstart, $3  }
0xbf: {  	[dreg:$0x1] =	wrdreg $0xFFFFFFFF  }
0xc0: {  	_ =	task.clear_ibuf [dreg:s6], $0x2FFFF;
	_ =	strace $0x9FFFFFFF  }
0xc1: {  	(tm) =	ssettm $0x7FFFFFFF  }
tec
execute0_lowered:
.L_overlay_start_1:
0x0: {  	(tag) =	ssettag $0x1  }
0x1: {  	s4 =	rddreg [dreg:$0x0]  }
0x2: {  	s0 =	rddreg [dreg:$0x1]  }
0x3: {  	s1 =	simm.s32 $0x0;
	s2 =	srdreg.scid;
	s8 =	simm.s32 $0x5040  }
0x4: {  	s9 =	simm.s32 $0x0;
	[smem:$0x7FF] =	sst s1;
	s5 =	sand.u32 $0x1, s2  }
0x5: {  	s3 =	sadd.s32 $0x2400, s4;
	s2 =	stileid.u32;
	s6 =	ssub.s32 $0x2, s5  }
0x6: {  	s4 =	sadd.s32 $0x42400, s4;
	_ =	strace $0x80000047;
	s7 =	sshrl.u32 s6, $0x1  }
0x7: {  	v0 =	vlaneseq.u32;
	s31 =	sshll.u32 s2, $0x6;
	s5 =	sshll.u32 s5, $0x5;
	s6 =	ssub.s32 s6, s7  }
0x8: {  	v1 =	vand.u32 $0x7, v0;
	s5 =	sor.u32 s5, s31;
	s7 =	simm.s32 $0x1;
	s6 =	smax.u32 s6, $0x1  }
.LBB2_1:
0x9: {  	s10 =	simm.s32 $0x0  }
.LBB2_2:
0xa: {  	s11 =	sshll.u32 s10, $0x3  }
0xb: {  	s11 =	sadd.s32 s5, s11  }
0xc: {  	s13 =	smin.u32 s11, $0x3F7  }
0xd: {  	s12 =	ssub.s32 s11, s13  }
0xe: {  	s15 =	simm.s32 $0x0;
	s14 =	sadd.s32 $0x0, s12  }
0xf: {  	v2 =	vor.u32 s15, v0;
	s14 =	sshll.u32 s14, $0xB  }
0x10: {  	s16 =	simm.s32 $0x0;
	s13 =	sshll.u32 s13, $0x8;
	v3 =	vadd.s32 s14, v2  }
0x11: {  	s13 =	sadd.s32 s3, s13;
	s24 =	sor.u32 $0x400, s14;
	s25 =	sadd.s32 $0x800, s14;
	v4 =	vand.u32 $0xFFFFFFF8, v3;
	v3 =	vadd.s32 $0x1, v3  }
0x12: {  	[tilespmem:s16], [sflag:$0x1] =	stream.linear.gather [hbm4b:s13+s16], $0x4800, $0x38;
	v5 =	vadd.s32 s24, v2;
	v7 =	vadd.s32 s25, v2;
	v4 =	vor.u32 v1, v4;
	[tilespmem:$0x15040] =	vst v63  }
0x13: {  	_ =	swait.ge [sflag:s7], $0x4800;
	v6 =	vand.u32 $0xFFFFFFF8, v5;
	v9 =	vadd.s32 $0x1, v7  }
0x14: {  	s14 =	sadd.s32 $0xC00, s14;
	[sflag:s7] =	ssyncset.done $0x0;
	v6 =	vor.u32 v1, v6  }
0x15: {  	v8 =	vadd.s32 s14, v2;
	v5 =	vadd.s32 $0x1, v5;
	[sflag:s7] =	ssyncadd.s32 $0xFFFFB800;
	v7 =	vand.u32 $0xFFFFFFF8, v7  }
0x16: {  	v10 =	vand.u32 $0xFFFFFFF8, v8;
	v7 =	vor.u32 v1, v7;
	v11 =	vld.idx.msk [tilespmem:v3+s1+$0x0], $0xffff  }
0x17: {  	s26 =	simm.s32 $0x0;
	v2 =	vshll.u32 v2, $0x3;
	v3 =	vor.u32 v1, v10;
	v4 =	vld.idx.msk [tilespmem:v4+s1+$0x0], $0xffff  }
0x18: {  	v8 =	vadd.s32 $0x1, v8;
	v12 =	vadd.s32 s26, v2;
	v2 =	vld.idx.msk [tilespmem:v9+s1+$0x0], $0xffff  }
0x19: {  	v9 =	vor.u32 $0x1, v12;
	v6 =	vld.idx.msk [tilespmem:v6+s1+$0x0], $0xffff  }
0x1a: {  	v13 =	vor.u32 $0x2, v12;
	v10 =	vld.idx.msk [tilespmem:v5+s1+$0x0], $0xffff  }
0x1b: {  	v16 =	vor.u32 $0x3, v12;
	v15 =	vld.idx.msk [tilespmem:v7+s1+$0x0], $0xffff  }
0x1c: {  	v17 =	vor.u32 $0x4, v12;
	v14 =	vld.idx.msk [tilespmem:v3+s1+$0x0], $0xffff  }
0x1d: {  	s29 =	simm.s32 $0x10;
	s28 =	sadd.s32 $0x0, s12;
	v18 =	vor.u32 $0x5, v12;
	v3 =	vld.idx.msk [tilespmem:v8+s1+$0x0], $0xffff;
	[tilespmem:v12+s8+$0x0] =	vst.idx.msk $0xffff, v4  }
0x1e: {  	s30 =	sshll.u32 s28, $0xB;
	v5 =	vor.u32 s29, v0;
	[tilespmem:v9+s8+$0x0] =	vst.idx.msk $0xffff, v6;
	v6 =	vor.u32 $0x6, v12  }
0x1f: {  	s13 =	sor.u32 $0x400, s30;
	v7 =	vor.u32 $0x7, v12;
	v8 =	vadd.s32 s30, v5;
	v4 =	vshll.u32 v5, $0x3;
	[tilespmem:v13+s8+$0x0] =	vst.idx.msk $0xffff, v11  }
0x20: {  	s31 =	sadd.s32 $0x800, s30;
	v12 =	vadd.s32 s13, v5;
	v9 =	vadd.s32 $0x1, v8;
	v11 =	vand.u32 $0xFFFFFFF8, v8;
	[tilespmem:v16+s8+$0x0] =	vst.idx.msk $0xffff, v10  }
0x21: {  	s15 =	simm.s32 $0x10;
	v13 =	vadd.s32 s31, v5;
	v8 =	vor.u32 v1, v11;
	v10 =	vand.u32 $0xFFFFFFF8, v12;
	[tilespmem:v17+s8+$0x0] =	vst.idx.msk $0xffff, v15  }
0x22: {  	s16 =	sadd.s32 $0xC00, s30;
	s14 =	simm.s32 $0x0;
	s13 =	simm.s32 $0x2;
	v11 =	vor.u32 v1, v10;
	v10 =	vadd.s32 $0x1, v12;
	v12 =	vand.u32 $0xFFFFFFF8, v13;
	[tilespmem:v18+s8+$0x0] =	vst.idx.msk $0xffff, v14  }
.LBB2_3:
0x23: {  	p0 =	sne.s32 s13, $0x1FF;
	v5 =	vadd.s32 s16, v5;
	v13 =	vadd.s32 $0x1, v13;
	[tilespmem:v6+s8+$0x0] =	vst.idx.msk $0xffff, v2;
	s16 =	smov.u32 s13;
	s13 =	sadd.s32 $0x1, s13  }
0x24: {  	v2 =	vand.u32 $0xFFFFFFF8, v5;
	v5 =	vadd.s32 $0x1, v5;
	[tilespmem:v7+s8+$0x0] =	vst.idx.msk $0xffff, v3  }
0x25: {  	v3 =	vor.u32 v1, v12;
	v7 =	vld.idx.msk [tilespmem:v9+s1+$0x0], $0xffff;
	v6 =	vor.u32 v1, v2  }
0x26: {  	v8 =	vld.idx.msk [tilespmem:v8+s1+$0x0], $0xffff  }
0x27: {  	s14 =	sshll.u32 s14, $0xD;
	v9 =	vld.idx.msk [tilespmem:v11+s1+$0x0], $0xffff  }
0x28: {  	v11 =	vadd.s32 s14, v4;
	v10 =	vld.idx.msk [tilespmem:v10+s1+$0x0], $0xffff  }
0x29: {  	v4 =	vor.u32 $0x1, v11;
	v2 =	vld.idx.msk [tilespmem:v13+s1+$0x0], $0xffff  }
0x2a: {  	v12 =	vor.u32 $0x2, v11;
	v14 =	vld.idx.msk [tilespmem:v6+s1+$0x0], $0xffff  }
0x2b: {  	s14 =	sshrl.u32 s16, $0x6;
	v13 =	vor.u32 $0x3, v11;
	v15 =	vld.idx.msk [tilespmem:v3+s1+$0x0], $0xffff  }
0x2c: {  	s15 =	sadd.s32 $0x10, s15;
	s16 =	sshll.u32 s14, $0xA;
	s17 =	sadd.s32 s14, s12;
	v16 =	vor.u32 $0x4, v11;
	v3 =	vld.idx.msk [tilespmem:v5+s1+$0x0], $0xffff  }
0x2d: {  	v17 =	vor.u32 $0x5, v11;
	s16 =	ssub.s32 s15, s16;
	[tilespmem:v11+s8+$0x0] =	vst.idx.msk $0xffff, v8  }
.Ltmp0:
0x2e: {  	v6 =	vor.u32 $0x6, v11;
	v5 =	vor.u32 s16, v0;
	s16 =	sshll.u32 s17, $0xB;
	[tilespmem:v4+s8+$0x0] =	vst.idx.msk $0xffff, v9;
	(pc) =	sbr.rel @p0 .LBB2_3-.Ltmp0, $4  }
0x2f: {  	v8 =	vadd.s32 s16, v5;
	s17 =	sor.u32 $0x400, s16;
	s18 =	sadd.s32 $0x800, s16;
	s16 =	sadd.s32 $0xC00, s16;
	v4 =	vshll.u32 v5, $0x3;
	[tilespmem:v12+s8+$0x0] =	vst.idx.msk $0xffff, v7;
	v7 =	vor.u32 $0x7, v11  }
0x30: {  	v9 =	vadd.s32 $0x1, v8;
	v11 =	vand.u32 $0xFFFFFFF8, v8;
	v12 =	vadd.s32 s17, v5;
	[tilespmem:v13+s8+$0x0] =	vst.idx.msk $0xffff, v10  }
0x31: {  	v8 =	vor.u32 v1, v11;
	v10 =	vand.u32 $0xFFFFFFF8, v12;
	v13 =	vadd.s32 s18, v5;
	[tilespmem:v16+s8+$0x0] =	vst.idx.msk $0xffff, v15  }
0x32: {  	v11 =	vor.u32 v1, v10;
	v10 =	vadd.s32 $0x1, v12;
	v12 =	vand.u32 $0xFFFFFFF8, v13;
	[tilespmem:v17+s8+$0x0] =	vst.idx.msk $0xffff, v14  }
0x33: {  	_ =	sdelay $0x3  }
0x34: {  	[tilespmem:v6+s8+$0x0] =	vst.idx.msk $0xffff, v2  }
0x35: {  	v2 =	vadd.s32 $0x1, v13;
	[tilespmem:v7+s8+$0x0] =	vst.idx.msk $0xffff, v3  }
0x36: {  	v5 =	vadd.s32 s16, v5;
	v57 =	vor.u32 v1, v12;
	v3 =	vld.idx.msk [tilespmem:v9+s1+$0x0], $0xffff  }
0x37: {  	s12 =	sshll.u32 s14, $0xD;
	v56 =	vand.u32 $0xFFFFFFF8, v5;
	v5 =	vadd.s32 $0x1, v5;
	v8 =	vld.idx.msk [tilespmem:v8+s1+$0x0], $0xffff  }
0x38: {  	v4 =	vadd.s32 s12, v4;
	v6 =	vor.u32 v1, v56;
	v58 =	vld.idx.msk [tilespmem:v11+s1+$0x0], $0xffff  }
0x39: {  	v10 =	vld.idx.msk [tilespmem:v10+s1+$0x0], $0xffff;
	v59 =	vor.u32 $0x1, v4  }
0x3a: {  	v60 =	vor.u32 $0x2, v4;
	v2 =	vld.idx.msk [tilespmem:v2+s1+$0x0], $0xffff  }
0x3b: {  	v61 =	vor.u32 $0x3, v4;
	v7 =	vld.idx.msk [tilespmem:v57+s1+$0x0], $0xffff  }
0x3c: {  	v14 =	vor.u32 $0x4, v4;
	v5 =	vld.idx.msk [tilespmem:v5+s1+$0x0], $0xffff  }
0x3d: {  	v62 =	vor.u32 $0x5, v4;
	v6 =	vld.idx.msk [tilespmem:v6+s1+$0x0], $0xffff;
	[tilespmem:v4+s8+$0x0] =	vst.idx.msk $0xffff, v8  }
0x3e: {  	v63 =	vor.u32 $0x6, v4;
	[tilespmem:v59+s8+$0x0] =	vst.idx.msk $0xffff, v58  }
0x3f: {  	[tilespmem:v60+s8+$0x0] =	vst.idx.msk $0xffff, v3;
	v3 =	vor.u32 $0x7, v4  }
0x40: {  	[tilespmem:v61+s8+$0x0] =	vst.idx.msk $0xffff, v10  }
0x41: {  	[tilespmem:v14+s8+$0x0] =	vst.idx.msk $0xffff, v7  }
0x42: {  	s10 =	sadd.s32 $0x1, s10;
	[tilespmem:v62+s8+$0x0] =	vst.idx.msk $0xffff, v6  }
0x43: {  	s11 =	sshll.u32 s11, $0xA;
	p0 =	sne.s32 s10, $0x4;
	[tilespmem:v63+s8+$0x0] =	vst.idx.msk $0xffff, v2  }
.Ltmp1:
0x44: {  	s11 =	sadd.s32 s4, s11;
	[tilespmem:v3+s8+$0x0] =	vst.idx.msk $0xffff, v5;
	(pc) =	sbr.rel @p0 .LBB2_2-.Ltmp1, $4  }
0x45: {  	[hbm4b:s11+s1] =	stream.linear.scatter [tilespmem:s8], [sflag:$0x1], $0x10000, $0x38;
	[tilespmem:$0x15040] =	vst v63  }
0x46: {  	_ =	swait.ge [sflag:s7], $0x10000  }
0x47: {  	[sflag:s7] =	ssyncset.done $0x0  }
0x48: {  	[sflag:s7] =	ssyncadd.s32 $0xFFFF0000  }
0x49: {  	s9 =	sadd.s32 $0x1, s9  }
0x4a: {  	p0 =	sne.s32 s9, s6  }
.Ltmp2:
0x4b: {  	_ = 	snop;
	(pc) =	sbr.rel @p0 .LBB2_1-.Ltmp2, $1  }
0x4c: {  	_ =	sdelay $0x3  }
0x4d: {  	_ =	sfence.sel $0x180000  }
0x4e: {  	[bflag:$0x0] =	sbarrier.arrive $0xFFFF  }
0x4f: {  	p0 =	sne.s32 s2, $0x0;
	_ =	strace $0x90000047  }
0x50: {  	s0 =	sadd.s32 @!p0 $0x100000, s0;
	[bflag:$0x2] =	sbarrier.arrive $0xFFFF  }
0x51: {  	[sflag:s0] =	ssyncadd.tile.s32 @!p0 $0x1;
	_ =	shalt  }
.Lfunc_end2:
_tile_overlayer_lowered:
.L_overlay_start_2:
0x52: {  	(tag) =	ssettag $0x2  }
0x53: {  	s0 =	rddreg [dreg:$0x0];
	s2 =	stileid.u32  }
0x54: {  	s1 =	rddreg [dreg:$0x1];
	p0 =	sne.s32 s2, $0x0  }
0x55: {  	s3 =	rddreg [dreg:$0x2];
	[bflag:$0x3] =	sbarrier.arrive $0xFFFF;
	s2 =	simm.s32 @!p0 $0x1C01  }
0x56: {  	[timem:s3], [sflag:s2] =	dma.local @!p0 [hbm:s0], s1  }
0x57: {  	s0 =	simm.s32 @!p0 $0x1  }
0x58: {  	_ =	swait.ge @!p0 [sflag:s0], s1  }
0x59: {  	s1 =	ssub.s32 @!p0 $0x0, s1;
	[sflag:s0] =	ssyncset.done @!p0 $0x0  }
0x5a: {  	[sflag:s0] =	ssyncadd.s32 @!p0 s1  }
0x5b: {  	[bflag:$0x3] =	sbarrier.arrive $0xFFFF  }
0x5c: {  	_ =	shalt  }

// kernel: kernel.7.cloned.1.call-start
scs
__scs_entry_jumppad:
0x0: {  	(pc) =	sbr.rel $0x88, $3  }
0x1: {  	(tag) =	ssettag $0x0;
	lr =	simm.s32 $0x1  }
0x2: {  	[smem:$0x3F9F] =	sst lr;
	_ =	strace $0xD0000000  }
0x3: {  	_ = 	snop  }
0x4: {  	_ = 	snop  }
0x5: {  	_ = 	snop  }
0x6: {  	_ = 	snop  }
0x7: {  	_ = 	snop  }
__scs_overlays_trampoline_lowered:
0x8: {  	[smem:$0x3FAE] =	sst s0  }
0x9: {  	[smem:$0x3FAF] =	sst s1  }
0xa: {  	[smem:$0x3FB0] =	sst s2  }
0xb: {  	[smem:$0x3FB1] =	sst s3  }
0xc: {  	[smem:$0x3FB2] =	sst s4  }
0xd: {  	[smem:$0x3FB3] =	sst s5  }
0xe: {  	[smem:$0x3FB4] =	sst s6  }
0xf: {  	[smem:$0x3FB5] =	sst s7  }
0x10: {  	[smem:$0x3FB6] =	sst s8  }
0x11: {  	[smem:$0x3FB7] =	sst s9;
	s0 =	simm.s32 @!p0 $0x0  }
0x12: {  	s1 =	sld [smem:$0x3F9D];
	s0 =	simm.s32 @p0 $0x1  }
0x13: {  	[smem:$0x3FB8] =	sst s0;
	s0 =	simm.s32 @!p1 $0x0  }
0x14: {  	s2 =	sld [smem:$0x3F9C];
	s0 =	simm.s32 @p1 $0x1  }
0x15: {  	[smem:$0x3FB9] =	sst s0;
	s0 =	simm.s32 @!p2 $0x0  }
0x16: {  	s3 =	sld [smem:$0x3FDB];
	s0 =	simm.s32 @p2 $0x1  }
0x17: {  	s4 =	simm.s32 $0x1BF5;
	[smem:$0x3FBB] =	sst s0  }
0x18: {  	s0 =	sld [smem:$0x3F9E];
	_ =	swait.ge [sflag:s4], $0x0  }
0x19: {  	s7 =	sld [smem:$0x3F9F]  }
0x1a: {  	s8 =	sadd.s32 $0xFFFFE003, lr  }
0x1b: {  	s9 =	sadd.s32 $0xFFFFFEF7, lr;
	s5 =	simm.s32 $0xFFFFFFFF;
	p2 =	slt.u32 s8, $0xFFFFF086  }
0x1c: {  	p1 =	slt.u32 s9, $0xF7A;
	s5 =	simm.s32 @!p2 $0x0  }
0x1d: {  	s5 =	simm.s32 @p1 $0x1;
	p0 =	seq.s32 s7, s2  }
0x1e: {  	s7 =	smul.u32 @!p0 $0xF7A, s2;
	p2 =	seq.s32 @!p0 s5, $0x0  }
0x1f: {  	s9 =	smul.u32 $0xF7A, s1;
	s8 =	simm.s32 @!p0 $0x1BF5;
	p2 =	por !p2, p0  }
0x20: {  	[sflag:s8] =	ssyncset.s32 @!p0 $0xFFFFF086;
	s6 =	sadd.s32 @!p0 s3, s7;
	s7 =	simm.s32 @!p0 $0x108  }
0x21: {  	s3 =	sadd.s32 s3, s9;
	s6 =	sadd.s32 @!p0 $0x88, s6;
	s7 =	simm.s32 @p2 $0x1082  }
0x22: {  	[simem:s7], [sflag:s8] =	dma.local @!p0 [hbm:s6], $0xF7A  }
0x23: {  	s9 =	sor.u32 $0xD0000000, s2;
	s6 =	simm.s32 $0x108;
	_ =	swait.ge @!p0 [sflag:s8], $0x0  }
0x24: {  	s3 =	sadd.s32 $0x88, s3;
	s6 =	simm.s32 @!p1 $0x1082;
	[sflag:s4] =	ssyncset.s32 $0xFFFFF086  }
0x25: {  	[simem:s6], [sflag:s4] =	dma.local [hbm:s3], $0xF7A  }
0x26: {  	[smem:$0x3F9F] =	sst s1;
	(tag) =	ssettag s2;
	_ =	strace s9  }
0x27: {  	s1 =	sld [smem:$0x3FAF]  }
0x28: {  	s2 =	sld [smem:$0x3FB0]  }
0x29: {  	s4 =	sld [smem:$0x3FB2]  }
0x2a: {  	p0 =	seq.s32 s5, $0x0;
	s5 =	sld [smem:$0x3FB3]  }
0x2b: {  	s6 =	sld [smem:$0x3FB4]  }
0x2c: {  	s7 =	sld [smem:$0x3FB5]  }
0x2d: {  	s3 =	simm.s32 $0x108;
	s8 =	sld [smem:$0x3FB6]  }
0x2e: {  	s3 =	simm.s32 @!p0 $0x1082;
	s9 =	sld [smem:$0x3FB7]  }
0x2f: {  	lr =	sadd.s32 s0, s3;
	s0 =	sld [smem:$0x3FAE]  }
0x30: {  	s3 =	sld [smem:$0x3FB1]  }
0x31: {  	[smem:$0x3FBA] =	sst s10  }
0x32: {  	s10 =	sld [smem:$0x3FB8];
	_ =	sdelay $0x3  }
0x33: {  	p0 =	seq.s32 s10, $0x1;
	s10 =	sld [smem:$0x3FBA];
	_ =	sdelay $0x3  }
0x34: {  	[smem:$0x3FBA] =	sst s10  }
0x35: {  	s10 =	sld [smem:$0x3FB9];
	_ =	sdelay $0x3  }
0x36: {  	p1 =	seq.s32 s10, $0x1;
	s10 =	sld [smem:$0x3FBA];
	_ =	sdelay $0x3  }
0x37: {  	[smem:$0x3FBA] =	sst s10  }
0x38: {  	s10 =	sld [smem:$0x3FBB]  }
0x39: {  	_ = 	snop;
	(pc) =	sbr.ind lr, $3  }
0x3a: {  	_ = 	snop  }
0x3b: {  	_ = 	snop  }
0x3c: {  	p2 =	seq.s32 s10, $0x1;
	s10 =	sld [smem:$0x3FBA]  }
0x3d: {  	_ =	shalt  }
0x3e: {  	_ =	shalt  }
0x3f: {  	_ =	shalt  }
0x40: {  	_ =	shalt  }
0x41: {  	_ =	shalt  }
0x42: {  	_ =	shalt  }
0x43: {  	_ =	shalt  }
0x44: {  	_ =	shalt  }
0x45: {  	_ =	shalt  }
0x46: {  	_ =	shalt  }
0x47: {  	_ =	shalt  }
0x48: {  	_ =	shalt  }
0x49: {  	_ =	shalt  }
0x4a: {  	_ =	shalt  }
0x4b: {  	_ =	shalt  }
0x4c: {  	_ =	shalt  }
0x4d: {  	_ =	shalt  }
0x4e: {  	_ =	shalt  }
0x4f: {  	_ =	shalt  }
0x50: {  	_ =	shalt  }
0x51: {  	_ =	shalt  }
0x52: {  	_ =	shalt  }
0x53: {  	_ =	shalt  }
0x54: {  	_ =	shalt  }
0x55: {  	_ =	shalt  }
0x56: {  	_ =	shalt  }
0x57: {  	_ =	shalt  }
0x58: {  	_ =	shalt  }
0x59: {  	_ =	shalt  }
0x5a: {  	_ =	shalt  }
0x5b: {  	_ =	shalt  }
0x5c: {  	_ =	shalt  }
0x5d: {  	_ =	shalt  }
0x5e: {  	_ =	shalt  }
0x5f: {  	_ =	shalt  }
0x60: {  	_ =	shalt  }
0x61: {  	_ =	shalt  }
0x62: {  	_ =	shalt  }
0x63: {  	_ =	shalt  }
0x64: {  	_ =	shalt  }
0x65: {  	_ =	shalt  }
0x66: {  	_ =	shalt  }
0x67: {  	_ =	shalt  }
0x68: {  	_ =	shalt  }
0x69: {  	_ =	shalt  }
0x6a: {  	_ =	shalt  }
0x6b: {  	_ =	shalt  }
0x6c: {  	_ =	shalt  }
0x6d: {  	_ =	shalt  }
0x6e: {  	_ =	shalt  }
0x6f: {  	_ =	shalt  }
0x70: {  	_ =	shalt  }
0x71: {  	_ =	shalt  }
0x72: {  	_ =	shalt  }
0x73: {  	_ =	shalt  }
0x74: {  	_ =	shalt  }
0x75: {  	_ =	shalt  }
0x76: {  	_ =	shalt  }
0x77: {  	_ =	shalt  }
0x78: {  	_ =	shalt  }
0x79: {  	_ =	shalt  }
0x7a: {  	_ =	shalt  }
0x7b: {  	_ =	shalt  }
0x7c: {  	_ =	shalt  }
0x7d: {  	_ =	shalt  }
0x7e: {  	_ =	shalt  }
0x7f: {  	_ =	shalt  }
0x80: {  	_ =	shalt  }
0x81: {  	_ =	shalt  }
0x82: {  	_ =	shalt  }
0x83: {  	_ =	shalt  }
0x84: {  	_ =	shalt  }
0x85: {  	_ =	shalt  }
0x86: {  	_ =	shalt  }
0x87: {  	_ =	shalt  }
.Lfunc_end0:
.L_simem_size_0:
called_computation.1_lowered:
.L_overlay_start_0:
0x88: {  	s2 =	sld [smem:$0x3FD9]  }
0x89: {  	s3 =	sld [smem:$0x3FFE];
	_ =	sdelay $0x1  }
0x8a: {  	s1 =	srdreg.scid  }
0x8b: {  	s0 =	sand.u32 $0x1, s1  }
0x8c: {  	s17 =	sshll.u32 s0, $0xA;
	s2 =	sadd.s32 s3, s2  }
0x8d: {  	s2 =	sadd.s32 s2, s17  }
0x8e: {  	[smem:$0x3FC6] =	sst s2  }
0x8f: {  	_ = 	snop  }
0x90: {  	s2 =	sld [smem:$0x3FD0];
	(tm) =	ssettm $0x1  }
0x91: {  	s18 =	sld [smem:$0x3FFB];
	_ =	sdelay $0x3  }
0x92: {  	_ =	strace s18  }
0x93: {  	s3 =	sld [smem:$0x3FFC];
	_ =	sdelay $0x3  }
0x94: {  	_ =	strace s3  }
0x95: {  	s3 =	sld [smem:$0x3FFD];
	_ =	sdelay $0x3  }
0x96: {  	_ =	strace s3  }
0x97: {  	_ =	strace $0x8FFFFFFF  }
0x98: {  	s19 =	sld [smem:$0x3FDB];
	_ =	sdelay $0x1  }
0x99: {  	s4 =	simm.s32 $_scs_section_size  }
0x9a: {  	s5 =	simm.s32 $_size__tile_overlayer_lowered;
	s6 =	simm.s32 $_tile_overlayer_lowered  }
0x9b: {  	s22 =	simm.s32 $0x1BFF;
	s21 =	sshll.u32 s6, $0x1;
	s3 =	sadd.s32 s4, s19  }
0x9c: {  	s7 =	simm.s32 $0x0;
	s20 =	sshll.u32 s5, $0x1;
	s5 =	sadd.s32 s21, s3  }
0x9d: {  	[timem:s7], [sflag:s22] =	dma.local [hbm:s5], s20  }
0x9e: {  	_ =	swait.ge [sflag:s22], s20  }
0x9f: {  	s4 =	ssub.s32 $0x0, s20;
	[sflag:s22] =	ssyncset.done $0x0  }
0xa0: {  	[sflag:s22] =	ssyncadd.s32 s4;
	_ =	sdelay $0x1  }
0xa1: {  	s23 =	simm.s32 $0x1B8B  }
0xa2: {  	_ =	swait.ge [sflag:s23], $0x1  }
0xa3: {  	[sflag:s23] =	ssyncset.done $0x0  }
0xa4: {  	s25 =	simm.s32 $0x1B8E;
	s24 =	sld [smem:$0x3FFE];
	[sflag:s23] =	ssyncadd.s32 $0xFFFFFFFF  }
0xa5: {  	s26 =	simm.s32 $execute0_lowered;
	[smem:$0x3FD2] =	sst s25  }
0xa6: {  	s5 =	sshll.u32 s26, $0x1;
	_ =	strace $0x80000049;
	[dreg:$0x1] =	wrdreg $0xFFFFFFFF  }
0xa7: {  	s28 =	simm.s32 $_size_execute0_lowered;
	s3 =	sadd.s32 s3, s5;
	[dreg:$0x0] =	wrdreg $0x0  }
0xa8: {  	s5 =	sshll.u32 s28, $0x1;
	[dreg:$0x2] =	wrdreg s3  }
0xa9: {  	[dreg:$0x3] =	wrdreg s5  }
0xaa: {  	[dreg:$0x4] =	wrdreg $0xC0  }
0xab: {  	_ =	task [dreg:s7], $0x5FFFF  }
0xac: {  	[dreg:$0x1] =	wrdreg $0xFFFFFFFF  }
0xad: {  	[dreg:$0x0] =	wrdreg $0x60  }
0xae: {  	[dreg:$0x2] =	wrdreg s2  }
0xaf: {  	[dreg:$0x3] =	wrdreg s24  }
0xb0: {  	[dreg:$0x4] =	wrdreg $0x9  }
0xb1: {  	_ =	task.clear_ibuf [dreg:s7], $0x5FFFF;
	_ =	strace $0x90000049  }
0xb2: {  	s29 =	simm.s32 $0x9;
	_ =	strace $0x8000004B  }
0xb3: {  	_ =	swait.ge [sflag:s29], $0x1  }
0xb4: {  	[sflag:s29] =	ssyncadd.s32 $0xFFFFFFFF  }
0xb5: {  	_ =	strace $0x9000004B  }
0xb6: {  	_ =	sfence  }
0xb7: {  	s30 =	sld [smem:$0x0];
	_ =	sdelay $0x2  }
0xb8: {  	s31 =	sshll.u32 s1, $0xD;
	s1 =	sshrl.u32 s1, $0x2  }
0xb9: {  	s3 =	sand.u32 $0x4000, s31;
	s1 =	sadd.s32 s1, s30  }
0xba: {  	s0 =	sor.u32 s3, s0;
	s1 =	sshll.u32 s1, $0x11  }
0xbb: {  	s0 =	sor.u32 s1, s0  }
0xbc: {  	s0 =	sadd.s32 $0x8F2B, s0  }
0xbd: {  	[sflag:s0] =	ssyncadd.remote.s32 $0x1  }
0xbe: {  	_ =	sfence.sel $0xFFFF  }
0xbf: {  	[dreg:$0x0] =	wrdreg $0xFFFFFFFF;
	(pc) =	sbr.abs _section_cstart, $3  }
0xc0: {  	[dreg:$0x1] =	wrdreg $0xFFFFFFFF  }
0xc1: {  	_ =	task.clear_ibuf [dreg:s7], $0x2FFFF;
	_ =	strace $0x9FFFFFFF  }
0xc2: {  	(tm) =	ssettm $0x7FFFFFFF  }
0xc3: {  	_ =	shalt  }
tec
execute0_lowered:
.L_overlay_start_1:
0x0: {  	(tag) =	ssettag $0x1  }
0x1: {  	s2 =	rddreg [dreg:$0x0]  }
0x2: {  	s0 =	rddreg [dreg:$0x1];
	s1 =	srdreg.scid  }
0x3: {  	s4 =	stileid.u32;
	s3 =	simm.s32 $0x0;
	s13 =	simm.s32 $0x800  }
0x4: {  	s14 =	simm.s32 $0x1800;
	s15 =	simm.s32 $0x1;
	s16 =	simm.s32 $0x2000  }
0x5: {  	s17 =	simm.s32 $0x5000;
	s18 =	simm.s32 $0x2;
	s19 =	simm.s32 $0x2800  }
0x6: {  	s20 =	simm.s32 $0x9000;
	s1 =	sand.u32 $0x1, s1;
	s4 =	sshll.u32 s4, $0x1  }
0x7: {  	[smem:$0x7FF] =	sst s3;
	s7 =	ssub.s32 $0x2, s1;
	s1 =	sor.u32 s1, s4  }
0x8: {  	s5 =	sadd.s32 $0x42400, s0;
	s6 =	sadd.s32 $0x142400, s0;
	s4 =	smul.u32 $0x32, s1  }
0x9: {  	_ =	strace $0x8000004A;
	s8 =	sshrl.u32 s7, $0x1;
	s1 =	smul.u32 $0x19000, s1  }
0xa: {  	s21 =	ssub.s32 s7, s8;
	s22 =	sshrl.u32 s4, $0x3;
	s23 =	sadd.s32 $0x31, s4  }
0xb: {  	s11 =	smax.u32 s21, $0x1;
	s21 =	simm.s32 $0xD000;
	s9 =	sshll.u32 s22, $0xF  }
0xc: {  	s7 =	sshll.u32 s22, $0xE;
	s10 =	sshrl.u32 s23, $0x3;
	s24 =	sshll.u32 s23, $0xB  }
0xd: {  	s22 =	simm.s32 $0xE000;
	s23 =	simm.s32 $0xD800;
	s1 =	ssub.s32 s1, s7  }
0xe: {  	s25 =	sshll.u32 s10, $0xE;
	s26 =	sshll.u32 s10, $0xF;
	s1 =	sadd.s32 s9, s1  }
0xf: {  	s7 =	ssub.s32 s24, s25;
	s24 =	simm.s32 $0xE800;
	s25 =	simm.s32 $0x3  }
0x10: {  	s28 =	sshrl.u32 s1, $0x3;
	s1 =	sadd.s32 $0x4000, s1;
	s7 =	sadd.s32 s26, s7  }
0x11: {  	s8 =	sadd.s32 s2, s28;
	s1 =	sshrl.u32 s1, $0x3;
	s29 =	sadd.s32 $0x4000, s7  }
0x12: {  	s30 =	sshrl.u32 s7, $0x3;
	[dreg:$0x3] =	wrdreg s8;
	s1 =	sadd.s32 s2, s1  }
0x13: {  	v0 =	vlaneseq.u32;
	s31 =	sshrl.u32 s29, $0x3;
	[dreg:$0x4] =	wrdreg s1;
	s1 =	sadd.s32 s6, s30  }
0x14: {  	v0 =	vmul.u32 $0x8, v0;
	s26 =	simm.s32 $0x0;
	s10 =	sadd.s32 s6, s31;
	[dreg:$0x5] =	wrdreg s1  }
.LBB2_1:
0x15: {  	s0 =	rddreg [dreg:$0x3]  }
0x16: {  	[tilespmem:s3], [sflag:$0x1] =	stream.linear.gather [hbm4b:s0+s3], $0x800, $0x38;
	[tilespmem:$0xF000] =	vst v63  }
0x17: {  	s31 =	rddreg [dreg:$0x4];
	s1 =	simm.s32 $0x1000;
	s28 =	simm.s32 $0x0  }
0x18: {  	[tilespmem:s1], [sflag:$0x1] =	stream.linear.gather [hbm4b:s31+s3], $0x800, $0x38;
	[tilespmem:$0xF000] =	vst v63  }
.LBB2_2:
0x19: {  	s29 =	sshll.u32 s28, $0x1  }
0x1a: {  	s30 =	sadd.s32 s4, s29  }
0x1b: {  	s0 =	sshrl.u32 s30, $0x3;
	s1 =	sshll.u32 s30, $0xB  }
0x1c: {  	s1 =	sor.u32 $0x800, s1;
	s7 =	sshll.u32 s0, $0xE  }
0x1d: {  	s0 =	sshll.u32 s0, $0xF;
	s1 =	ssub.s32 s1, s7  }
0x1e: {  	s0 =	sadd.s32 s0, s1  }
0x1f: {  	s1 =	sshrl.u32 s0, $0x3;
	s0 =	sadd.s32 $0x4000, s0  }
0x20: {  	s1 =	sadd.s32 s2, s1;
	s0 =	sshrl.u32 s0, $0x3  }
0x21: {  	[tilespmem:s13], [sflag:$0x1] =	stream.linear.gather [hbm4b:s1+s3], $0x800, $0x38;
	[tilespmem:$0xF000] =	vst v63  }
0x22: {  	s0 =	sadd.s32 s2, s0  }
0x23: {  	[tilespmem:s14], [sflag:$0x1] =	stream.linear.gather [hbm4b:s0+s3], $0x800, $0x38;
	[tilespmem:$0xF000] =	vst v63  }
0x24: {  	_ =	swait.ge [sflag:s15], $0x800  }
0x25: {  	[sflag:s15] =	ssyncset.done $0x0  }
0x26: {  	[sflag:s15] =	ssyncadd.s32 $0xFFFFF800  }
0x27: {  	_ =	swait.ge [sflag:s15], $0x800  }
0x28: {  	[sflag:s15] =	ssyncset.done $0x0  }
0x29: {  	s31 =	simm.s32 $0x20;
	[sflag:s15] =	ssyncadd.s32 $0xFFFFF800  }
0x2a: {  	s0 =	simm.s32 $0x1020;
	v1 =	vld [tilespmem:s31+$0xFFFFFFE0]  }
0x2b: {  	v2 =	vld [tilespmem:s0+$0xFFFFFFE0];
	_ =	sdelay $0x3  }
0x2c: {  	v1 =	vmul.f32 $1.023000000e+03, v1  }
0x2d: {  	v2 =	vmul.f32 $1.023000000e+03, v2  }
0x2e: {  	v3 =	vtrunc.f32 v1  }
0x2f: {  	v4 =	vtrunc.f32 v2;
	v3 =	vcvt.f32.s32 v3  }
0x30: {  	v4 =	vcvt.f32.s32 v4  }
0x31: {  	v5 =	vcvt.s32.f32 v3  }
0x32: {  	v6 =	vshll.u32 v4, $0xA;
	v4 =	vcvt.s32.f32 v4  }
0x33: {  	s8 =	simm.s32 $0x2020;
	v3 =	vadd.s32 v3, v6;
	v1 =	vsub.f32 v1, v5  }
0x34: {  	s9 =	simm.s32 $0x3020;
	[tilespmem:s8+$0xFFFFFFE0] =	vst v3;
	v2 =	vsub.f32 v2, v4  }
0x35: {  	s1 =	simm.s32 $0x4020;
	[tilespmem:s9+$0xFFFFFFE0] =	vst v1  }
0x36: {  	[tilespmem:s1+$0xFFFFFFE0] =	vst v2  }
0x37: {  	v1 =	vld [tilespmem:s31+$0xFFFFFFF0]  }
0x38: {  	v2 =	vld [tilespmem:s0+$0xFFFFFFF0];
	_ =	sdelay $0x3  }
0x39: {  	v1 =	vmul.f32 $1.023000000e+03, v1  }
0x3a: {  	v2 =	vmul.f32 $1.023000000e+03, v2  }
0x3b: {  	v3 =	vtrunc.f32 v1  }
0x3c: {  	v55 =	vtrunc.f32 v2;
	v3 =	vcvt.f32.s32 v3  }
0x3d: {  	v4 =	vcvt.f32.s32 v55  }
0x3e: {  	v56 =	vcvt.s32.f32 v3  }
0x3f: {  	v57 =	vshll.u32 v4, $0xA;
	v4 =	vcvt.s32.f32 v4  }
0x40: {  	v3 =	vadd.s32 v3, v57;
	v1 =	vsub.f32 v1, v56  }
0x41: {  	[tilespmem:s8+$0xFFFFFFF0] =	vst v3;
	v2 =	vsub.f32 v2, v4  }
0x42: {  	[tilespmem:s9+$0xFFFFFFF0] =	vst v1  }
0x43: {  	[tilespmem:s1+$0xFFFFFFF0] =	vst v2  }
0x44: {  	v1 =	vld [tilespmem:s31+$0x0]  }
0x45: {  	v2 =	vld [tilespmem:s0+$0x0];
	_ =	sdelay $0x3  }
0x46: {  	v1 =	vmul.f32 $1.023000000e+03, v1  }
0x47: {  	v2 =	vmul.f32 $1.023000000e+03, v2  }
0x48: {  	v3 =	vtrunc.f32 v1  }
0x49: {  	v58 =	vtrunc.f32 v2;
	v3 =	vcvt.f32.s32 v3  }
0x4a: {  	v4 =	vcvt.f32.s32 v58  }
0x4b: {  	v59 =	vcvt.s32.f32 v3  }
0x4c: {  	v60 =	vshll.u32 v4, $0xA;
	v4 =	vcvt.s32.f32 v4  }
0x4d: {  	v3 =	vadd.s32 v3, v60;
	v1 =	vsub.f32 v1, v59  }
0x4e: {  	[tilespmem:s8+$0x0] =	vst v3;
	v2 =	vsub.f32 v2, v4  }
0x4f: {  	[tilespmem:s9+$0x0] =	vst v1  }
0x50: {  	[tilespmem:s1+$0x0] =	vst v2  }
0x51: {  	v1 =	vld [tilespmem:s31+$0x10]  }
0x52: {  	v2 =	vld [tilespmem:s0+$0x10];
	_ =	sdelay $0x3  }
0x53: {  	v1 =	vmul.f32 $1.023000000e+03, v1  }
0x54: {  	v2 =	vmul.f32 $1.023000000e+03, v2  }
0x55: {  	v3 =	vtrunc.f32 v1  }
0x56: {  	v61 =	vtrunc.f32 v2;
	v3 =	vcvt.f32.s32 v3  }
0x57: {  	v4 =	vcvt.f32.s32 v61  }
0x58: {  	v62 =	vcvt.s32.f32 v3  }
0x59: {  	v63 =	vshll.u32 v4, $0xA;
	v4 =	vcvt.s32.f32 v4  }
0x5a: {  	v3 =	vadd.s32 v3, v63;
	v5 =	vsub.f32 v1, v62  }
0x5b: {  	s12 =	simm.s32 $0x3060;
	[tilespmem:s8+$0x10] =	vst v3;
	v1 =	vsub.f32 v2, v4  }
0x5c: {  	s7 =	simm.s32 $0x0;
	s8 =	simm.s32 $0x2060;
	[tilespmem:s9+$0x10] =	vst v5;
	s9 =	simm.s32 $0x4060  }
.LBB2_3:
0x5d: {  	s7 =	sadd.s32 $0x4, s7;
	[tilespmem:s1+$0x10] =	vst v1;
	s31 =	sadd.s32 $0x40, s31;
	s0 =	sadd.s32 $0x40, s0  }
0x5e: {  	s1 =	smov.u32 s9;
	v1 =	vld [tilespmem:s31+$0xFFFFFFE0];
	p0 =	slt.u32 s7, $0x7C  }
0x5f: {  	v2 =	vld [tilespmem:s0+$0xFFFFFFE0];
	_ =	sdelay $0x3  }
0x60: {  	v1 =	vmul.f32 $1.023000000e+03, v1  }
0x61: {  	v2 =	vmul.f32 $1.023000000e+03, v2  }
0x62: {  	v3 =	vtrunc.f32 v1  }
0x63: {  	v3 =	vcvt.f32.s32 v3;
	v4 =	vtrunc.f32 v2  }
0x64: {  	v4 =	vcvt.f32.s32 v4  }
0x65: {  	v5 =	vcvt.s32.f32 v3  }
0x66: {  	v6 =	vshll.u32 v4, $0xA;
	v4 =	vcvt.s32.f32 v4  }
0x67: {  	v3 =	vadd.s32 v3, v6;
	v1 =	vsub.f32 v1, v5  }
0x68: {  	[tilespmem:s8+$0xFFFFFFE0] =	vst v3;
	v2 =	vsub.f32 v2, v4  }
0x69: {  	[tilespmem:s12+$0xFFFFFFE0] =	vst v1  }
0x6a: {  	[tilespmem:s9+$0xFFFFFFE0] =	vst v2  }
0x6b: {  	v1 =	vld [tilespmem:s31+$0xFFFFFFF0]  }
0x6c: {  	v2 =	vld [tilespmem:s0+$0xFFFFFFF0];
	_ =	sdelay $0x3  }
0x6d: {  	v1 =	vmul.f32 $1.023000000e+03, v1  }
0x6e: {  	v2 =	vmul.f32 $1.023000000e+03, v2  }
0x6f: {  	v3 =	vtrunc.f32 v1  }
0x70: {  	v3 =	vcvt.f32.s32 v3;
	v4 =	vtrunc.f32 v2  }
0x71: {  	v4 =	vcvt.f32.s32 v4  }
0x72: {  	v5 =	vcvt.s32.f32 v3  }
0x73: {  	v6 =	vshll.u32 v4, $0xA;
	v4 =	vcvt.s32.f32 v4  }
0x74: {  	v3 =	vadd.s32 v3, v6;
	v1 =	vsub.f32 v1, v5  }
0x75: {  	[tilespmem:s8+$0xFFFFFFF0] =	vst v3;
	v2 =	vsub.f32 v2, v4  }
0x76: {  	[tilespmem:s12+$0xFFFFFFF0] =	vst v1  }
0x77: {  	[tilespmem:s9+$0xFFFFFFF0] =	vst v2  }
0x78: {  	v1 =	vld [tilespmem:s31+$0x0]  }
0x79: {  	v2 =	vld [tilespmem:s0+$0x0];
	_ =	sdelay $0x3  }
0x7a: {  	v1 =	vmul.f32 $1.023000000e+03, v1  }
0x7b: {  	v2 =	vmul.f32 $1.023000000e+03, v2  }
0x7c: {  	v3 =	vtrunc.f32 v1  }
0x7d: {  	v3 =	vcvt.f32.s32 v3;
	v4 =	vtrunc.f32 v2  }
0x7e: {  	v4 =	vcvt.f32.s32 v4  }
0x7f: {  	v5 =	vcvt.s32.f32 v3  }
0x80: {  	v6 =	vshll.u32 v4, $0xA;
	v4 =	vcvt.s32.f32 v4  }
0x81: {  	v3 =	vadd.s32 v3, v6;
	v1 =	vsub.f32 v1, v5  }
0x82: {  	[tilespmem:s8+$0x0] =	vst v3;
	v2 =	vsub.f32 v2, v4  }
0x83: {  	[tilespmem:s12+$0x0] =	vst v1  }
0x84: {  	[tilespmem:s9+$0x0] =	vst v2  }
0x85: {  	v1 =	vld [tilespmem:s31+$0x10]  }
0x86: {  	v2 =	vld [tilespmem:s0+$0x10];
	_ =	sdelay $0x3  }
0x87: {  	v1 =	vmul.f32 $1.023000000e+03, v1  }
0x88: {  	v2 =	vmul.f32 $1.023000000e+03, v2  }
0x89: {  	v3 =	vtrunc.f32 v1  }
0x8a: {  	v3 =	vcvt.f32.s32 v3;
	v4 =	vtrunc.f32 v2  }
0x8b: {  	v4 =	vcvt.f32.s32 v4  }
.Ltmp0:
0x8c: {  	v5 =	vcvt.s32.f32 v3;
	(pc) =	sbr.rel @p0 .LBB2_3-.Ltmp0, $4  }
0x8d: {  	v6 =	vshll.u32 v4, $0xA;
	v4 =	vcvt.s32.f32 v4  }
0x8e: {  	v3 =	vadd.s32 v3, v6;
	v5 =	vsub.f32 v1, v5  }
0x8f: {  	[tilespmem:s8+$0x10] =	vst v3;
	v1 =	vsub.f32 v2, v4  }
0x90: {  	s9 =	sadd.s32 $0x40, s9;
	s8 =	sadd.s32 $0x40, s8;
	[tilespmem:s12+$0x10] =	vst v5;
	s12 =	sadd.s32 $0x40, s12  }
0x91: {  	p0 =	seq.s32 s28, $0x0  }
.Ltmp1:
0x92: {  	_ = 	snop;
	(pc) =	sbr.rel @p0 .LBB2_8-.Ltmp1, $3  }
0x93: {  	_ =	sdelay $0x1  }
0x94: {  	[tilespmem:s1+$0x10] =	vst v1  }
0x95: {  	[tilespmem:s17], [sflag:$0x2] =	stream.indirect.gather [hbm4b:s5+s13], $0x8, s16, s13, $0xb8;
	[tilespmem:$0xF000] =	vst v63  }
0x96: {  	_ =	swait.ge [sflag:s25], $0x800  }
0x97: {  	[sflag:s25] =	ssyncset.done $0x0  }
0x98: {  	[sflag:s25] =	ssyncadd.s32 $0xFFFFF800  }
0x99: {  	s0 =	simm.s32 $0xFFFFFFFC;
	s1 =	simm.s32 $0x0;
	_ =	swait.ge [sflag:s25], $0x800  }
0x9a: {  	s31 =	simm.s32 $0xE820;
	s12 =	simm.s32 $0x3820;
	[sflag:s25] =	ssyncset.done $0x0  }
0x9b: {  	s7 =	simm.s32 $0x4820;
	s8 =	simm.s32 $0xD820;
	[sflag:s25] =	ssyncadd.s32 $0xFFFFF800  }
.LBB2_6:
0x9c: {  	v1 =	vmov s1  }
0x9d: {  	v1 =	vshll.u32 v1, $0x3  }
0x9e: {  	v1 =	vor.u32 v0, v1  }
0x9f: {  	v2 =	vor.u32 $0x1, v1  }
0xa0: {  	v3 =	vor.u32 $0x2, v1  }
0xa1: {  	v4 =	vor.u32 $0x3, v1  }
0xa2: {  	v9 =	vld [tilespmem:s12+$0xFFFFFFE0];
	v5 =	vor.u32 $0x4, v1  }
0xa3: {  	v8 =	vor.u32 $0x6, v1;
	v6 =	vld.idx.msk [tilespmem:v1+s20+$0x0], $0xffff  }
0xa4: {  	v7 =	vor.u32 $0x5, v1;
	v2 =	vld.idx.msk [tilespmem:v2+s20+$0x0], $0xffff  }
0xa5: {  	v1 =	vor.u32 $0x7, v1;
	v3 =	vld.idx.msk [tilespmem:v3+s20+$0x0], $0xffff  }
0xa6: {  	v4 =	vld.idx.msk [tilespmem:v4+s20+$0x0], $0xffff  }
0xa7: {  	v5 =	vld.idx.msk [tilespmem:v5+s20+$0x0], $0xffff  }
0xa8: {  	v8 =	vld.idx.msk [tilespmem:v8+s20+$0x0], $0xffff  }
0xa9: {  	v7 =	vld.idx.msk [tilespmem:v7+s20+$0x0], $0xffff  }
0xaa: {  	v1 =	vld.idx.msk [tilespmem:v1+s20+$0x0], $0xffff;
	_ =	sdelay $0x2  }
0xab: {  	v3 =	vsub.f32 v3, v6;
	v8 =	vsub.f32 v8, v5  }
0xac: {  	v4 =	vsub.f32 v4, v2  }
0xad: {  	v3 =	vmul.f32 v9, v3;
	v8 =	vmul.f32 v9, v8;
	v1 =	vsub.f32 v1, v7  }
0xae: {  	v10 =	vld [tilespmem:s7+$0xFFFFFFE0];
	v4 =	vmul.f32 v9, v4  }
0xaf: {  	v3 =	vadd.f32 v3, v6;
	v5 =	vadd.f32 v8, v5;
	v1 =	vmul.f32 v1, v9  }
0xb0: {  	v2 =	vadd.f32 v4, v2  }
0xb1: {  	v40 =	vsub.f32 v5, v3;
	v1 =	vadd.f32 v1, v7  }
0xb2: {  	s9 =	sadd.s32 $0x10, s1  }
0xb3: {  	v41 =	vmov s9;
	v4 =	vmul.f32 v40, v10;
	v1 =	vsub.f32 v1, v2  }
0xb4: {  	v5 =	vshll.u32 v41, $0x3  }
0xb5: {  	v5 =	vor.u32 v0, v5;
	v3 =	vadd.f32 v4, v3;
	v1 =	vmul.f32 v1, v10  }
0xb6: {  	v42 =	vor.u32 $0x1, v5  }
0xb7: {  	[tilespmem:s8+$0xFFFFFFE0] =	vst v3;
	v3 =	vor.u32 $0x3, v5;
	v1 =	vadd.f32 v1, v2  }
0xb8: {  	v44 =	vor.u32 $0x5, v5  }
0xb9: {  	v45 =	vor.u32 $0x6, v5;
	[tilespmem:s31+$0xFFFFFFE0] =	vst v1  }
0xba: {  	v2 =	vor.u32 $0x2, v5;
	v43 =	vld.idx.msk [tilespmem:v5+s20+$0x0], $0xffff  }
0xbb: {  	v1 =	vor.u32 $0x4, v5;
	v4 =	vld.idx.msk [tilespmem:v42+s20+$0x0], $0xffff  }
0xbc: {  	v5 =	vor.u32 $0x7, v5;
	v3 =	vld.idx.msk [tilespmem:v3+s20+$0x0], $0xffff  }
0xbd: {  	v7 =	vld.idx.msk [tilespmem:v44+s20+$0x0], $0xffff  }
0xbe: {  	v8 =	vld.idx.msk [tilespmem:v45+s20+$0x0], $0xffff  }
0xbf: {  	v2 =	vld.idx.msk [tilespmem:v2+s20+$0x0], $0xffff  }
0xc0: {  	v1 =	vld.idx.msk [tilespmem:v1+s20+$0x0], $0xffff  }
0xc1: {  	v5 =	vld.idx.msk [tilespmem:v5+s20+$0x0], $0xffff  }
0xc2: {  	v46 =	vld [tilespmem:s12+$0xFFFFFFF0];
	_ =	sdelay $0x2  }
0xc3: {  	v2 =	vsub.f32 v2, v43;
	v8 =	vsub.f32 v8, v1  }
0xc4: {  	v3 =	vsub.f32 v3, v4;
	v5 =	vsub.f32 v5, v7  }
0xc5: {  	v2 =	vmul.f32 v46, v2;
	v8 =	vmul.f32 v46, v8  }
0xc6: {  	v47 =	vld [tilespmem:s7+$0xFFFFFFF0];
	v3 =	vmul.f32 v46, v3;
	v5 =	vmul.f32 v5, v46  }
0xc7: {  	v2 =	vadd.f32 v2, v43;
	v1 =	vadd.f32 v8, v1  }
0xc8: {  	v3 =	vadd.f32 v3, v4;
	v48 =	vadd.f32 v5, v7  }
0xc9: {  	s9 =	sadd.s32 $0x20, s1;
	v1 =	vsub.f32 v1, v2  }
0xca: {  	v49 =	vmov s9;
	v4 =	vsub.f32 v48, v3  }
0xcb: {  	v5 =	vshll.u32 v49, $0x3;
	v1 =	vmul.f32 v1, v47  }
0xcc: {  	v5 =	vor.u32 v0, v5;
	v4 =	vmul.f32 v4, v47  }
0xcd: {  	v50 =	vor.u32 $0x2, v5;
	v1 =	vadd.f32 v1, v2  }
0xce: {  	v52 =	vor.u32 $0x5, v5;
	v3 =	vadd.f32 v4, v3  }
0xcf: {  	v53 =	vor.u32 $0x6, v5;
	[tilespmem:s8+$0xFFFFFFF0] =	vst v1  }
0xd0: {  	v2 =	vor.u32 $0x1, v5;
	[tilespmem:s31+$0xFFFFFFF0] =	vst v3  }
0xd1: {  	v1 =	vor.u32 $0x3, v5;
	v51 =	vld.idx.msk [tilespmem:v5+s20+$0x0], $0xffff  }
0xd2: {  	v3 =	vor.u32 $0x4, v5;
	v4 =	vld.idx.msk [tilespmem:v50+s20+$0x0], $0xffff  }
0xd3: {  	v5 =	vor.u32 $0x7, v5;
	v7 =	vld.idx.msk [tilespmem:v52+s20+$0x0], $0xffff  }
0xd4: {  	v8 =	vld.idx.msk [tilespmem:v53+s20+$0x0], $0xffff  }
0xd5: {  	v2 =	vld.idx.msk [tilespmem:v2+s20+$0x0], $0xffff  }
0xd6: {  	v1 =	vld.idx.msk [tilespmem:v1+s20+$0x0], $0xffff  }
0xd7: {  	v3 =	vld.idx.msk [tilespmem:v3+s20+$0x0], $0xffff  }
0xd8: {  	v5 =	vld.idx.msk [tilespmem:v5+s20+$0x0], $0xffff  }
0xd9: {  	v54 =	vld [tilespmem:s12+$0x0];
	_ =	sdelay $0x2  }
0xda: {  	v4 =	vsub.f32 v4, v51;
	v8 =	vsub.f32 v8, v3  }
0xdb: {  	v1 =	vsub.f32 v1, v2;
	v5 =	vsub.f32 v5, v7  }
0xdc: {  	v4 =	vmul.f32 v54, v4;
	v8 =	vmul.f32 v54, v8  }
0xdd: {  	v55 =	vld [tilespmem:s7+$0x0];
	v1 =	vmul.f32 v54, v1;
	v5 =	vmul.f32 v5, v54  }
0xde: {  	v4 =	vadd.f32 v4, v51;
	v3 =	vadd.f32 v8, v3  }
0xdf: {  	v1 =	vadd.f32 v1, v2;
	v2 =	vadd.f32 v5, v7  }
0xe0: {  	s9 =	sadd.s32 $0x30, s1;
	v3 =	vsub.f32 v3, v4  }
0xe1: {  	v56 =	vmov s9;
	v2 =	vsub.f32 v2, v1  }
0xe2: {  	v5 =	vshll.u32 v56, $0x3;
	v3 =	vmul.f32 v3, v55  }
0xe3: {  	v5 =	vor.u32 v0, v5;
	v2 =	vmul.f32 v2, v55  }
0xe4: {  	v57 =	vor.u32 $0x1, v5;
	v3 =	vadd.f32 v3, v4  }
0xe5: {  	v59 =	vor.u32 $0x5, v5;
	v1 =	vadd.f32 v2, v1  }
0xe6: {  	v60 =	vor.u32 $0x6, v5;
	[tilespmem:s8+$0x0] =	vst v3  }
0xe7: {  	v2 =	vor.u32 $0x2, v5;
	[tilespmem:s31+$0x0] =	vst v1  }
0xe8: {  	v3 =	vor.u32 $0x3, v5;
	v58 =	vld.idx.msk [tilespmem:v5+s20+$0x0], $0xffff  }
0xe9: {  	v1 =	vor.u32 $0x4, v5;
	v4 =	vld.idx.msk [tilespmem:v57+s20+$0x0], $0xffff  }
0xea: {  	v5 =	vor.u32 $0x7, v5;
	v7 =	vld.idx.msk [tilespmem:v59+s20+$0x0], $0xffff  }
0xeb: {  	v8 =	vld.idx.msk [tilespmem:v60+s20+$0x0], $0xffff  }
0xec: {  	v2 =	vld.idx.msk [tilespmem:v2+s20+$0x0], $0xffff  }
0xed: {  	v3 =	vld.idx.msk [tilespmem:v3+s20+$0x0], $0xffff  }
0xee: {  	v1 =	vld.idx.msk [tilespmem:v1+s20+$0x0], $0xffff  }
0xef: {  	v5 =	vld.idx.msk [tilespmem:v5+s20+$0x0], $0xffff  }
0xf0: {  	v61 =	vld [tilespmem:s12+$0x10];
	_ =	sdelay $0x2  }
0xf1: {  	v2 =	vsub.f32 v2, v58;
	v8 =	vsub.f32 v8, v1  }
0xf2: {  	v3 =	vsub.f32 v3, v4;
	v5 =	vsub.f32 v5, v7  }
0xf3: {  	v2 =	vmul.f32 v61, v2;
	v8 =	vmul.f32 v61, v8  }
0xf4: {  	v62 =	vld [tilespmem:s7+$0x10];
	v3 =	vmul.f32 v61, v3;
	v5 =	vmul.f32 v5, v61  }
0xf5: {  	v2 =	vadd.f32 v2, v58;
	v1 =	vadd.f32 v8, v1  }
0xf6: {  	v3 =	vadd.f32 v3, v4;
	v63 =	vadd.f32 v5, v7  }
0xf7: {  	v1 =	vsub.f32 v1, v2  }
0xf8: {  	s0 =	sadd.s32 $0x4, s0;
	v4 =	vsub.f32 v63, v3  }
0xf9: {  	p1 =	slt.u32 s0, $0x7C;
	v1 =	vmul.f32 v1, v62  }
.Ltmp2:
0xfa: {  	v4 =	vmul.f32 v4, v62;
	(pc) =	sbr.rel @p1 .LBB2_6-.Ltmp2, $4  }
0xfb: {  	v1 =	vadd.f32 v1, v2  }
0xfc: {  	v2 =	vadd.f32 v4, v3  }
0xfd: {  	s1 =	sadd.s32 $0x40, s1;
	s12 =	sadd.s32 $0x40, s12;
	[tilespmem:s8+$0x10] =	vst v1  }
0xfe: {  	s7 =	sadd.s32 $0x40, s7;
	s8 =	sadd.s32 $0x40, s8;
	[tilespmem:s31+$0x10] =	vst v2;
	s31 =	sadd.s32 $0x40, s31  }
0xff: {  	s0 =	sadd.s32 $0xFFFFFFFF, s30  }
0x100: {  	s1 =	sshra.s32 s0, $0x1F  }
0x101: {  	s7 =	sshrl.u32 s1, $0x1D  }
0x102: {  	s7 =	sadd.s32 s7, s0  }
0x103: {  	s7 =	sshra.s32 s7, $0x3  }
0x104: {  	s1 =	sadd.s32 s1, s7  }
0x105: {  	s0 =	sshll.u32 s0, $0xB;
	s7 =	sshll.u32 s1, $0xE  }
0x106: {  	s1 =	sshll.u32 s1, $0xF;
	s0 =	ssub.s32 s0, s7  }
0x107: {  	s0 =	sadd.s32 s1, s0  }
0x108: {  	s1 =	sshrl.u32 s0, $0x3;
	s0 =	sadd.s32 $0x4000, s0  }
0x109: {  	s1 =	sadd.s32 s6, s1;
	s0 =	sshrl.u32 s0, $0x3  }
0x10a: {  	[hbm4b:s1+s3] =	stream.linear.scatter [tilespmem:s23], [sflag:$0x3], $0x800, $0x38;
	[tilespmem:$0xF000] =	vst v63  }
0x10b: {  	s0 =	sadd.s32 s6, s0  }
0x10c: {  	[hbm4b:s0+s3] =	stream.linear.scatter [tilespmem:s24], [sflag:$0x3], $0x800, $0x38;
	[tilespmem:$0xF000] =	vst v63  }
.LBB2_8:
0x10d: {  	s0 =	sor.u32 $0x1, s29  }
0x10e: {  	p1 =	seq.s32 s28, $0x18;
	s29 =	sadd.s32 s4, s0  }
0x10f: {  	s0 =	sadd.s32 @!p1 $0x1, s29  }
0x110: {  	s1 =	sshrl.u32 @!p1 s0, $0x3  }
0x111: {  	s0 =	sshll.u32 @!p1 s0, $0xB;
	s7 =	sshll.u32 @!p1 s1, $0xE  }
0x112: {  	_ =	swait.ge [sflag:s18], $0x4000;
	s1 =	sshll.u32 @!p1 s1, $0xF;
	s0 =	ssub.s32 @!p1 s0, s7  }
0x113: {  	[sflag:s18] =	ssyncset.done $0x0;
	s0 =	sadd.s32 @!p1 s1, s0  }
0x114: {  	[sflag:s18] =	ssyncadd.s32 $0xFFFFC000;
	s1 =	sshrl.u32 @!p1 s0, $0x3;
	s0 =	sadd.s32 @!p1 $0x4000, s0  }
0x115: {  	s7 =	simm.s32 @!p1 $0x0;
	s1 =	sadd.s32 @!p1 s2, s1;
	s0 =	sshrl.u32 @!p1 s0, $0x3  }
0x116: {  	[tilespmem:s7], [sflag:$0x1] =	stream.linear.gather @!p1 [hbm4b:s1+s7], $0x800, $0x38;
	[tilespmem:$0xF000] =	vst v63  }
0x117: {  	s0 =	sadd.s32 @!p1 s2, s0;
	s1 =	simm.s32 @!p1 $0x1000  }
0x118: {  	[tilespmem:s1], [sflag:$0x1] =	stream.linear.gather @!p1 [hbm4b:s0+s7], $0x800, $0x38;
	[tilespmem:$0xF000] =	vst v63  }
0x119: {  	_ =	swait.ge [sflag:s15], $0x800  }
0x11a: {  	[sflag:s15] =	ssyncset.done $0x0  }
0x11b: {  	[sflag:s15] =	ssyncadd.s32 $0xFFFFF800  }
0x11c: {  	_ =	swait.ge [sflag:s15], $0x800  }
0x11d: {  	[sflag:s15] =	ssyncset.done $0x0  }
0x11e: {  	s30 =	simm.s32 $0x820;
	[sflag:s15] =	ssyncadd.s32 $0xFFFFF800  }
0x11f: {  	s0 =	simm.s32 $0x1820;
	v1 =	vld [tilespmem:s30+$0xFFFFFFE0]  }
0x120: {  	v2 =	vld [tilespmem:s0+$0xFFFFFFE0];
	_ =	sdelay $0x3  }
0x121: {  	v1 =	vmul.f32 $1.023000000e+03, v1  }
0x122: {  	v2 =	vmul.f32 $1.023000000e+03, v2  }
0x123: {  	v3 =	vtrunc.f32 v1  }
0x124: {  	v4 =	vtrunc.f32 v2;
	v3 =	vcvt.f32.s32 v3  }
0x125: {  	v4 =	vcvt.f32.s32 v4  }
0x126: {  	v5 =	vcvt.s32.f32 v3  }
0x127: {  	v6 =	vshll.u32 v4, $0xA;
	v4 =	vcvt.s32.f32 v4  }
0x128: {  	s8 =	simm.s32 $0x2820;
	v3 =	vadd.s32 v3, v6;
	v1 =	vsub.f32 v1, v5  }
0x129: {  	s9 =	simm.s32 $0x3820;
	[tilespmem:s8+$0xFFFFFFE0] =	vst v3;
	v2 =	vsub.f32 v2, v4  }
0x12a: {  	s1 =	simm.s32 $0x4820;
	[tilespmem:s9+$0xFFFFFFE0] =	vst v1  }
0x12b: {  	[tilespmem:s1+$0xFFFFFFE0] =	vst v2  }
0x12c: {  	v1 =	vld [tilespmem:s30+$0xFFFFFFF0]  }
0x12d: {  	v2 =	vld [tilespmem:s0+$0xFFFFFFF0];
	_ =	sdelay $0x3  }
0x12e: {  	v1 =	vmul.f32 $1.023000000e+03, v1  }
0x12f: {  	v2 =	vmul.f32 $1.023000000e+03, v2  }
0x130: {  	v3 =	vtrunc.f32 v1  }
0x131: {  	v55 =	vtrunc.f32 v2;
	v3 =	vcvt.f32.s32 v3  }
0x132: {  	v4 =	vcvt.f32.s32 v55  }
0x133: {  	v56 =	vcvt.s32.f32 v3  }
0x134: {  	v57 =	vshll.u32 v4, $0xA;
	v4 =	vcvt.s32.f32 v4  }
0x135: {  	v3 =	vadd.s32 v3, v57;
	v1 =	vsub.f32 v1, v56  }
0x136: {  	[tilespmem:s8+$0xFFFFFFF0] =	vst v3;
	v2 =	vsub.f32 v2, v4  }
0x137: {  	[tilespmem:s9+$0xFFFFFFF0] =	vst v1  }
0x138: {  	[tilespmem:s1+$0xFFFFFFF0] =	vst v2  }
0x139: {  	v1 =	vld [tilespmem:s30+$0x0]  }
0x13a: {  	v2 =	vld [tilespmem:s0+$0x0];
	_ =	sdelay $0x3  }
0x13b: {  	v1 =	vmul.f32 $1.023000000e+03, v1  }
0x13c: {  	v2 =	vmul.f32 $1.023000000e+03, v2  }
0x13d: {  	v3 =	vtrunc.f32 v1  }
0x13e: {  	v58 =	vtrunc.f32 v2;
	v3 =	vcvt.f32.s32 v3  }
0x13f: {  	v4 =	vcvt.f32.s32 v58  }
0x140: {  	v59 =	vcvt.s32.f32 v3  }
0x141: {  	v60 =	vshll.u32 v4, $0xA;
	v4 =	vcvt.s32.f32 v4  }
0x142: {  	v3 =	vadd.s32 v3, v60;
	v1 =	vsub.f32 v1, v59  }
0x143: {  	[tilespmem:s8+$0x0] =	vst v3;
	v2 =	vsub.f32 v2, v4  }
0x144: {  	[tilespmem:s9+$0x0] =	vst v1  }
0x145: {  	[tilespmem:s1+$0x0] =	vst v2  }
0x146: {  	v1 =	vld [tilespmem:s30+$0x10]  }
0x147: {  	v2 =	vld [tilespmem:s0+$0x10];
	_ =	sdelay $0x3  }
0x148: {  	v1 =	vmul.f32 $1.023000000e+03, v1  }
0x149: {  	v2 =	vmul.f32 $1.023000000e+03, v2  }
0x14a: {  	v3 =	vtrunc.f32 v1  }
0x14b: {  	v61 =	vtrunc.f32 v2;
	v3 =	vcvt.f32.s32 v3  }
0x14c: {  	v4 =	vcvt.f32.s32 v61  }
0x14d: {  	v62 =	vcvt.s32.f32 v3  }
0x14e: {  	v63 =	vshll.u32 v4, $0xA;
	v4 =	vcvt.s32.f32 v4  }
0x14f: {  	v3 =	vadd.s32 v3, v63;
	v5 =	vsub.f32 v1, v62  }
0x150: {  	s12 =	simm.s32 $0x3860;
	[tilespmem:s8+$0x10] =	vst v3;
	v1 =	vsub.f32 v2, v4  }
0x151: {  	s7 =	simm.s32 $0x0;
	s8 =	simm.s32 $0x2860;
	[tilespmem:s9+$0x10] =	vst v5;
	s9 =	simm.s32 $0x4860  }
.LBB2_9:
0x152: {  	s7 =	sadd.s32 $0x4, s7;
	[tilespmem:s1+$0x10] =	vst v1;
	s30 =	sadd.s32 $0x40, s30;
	s0 =	sadd.s32 $0x40, s0  }
0x153: {  	s1 =	smov.u32 s9;
	v1 =	vld [tilespmem:s30+$0xFFFFFFE0];
	p1 =	slt.u32 s7, $0x7C  }
0x154: {  	v2 =	vld [tilespmem:s0+$0xFFFFFFE0];
	_ =	sdelay $0x3  }
0x155: {  	v1 =	vmul.f32 $1.023000000e+03, v1  }
0x156: {  	v2 =	vmul.f32 $1.023000000e+03, v2  }
0x157: {  	v3 =	vtrunc.f32 v1  }
0x158: {  	v3 =	vcvt.f32.s32 v3;
	v4 =	vtrunc.f32 v2  }
0x159: {  	v4 =	vcvt.f32.s32 v4  }
0x15a: {  	v5 =	vcvt.s32.f32 v3  }
0x15b: {  	v6 =	vshll.u32 v4, $0xA;
	v4 =	vcvt.s32.f32 v4  }
0x15c: {  	v3 =	vadd.s32 v3, v6;
	v1 =	vsub.f32 v1, v5  }
0x15d: {  	[tilespmem:s8+$0xFFFFFFE0] =	vst v3;
	v2 =	vsub.f32 v2, v4  }
0x15e: {  	[tilespmem:s12+$0xFFFFFFE0] =	vst v1  }
0x15f: {  	[tilespmem:s9+$0xFFFFFFE0] =	vst v2  }
0x160: {  	v1 =	vld [tilespmem:s30+$0xFFFFFFF0]  }
0x161: {  	v2 =	vld [tilespmem:s0+$0xFFFFFFF0];
	_ =	sdelay $0x3  }
0x162: {  	v1 =	vmul.f32 $1.023000000e+03, v1  }
0x163: {  	v2 =	vmul.f32 $1.023000000e+03, v2  }
0x164: {  	v3 =	vtrunc.f32 v1  }
0x165: {  	v3 =	vcvt.f32.s32 v3;
	v4 =	vtrunc.f32 v2  }
0x166: {  	v4 =	vcvt.f32.s32 v4  }
0x167: {  	v5 =	vcvt.s32.f32 v3  }
0x168: {  	v6 =	vshll.u32 v4, $0xA;
	v4 =	vcvt.s32.f32 v4  }
0x169: {  	v3 =	vadd.s32 v3, v6;
	v1 =	vsub.f32 v1, v5  }
0x16a: {  	[tilespmem:s8+$0xFFFFFFF0] =	vst v3;
	v2 =	vsub.f32 v2, v4  }
0x16b: {  	[tilespmem:s12+$0xFFFFFFF0] =	vst v1  }
0x16c: {  	[tilespmem:s9+$0xFFFFFFF0] =	vst v2  }
0x16d: {  	v1 =	vld [tilespmem:s30+$0x0]  }
0x16e: {  	v2 =	vld [tilespmem:s0+$0x0];
	_ =	sdelay $0x3  }
0x16f: {  	v1 =	vmul.f32 $1.023000000e+03, v1  }
0x170: {  	v2 =	vmul.f32 $1.023000000e+03, v2  }
0x171: {  	v3 =	vtrunc.f32 v1  }
0x172: {  	v3 =	vcvt.f32.s32 v3;
	v4 =	vtrunc.f32 v2  }
0x173: {  	v4 =	vcvt.f32.s32 v4  }
0x174: {  	v5 =	vcvt.s32.f32 v3  }
0x175: {  	v6 =	vshll.u32 v4, $0xA;
	v4 =	vcvt.s32.f32 v4  }
0x176: {  	v3 =	vadd.s32 v3, v6;
	v1 =	vsub.f32 v1, v5  }
0x177: {  	[tilespmem:s8+$0x0] =	vst v3;
	v2 =	vsub.f32 v2, v4  }
0x178: {  	[tilespmem:s12+$0x0] =	vst v1  }
0x179: {  	[tilespmem:s9+$0x0] =	vst v2  }
0x17a: {  	v1 =	vld [tilespmem:s30+$0x10]  }
0x17b: {  	v2 =	vld [tilespmem:s0+$0x10];
	_ =	sdelay $0x3  }
0x17c: {  	v1 =	vmul.f32 $1.023000000e+03, v1  }
0x17d: {  	v2 =	vmul.f32 $1.023000000e+03, v2  }
0x17e: {  	v3 =	vtrunc.f32 v1  }
0x17f: {  	v3 =	vcvt.f32.s32 v3;
	v4 =	vtrunc.f32 v2  }
0x180: {  	v4 =	vcvt.f32.s32 v4  }
.Ltmp3:
0x181: {  	v5 =	vcvt.s32.f32 v3;
	(pc) =	sbr.rel @p1 .LBB2_9-.Ltmp3, $4  }
0x182: {  	v6 =	vshll.u32 v4, $0xA;
	v4 =	vcvt.s32.f32 v4  }
0x183: {  	v3 =	vadd.s32 v3, v6;
	v5 =	vsub.f32 v1, v5  }
0x184: {  	[tilespmem:s8+$0x10] =	vst v3;
	v1 =	vsub.f32 v2, v4  }
0x185: {  	s9 =	sadd.s32 $0x40, s9;
	s8 =	sadd.s32 $0x40, s8;
	[tilespmem:s12+$0x10] =	vst v5;
	s12 =	sadd.s32 $0x40, s12  }
0x186: {  	[tilespmem:s1+$0x10] =	vst v1;
	s0 =	simm.s32 @!p0 $0x3  }
0x187: {  	[tilespmem:s20], [sflag:$0x2] =	stream.indirect.gather [hbm4b:s5+s13], $0x8, s19, s13, $0xb8;
	[tilespmem:$0xF000] =	vst v63  }
0x188: {  	_ =	swait.ge @!p0 [sflag:s0], $0x800  }
0x189: {  	[sflag:s0] =	ssyncset.done @!p0 $0x0  }
0x18a: {  	[sflag:s0] =	ssyncadd.s32 @!p0 $0xFFFFF800  }
0x18b: {  	s1 =	simm.s32 $0x0;
	s30 =	simm.s32 $0xE020;
	_ =	swait.ge @!p0 [sflag:s0], $0x800  }
0x18c: {  	s12 =	simm.s32 $0x3020;
	s7 =	simm.s32 $0x4020;
	[sflag:s0] =	ssyncset.done @!p0 $0x0  }
0x18d: {  	s8 =	simm.s32 $0xD020;
	[sflag:s0] =	ssyncadd.s32 @!p0 $0xFFFFF800;
	s0 =	simm.s32 $0xFFFFFFFC  }
.LBB2_11:
0x18e: {  	v1 =	vmov s1  }
0x18f: {  	v1 =	vshll.u32 v1, $0x3  }
0x190: {  	v1 =	vor.u32 v0, v1  }
0x191: {  	v2 =	vor.u32 $0x1, v1  }
0x192: {  	v3 =	vor.u32 $0x2, v1  }
0x193: {  	v4 =	vor.u32 $0x3, v1  }
0x194: {  	v9 =	vld [tilespmem:s12+$0xFFFFFFE0];
	v5 =	vor.u32 $0x4, v1  }
0x195: {  	v8 =	vor.u32 $0x6, v1;
	v6 =	vld.idx.msk [tilespmem:v1+s17+$0x0], $0xffff  }
0x196: {  	v7 =	vor.u32 $0x5, v1;
	v2 =	vld.idx.msk [tilespmem:v2+s17+$0x0], $0xffff  }
0x197: {  	v1 =	vor.u32 $0x7, v1;
	v3 =	vld.idx.msk [tilespmem:v3+s17+$0x0], $0xffff  }
0x198: {  	v4 =	vld.idx.msk [tilespmem:v4+s17+$0x0], $0xffff  }
0x199: {  	v5 =	vld.idx.msk [tilespmem:v5+s17+$0x0], $0xffff  }
0x19a: {  	v8 =	vld.idx.msk [tilespmem:v8+s17+$0x0], $0xffff  }
0x19b: {  	v7 =	vld.idx.msk [tilespmem:v7+s17+$0x0], $0xffff  }
0x19c: {  	v1 =	vld.idx.msk [tilespmem:v1+s17+$0x0], $0xffff;
	_ =	sdelay $0x2  }
0x19d: {  	v3 =	vsub.f32 v3, v6;
	v8 =	vsub.f32 v8, v5  }
0x19e: {  	v4 =	vsub.f32 v4, v2  }
0x19f: {  	v3 =	vmul.f32 v9, v3;
	v8 =	vmul.f32 v9, v8;
	v1 =	vsub.f32 v1, v7  }
0x1a0: {  	v10 =	vld [tilespmem:s7+$0xFFFFFFE0];
	v4 =	vmul.f32 v9, v4  }
0x1a1: {  	v3 =	vadd.f32 v3, v6;
	v5 =	vadd.f32 v8, v5;
	v1 =	vmul.f32 v1, v9  }
0x1a2: {  	v2 =	vadd.f32 v4, v2  }
0x1a3: {  	v40 =	vsub.f32 v5, v3;
	v1 =	vadd.f32 v1, v7  }
0x1a4: {  	s9 =	sadd.s32 $0x10, s1  }
0x1a5: {  	v41 =	vmov s9;
	v4 =	vmul.f32 v40, v10;
	v1 =	vsub.f32 v1, v2  }
0x1a6: {  	v5 =	vshll.u32 v41, $0x3  }
0x1a7: {  	v5 =	vor.u32 v0, v5;
	v3 =	vadd.f32 v4, v3;
	v1 =	vmul.f32 v1, v10  }
0x1a8: {  	v42 =	vor.u32 $0x1, v5  }
0x1a9: {  	[tilespmem:s8+$0xFFFFFFE0] =	vst v3;
	v3 =	vor.u32 $0x3, v5;
	v1 =	vadd.f32 v1, v2  }
0x1aa: {  	v44 =	vor.u32 $0x5, v5  }
0x1ab: {  	v45 =	vor.u32 $0x6, v5;
	[tilespmem:s30+$0xFFFFFFE0] =	vst v1  }
0x1ac: {  	v2 =	vor.u32 $0x2, v5;
	v43 =	vld.idx.msk [tilespmem:v5+s17+$0x0], $0xffff  }
0x1ad: {  	v1 =	vor.u32 $0x4, v5;
	v4 =	vld.idx.msk [tilespmem:v42+s17+$0x0], $0xffff  }
0x1ae: {  	v5 =	vor.u32 $0x7, v5;
	v3 =	vld.idx.msk [tilespmem:v3+s17+$0x0], $0xffff  }
0x1af: {  	v7 =	vld.idx.msk [tilespmem:v44+s17+$0x0], $0xffff  }
0x1b0: {  	v8 =	vld.idx.msk [tilespmem:v45+s17+$0x0], $0xffff  }
0x1b1: {  	v2 =	vld.idx.msk [tilespmem:v2+s17+$0x0], $0xffff  }
0x1b2: {  	v1 =	vld.idx.msk [tilespmem:v1+s17+$0x0], $0xffff  }
0x1b3: {  	v5 =	vld.idx.msk [tilespmem:v5+s17+$0x0], $0xffff  }
0x1b4: {  	v46 =	vld [tilespmem:s12+$0xFFFFFFF0];
	_ =	sdelay $0x2  }
0x1b5: {  	v2 =	vsub.f32 v2, v43;
	v8 =	vsub.f32 v8, v1  }
0x1b6: {  	v3 =	vsub.f32 v3, v4;
	v5 =	vsub.f32 v5, v7  }
0x1b7: {  	v2 =	vmul.f32 v46, v2;
	v8 =	vmul.f32 v46, v8  }
0x1b8: {  	v47 =	vld [tilespmem:s7+$0xFFFFFFF0];
	v3 =	vmul.f32 v46, v3;
	v5 =	vmul.f32 v5, v46  }
0x1b9: {  	v2 =	vadd.f32 v2, v43;
	v1 =	vadd.f32 v8, v1  }
0x1ba: {  	v3 =	vadd.f32 v3, v4;
	v48 =	vadd.f32 v5, v7  }
0x1bb: {  	s31 =	sadd.s32 $0x20, s1;
	v1 =	vsub.f32 v1, v2  }
0x1bc: {  	v49 =	vmov s31;
	v4 =	vsub.f32 v48, v3  }
0x1bd: {  	v5 =	vshll.u32 v49, $0x3;
	v1 =	vmul.f32 v1, v47  }
0x1be: {  	v5 =	vor.u32 v0, v5;
	v4 =	vmul.f32 v4, v47  }
0x1bf: {  	v50 =	vor.u32 $0x2, v5;
	v1 =	vadd.f32 v1, v2  }
0x1c0: {  	v52 =	vor.u32 $0x5, v5;
	v3 =	vadd.f32 v4, v3  }
0x1c1: {  	v53 =	vor.u32 $0x6, v5;
	[tilespmem:s8+$0xFFFFFFF0] =	vst v1  }
0x1c2: {  	v2 =	vor.u32 $0x1, v5;
	[tilespmem:s30+$0xFFFFFFF0] =	vst v3  }
0x1c3: {  	v1 =	vor.u32 $0x3, v5;
	v51 =	vld.idx.msk [tilespmem:v5+s17+$0x0], $0xffff  }
0x1c4: {  	v3 =	vor.u32 $0x4, v5;
	v4 =	vld.idx.msk [tilespmem:v50+s17+$0x0], $0xffff  }
0x1c5: {  	v5 =	vor.u32 $0x7, v5;
	v7 =	vld.idx.msk [tilespmem:v52+s17+$0x0], $0xffff  }
0x1c6: {  	v8 =	vld.idx.msk [tilespmem:v53+s17+$0x0], $0xffff  }
0x1c7: {  	v2 =	vld.idx.msk [tilespmem:v2+s17+$0x0], $0xffff  }
0x1c8: {  	v1 =	vld.idx.msk [tilespmem:v1+s17+$0x0], $0xffff  }
0x1c9: {  	v3 =	vld.idx.msk [tilespmem:v3+s17+$0x0], $0xffff  }
0x1ca: {  	v5 =	vld.idx.msk [tilespmem:v5+s17+$0x0], $0xffff  }
0x1cb: {  	v54 =	vld [tilespmem:s12+$0x0];
	_ =	sdelay $0x2  }
0x1cc: {  	v4 =	vsub.f32 v4, v51;
	v8 =	vsub.f32 v8, v3  }
0x1cd: {  	v1 =	vsub.f32 v1, v2;
	v5 =	vsub.f32 v5, v7  }
0x1ce: {  	v4 =	vmul.f32 v54, v4;
	v8 =	vmul.f32 v54, v8  }
0x1cf: {  	v55 =	vld [tilespmem:s7+$0x0];
	v1 =	vmul.f32 v54, v1;
	v5 =	vmul.f32 v5, v54  }
0x1d0: {  	v4 =	vadd.f32 v4, v51;
	v3 =	vadd.f32 v8, v3  }
0x1d1: {  	v1 =	vadd.f32 v1, v2;
	v2 =	vadd.f32 v5, v7  }
0x1d2: {  	s31 =	sadd.s32 $0x30, s1;
	v3 =	vsub.f32 v3, v4  }
0x1d3: {  	v56 =	vmov s31;
	v2 =	vsub.f32 v2, v1  }
0x1d4: {  	v5 =	vshll.u32 v56, $0x3;
	v3 =	vmul.f32 v3, v55  }
0x1d5: {  	v5 =	vor.u32 v0, v5;
	v2 =	vmul.f32 v2, v55  }
0x1d6: {  	v57 =	vor.u32 $0x1, v5;
	v3 =	vadd.f32 v3, v4  }
0x1d7: {  	v59 =	vor.u32 $0x5, v5;
	v1 =	vadd.f32 v2, v1  }
0x1d8: {  	v60 =	vor.u32 $0x6, v5;
	[tilespmem:s8+$0x0] =	vst v3  }
0x1d9: {  	v2 =	vor.u32 $0x2, v5;
	[tilespmem:s30+$0x0] =	vst v1  }
0x1da: {  	v3 =	vor.u32 $0x3, v5;
	v58 =	vld.idx.msk [tilespmem:v5+s17+$0x0], $0xffff  }
0x1db: {  	v1 =	vor.u32 $0x4, v5;
	v4 =	vld.idx.msk [tilespmem:v57+s17+$0x0], $0xffff  }
0x1dc: {  	v5 =	vor.u32 $0x7, v5;
	v7 =	vld.idx.msk [tilespmem:v59+s17+$0x0], $0xffff  }
0x1dd: {  	v8 =	vld.idx.msk [tilespmem:v60+s17+$0x0], $0xffff  }
0x1de: {  	v2 =	vld.idx.msk [tilespmem:v2+s17+$0x0], $0xffff  }
0x1df: {  	v3 =	vld.idx.msk [tilespmem:v3+s17+$0x0], $0xffff  }
0x1e0: {  	v1 =	vld.idx.msk [tilespmem:v1+s17+$0x0], $0xffff  }
0x1e1: {  	v5 =	vld.idx.msk [tilespmem:v5+s17+$0x0], $0xffff  }
0x1e2: {  	v61 =	vld [tilespmem:s12+$0x10];
	_ =	sdelay $0x2  }
0x1e3: {  	v2 =	vsub.f32 v2, v58;
	v8 =	vsub.f32 v8, v1  }
0x1e4: {  	v3 =	vsub.f32 v3, v4;
	v5 =	vsub.f32 v5, v7  }
0x1e5: {  	v2 =	vmul.f32 v61, v2;
	v8 =	vmul.f32 v61, v8  }
0x1e6: {  	v62 =	vld [tilespmem:s7+$0x10];
	v3 =	vmul.f32 v61, v3;
	v5 =	vmul.f32 v5, v61  }
0x1e7: {  	v2 =	vadd.f32 v2, v58;
	v1 =	vadd.f32 v8, v1  }
0x1e8: {  	v3 =	vadd.f32 v3, v4;
	v63 =	vadd.f32 v5, v7  }
0x1e9: {  	v1 =	vsub.f32 v1, v2  }
0x1ea: {  	s0 =	sadd.s32 $0x4, s0;
	v4 =	vsub.f32 v63, v3  }
0x1eb: {  	p0 =	slt.u32 s0, $0x7C;
	v1 =	vmul.f32 v1, v62  }
.Ltmp4:
0x1ec: {  	v4 =	vmul.f32 v4, v62;
	(pc) =	sbr.rel @p0 .LBB2_11-.Ltmp4, $4  }
0x1ed: {  	v1 =	vadd.f32 v1, v2  }
0x1ee: {  	v2 =	vadd.f32 v4, v3  }
0x1ef: {  	s1 =	sadd.s32 $0x40, s1;
	s12 =	sadd.s32 $0x40, s12;
	[tilespmem:s8+$0x10] =	vst v1  }
0x1f0: {  	s7 =	sadd.s32 $0x40, s7;
	s8 =	sadd.s32 $0x40, s8;
	[tilespmem:s30+$0x10] =	vst v2;
	s30 =	sadd.s32 $0x40, s30  }
0x1f1: {  	s0 =	sadd.s32 $0xFFFFFFFF, s29  }
0x1f2: {  	s1 =	sshrl.u32 s0, $0x3  }
0x1f3: {  	s0 =	sshll.u32 s0, $0xB;
	s7 =	sshll.u32 s1, $0xE  }
0x1f4: {  	s1 =	sshll.u32 s1, $0xF;
	s0 =	ssub.s32 s0, s7  }
0x1f5: {  	s28 =	sadd.s32 $0x1, s28;
	s1 =	sadd.s32 s1, s0  }
0x1f6: {  	p0 =	sne.s32 s28, $0x19;
	s0 =	sshrl.u32 s1, $0x3;
	s1 =	sadd.s32 $0x4000, s1  }
0x1f7: {  	s31 =	sadd.s32 s6, s0;
	s0 =	simm.s32 $0x0;
	s1 =	sshrl.u32 s1, $0x3  }
0x1f8: {  	[hbm4b:s31+s0] =	stream.linear.scatter [tilespmem:s21], [sflag:$0x3], $0x800, $0x38;
	[tilespmem:$0xF000] =	vst v63  }
.Ltmp5:
0x1f9: {  	s1 =	sadd.s32 s6, s1;
	(pc) =	sbr.rel @p0 .LBB2_2-.Ltmp5, $4  }
0x1fa: {  	[hbm4b:s1+s0] =	stream.linear.scatter [tilespmem:s22], [sflag:$0x3], $0x800, $0x38;
	[tilespmem:$0xF000] =	vst v63  }
0x1fb: {  	_ =	swait.ge [sflag:s18], $0x4000  }
0x1fc: {  	[sflag:s18] =	ssyncset.done $0x0  }
0x1fd: {  	[sflag:s18] =	ssyncadd.s32 $0xFFFFC000  }
0x1fe: {  	s1 =	simm.s32 $0xFFFFFFFC;
	s28 =	simm.s32 $0xE820  }
0x1ff: {  	s12 =	simm.s32 $0x3820;
	s7 =	simm.s32 $0x4820;
	s8 =	simm.s32 $0xD820  }
.LBB2_14:
0x200: {  	v1 =	vmov s0  }
0x201: {  	v1 =	vshll.u32 v1, $0x3  }
0x202: {  	v1 =	vor.u32 v0, v1  }
0x203: {  	v2 =	vor.u32 $0x1, v1  }
0x204: {  	v3 =	vor.u32 $0x2, v1  }
0x205: {  	v4 =	vor.u32 $0x3, v1  }
0x206: {  	v9 =	vld [tilespmem:s12+$0xFFFFFFE0];
	v5 =	vor.u32 $0x4, v1  }
0x207: {  	v8 =	vor.u32 $0x6, v1;
	v6 =	vld.idx.msk [tilespmem:v1+s20+$0x0], $0xffff  }
0x208: {  	v7 =	vor.u32 $0x5, v1;
	v2 =	vld.idx.msk [tilespmem:v2+s20+$0x0], $0xffff  }
0x209: {  	v1 =	vor.u32 $0x7, v1;
	v3 =	vld.idx.msk [tilespmem:v3+s20+$0x0], $0xffff  }
0x20a: {  	v4 =	vld.idx.msk [tilespmem:v4+s20+$0x0], $0xffff  }
0x20b: {  	v5 =	vld.idx.msk [tilespmem:v5+s20+$0x0], $0xffff  }
0x20c: {  	v8 =	vld.idx.msk [tilespmem:v8+s20+$0x0], $0xffff  }
0x20d: {  	v7 =	vld.idx.msk [tilespmem:v7+s20+$0x0], $0xffff  }
0x20e: {  	v1 =	vld.idx.msk [tilespmem:v1+s20+$0x0], $0xffff;
	_ =	sdelay $0x2  }
0x20f: {  	v3 =	vsub.f32 v3, v6;
	v8 =	vsub.f32 v8, v5  }
0x210: {  	v4 =	vsub.f32 v4, v2  }
0x211: {  	v3 =	vmul.f32 v9, v3;
	v8 =	vmul.f32 v9, v8;
	v1 =	vsub.f32 v1, v7  }
0x212: {  	v10 =	vld [tilespmem:s7+$0xFFFFFFE0];
	v4 =	vmul.f32 v9, v4  }
0x213: {  	v3 =	vadd.f32 v3, v6;
	v5 =	vadd.f32 v8, v5;
	v1 =	vmul.f32 v1, v9  }
0x214: {  	v2 =	vadd.f32 v4, v2  }
0x215: {  	v40 =	vsub.f32 v5, v3;
	v1 =	vadd.f32 v1, v7  }
0x216: {  	s9 =	sadd.s32 $0x10, s0  }
0x217: {  	v41 =	vmov s9;
	v4 =	vmul.f32 v40, v10;
	v1 =	vsub.f32 v1, v2  }
0x218: {  	v5 =	vshll.u32 v41, $0x3  }
0x219: {  	v5 =	vor.u32 v0, v5;
	v3 =	vadd.f32 v4, v3;
	v1 =	vmul.f32 v1, v10  }
0x21a: {  	v42 =	vor.u32 $0x1, v5  }
0x21b: {  	[tilespmem:s8+$0xFFFFFFE0] =	vst v3;
	v3 =	vor.u32 $0x3, v5;
	v1 =	vadd.f32 v1, v2  }
0x21c: {  	v44 =	vor.u32 $0x5, v5  }
0x21d: {  	v45 =	vor.u32 $0x6, v5;
	[tilespmem:s28+$0xFFFFFFE0] =	vst v1  }
0x21e: {  	v2 =	vor.u32 $0x2, v5;
	v43 =	vld.idx.msk [tilespmem:v5+s20+$0x0], $0xffff  }
0x21f: {  	v1 =	vor.u32 $0x4, v5;
	v4 =	vld.idx.msk [tilespmem:v42+s20+$0x0], $0xffff  }
0x220: {  	v5 =	vor.u32 $0x7, v5;
	v3 =	vld.idx.msk [tilespmem:v3+s20+$0x0], $0xffff  }
0x221: {  	v7 =	vld.idx.msk [tilespmem:v44+s20+$0x0], $0xffff  }
0x222: {  	v8 =	vld.idx.msk [tilespmem:v45+s20+$0x0], $0xffff  }
0x223: {  	v2 =	vld.idx.msk [tilespmem:v2+s20+$0x0], $0xffff  }
0x224: {  	v1 =	vld.idx.msk [tilespmem:v1+s20+$0x0], $0xffff  }
0x225: {  	v5 =	vld.idx.msk [tilespmem:v5+s20+$0x0], $0xffff  }
0x226: {  	v46 =	vld [tilespmem:s12+$0xFFFFFFF0];
	_ =	sdelay $0x2  }
0x227: {  	v2 =	vsub.f32 v2, v43;
	v8 =	vsub.f32 v8, v1  }
0x228: {  	v3 =	vsub.f32 v3, v4;
	v5 =	vsub.f32 v5, v7  }
0x229: {  	v2 =	vmul.f32 v46, v2;
	v8 =	vmul.f32 v46, v8  }
0x22a: {  	v47 =	vld [tilespmem:s7+$0xFFFFFFF0];
	v3 =	vmul.f32 v46, v3;
	v5 =	vmul.f32 v5, v46  }
0x22b: {  	v2 =	vadd.f32 v2, v43;
	v1 =	vadd.f32 v8, v1  }
0x22c: {  	v3 =	vadd.f32 v3, v4;
	v48 =	vadd.f32 v5, v7  }
0x22d: {  	s30 =	sadd.s32 $0x20, s0;
	v1 =	vsub.f32 v1, v2  }
0x22e: {  	v49 =	vmov s30;
	v4 =	vsub.f32 v48, v3  }
0x22f: {  	v5 =	vshll.u32 v49, $0x3;
	v1 =	vmul.f32 v1, v47  }
0x230: {  	v5 =	vor.u32 v0, v5;
	v4 =	vmul.f32 v4, v47  }
0x231: {  	v50 =	vor.u32 $0x2, v5;
	v1 =	vadd.f32 v1, v2  }
0x232: {  	v52 =	vor.u32 $0x5, v5;
	v3 =	vadd.f32 v4, v3  }
0x233: {  	v53 =	vor.u32 $0x6, v5;
	[tilespmem:s8+$0xFFFFFFF0] =	vst v1  }
0x234: {  	v2 =	vor.u32 $0x1, v5;
	[tilespmem:s28+$0xFFFFFFF0] =	vst v3  }
0x235: {  	v1 =	vor.u32 $0x3, v5;
	v51 =	vld.idx.msk [tilespmem:v5+s20+$0x0], $0xffff  }
0x236: {  	v3 =	vor.u32 $0x4, v5;
	v4 =	vld.idx.msk [tilespmem:v50+s20+$0x0], $0xffff  }
0x237: {  	v5 =	vor.u32 $0x7, v5;
	v7 =	vld.idx.msk [tilespmem:v52+s20+$0x0], $0xffff  }
0x238: {  	v8 =	vld.idx.msk [tilespmem:v53+s20+$0x0], $0xffff  }
0x239: {  	v2 =	vld.idx.msk [tilespmem:v2+s20+$0x0], $0xffff  }
0x23a: {  	v1 =	vld.idx.msk [tilespmem:v1+s20+$0x0], $0xffff  }
0x23b: {  	v3 =	vld.idx.msk [tilespmem:v3+s20+$0x0], $0xffff  }
0x23c: {  	v5 =	vld.idx.msk [tilespmem:v5+s20+$0x0], $0xffff  }
0x23d: {  	v54 =	vld [tilespmem:s12+$0x0];
	_ =	sdelay $0x2  }
0x23e: {  	v4 =	vsub.f32 v4, v51;
	v8 =	vsub.f32 v8, v3  }
0x23f: {  	v1 =	vsub.f32 v1, v2;
	v5 =	vsub.f32 v5, v7  }
0x240: {  	v4 =	vmul.f32 v54, v4;
	v8 =	vmul.f32 v54, v8  }
0x241: {  	v55 =	vld [tilespmem:s7+$0x0];
	v1 =	vmul.f32 v54, v1;
	v5 =	vmul.f32 v5, v54  }
0x242: {  	v4 =	vadd.f32 v4, v51;
	v3 =	vadd.f32 v8, v3  }
0x243: {  	v1 =	vadd.f32 v1, v2;
	v2 =	vadd.f32 v5, v7  }
0x244: {  	s31 =	sadd.s32 $0x30, s0;
	v3 =	vsub.f32 v3, v4  }
0x245: {  	v56 =	vmov s31;
	v2 =	vsub.f32 v2, v1  }
0x246: {  	v5 =	vshll.u32 v56, $0x3;
	v3 =	vmul.f32 v3, v55  }
0x247: {  	v5 =	vor.u32 v0, v5;
	v2 =	vmul.f32 v2, v55  }
0x248: {  	v57 =	vor.u32 $0x1, v5;
	v3 =	vadd.f32 v3, v4  }
0x249: {  	v59 =	vor.u32 $0x5, v5;
	v1 =	vadd.f32 v2, v1  }
0x24a: {  	v60 =	vor.u32 $0x6, v5;
	[tilespmem:s8+$0x0] =	vst v3  }
0x24b: {  	v2 =	vor.u32 $0x2, v5;
	[tilespmem:s28+$0x0] =	vst v1  }
0x24c: {  	v3 =	vor.u32 $0x3, v5;
	v58 =	vld.idx.msk [tilespmem:v5+s20+$0x0], $0xffff  }
0x24d: {  	v1 =	vor.u32 $0x4, v5;
	v4 =	vld.idx.msk [tilespmem:v57+s20+$0x0], $0xffff  }
0x24e: {  	v5 =	vor.u32 $0x7, v5;
	v7 =	vld.idx.msk [tilespmem:v59+s20+$0x0], $0xffff  }
0x24f: {  	v8 =	vld.idx.msk [tilespmem:v60+s20+$0x0], $0xffff  }
0x250: {  	v2 =	vld.idx.msk [tilespmem:v2+s20+$0x0], $0xffff  }
0x251: {  	v3 =	vld.idx.msk [tilespmem:v3+s20+$0x0], $0xffff  }
0x252: {  	v1 =	vld.idx.msk [tilespmem:v1+s20+$0x0], $0xffff  }
0x253: {  	v5 =	vld.idx.msk [tilespmem:v5+s20+$0x0], $0xffff  }
0x254: {  	v61 =	vld [tilespmem:s12+$0x10];
	_ =	sdelay $0x2  }
0x255: {  	v2 =	vsub.f32 v2, v58;
	v8 =	vsub.f32 v8, v1  }
0x256: {  	v3 =	vsub.f32 v3, v4;
	v5 =	vsub.f32 v5, v7  }
0x257: {  	v2 =	vmul.f32 v61, v2;
	v8 =	vmul.f32 v61, v8  }
0x258: {  	v62 =	vld [tilespmem:s7+$0x10];
	v3 =	vmul.f32 v61, v3;
	v5 =	vmul.f32 v5, v61  }
0x259: {  	v2 =	vadd.f32 v2, v58;
	v1 =	vadd.f32 v8, v1  }
0x25a: {  	v3 =	vadd.f32 v3, v4;
	v63 =	vadd.f32 v5, v7  }
0x25b: {  	v1 =	vsub.f32 v1, v2  }
0x25c: {  	s1 =	sadd.s32 $0x4, s1;
	v4 =	vsub.f32 v63, v3  }
0x25d: {  	p0 =	slt.u32 s1, $0x7C;
	v1 =	vmul.f32 v1, v62  }
.Ltmp6:
0x25e: {  	v4 =	vmul.f32 v4, v62;
	(pc) =	sbr.rel @p0 .LBB2_14-.Ltmp6, $4  }
0x25f: {  	v1 =	vadd.f32 v1, v2  }
0x260: {  	v2 =	vadd.f32 v4, v3  }
0x261: {  	s0 =	sadd.s32 $0x40, s0;
	s12 =	sadd.s32 $0x40, s12;
	[tilespmem:s8+$0x10] =	vst v1  }
0x262: {  	s7 =	sadd.s32 $0x40, s7;
	s8 =	sadd.s32 $0x40, s8;
	[tilespmem:s28+$0x10] =	vst v2;
	s28 =	sadd.s32 $0x40, s28  }
0x263: {  	s0 =	rddreg [dreg:$0x5]  }
0x264: {  	[hbm4b:s0+s3] =	stream.linear.scatter [tilespmem:s23], [sflag:$0x3], $0x800, $0x38;
	[tilespmem:$0xF000] =	vst v63  }
0x265: {  	_ = 	snop  }
0x266: {  	[hbm4b:s10+s3] =	stream.linear.scatter [tilespmem:s24], [sflag:$0x3], $0x800, $0x38;
	[tilespmem:$0xF000] =	vst v63  }
0x267: {  	_ =	swait.ge [sflag:s25], $0x800  }
0x268: {  	[sflag:s25] =	ssyncset.done $0x0  }
0x269: {  	[sflag:s25] =	ssyncadd.s32 $0xFFFFF800  }
0x26a: {  	_ =	swait.ge [sflag:s25], $0x800  }
0x26b: {  	[sflag:s25] =	ssyncset.done $0x0  }
0x26c: {  	s26 =	sadd.s32 $0x1, s26;
	[sflag:s25] =	ssyncadd.s32 $0xFFFFF800  }
0x26d: {  	p0 =	sne.s32 s26, s11;
	_ =	swait.ge [sflag:s25], $0x800  }
.Ltmp7:
0x26e: {  	[sflag:s25] =	ssyncset.done $0x0;
	(pc) =	sbr.rel @p0 .LBB2_1-.Ltmp7, $4  }
0x26f: {  	[sflag:s25] =	ssyncadd.s32 $0xFFFFF800  }
0x270: {  	_ =	swait.ge [sflag:s25], $0x800  }
0x271: {  	[sflag:s25] =	ssyncset.done $0x0  }
0x272: {  	[sflag:s25] =	ssyncadd.s32 $0xFFFFF800  }
0x273: {  	_ =	sfence.sel $0x180000  }
0x274: {  	[bflag:$0x0] =	sbarrier.arrive $0xFFFF  }
0x275: {  	_ =	strace $0x9000004A  }
0x276: {  	s0 =	stileid.u32;
	[bflag:$0x2] =	sbarrier.arrive $0xFFFF  }
0x277: {  	p0 =	sne.s32 s0, $0x0;
	s0 =	rddreg [dreg:$0x2]  }
0x278: {  	s0 =	sadd.s32 @!p0 $0x100000, s0  }
0x279: {  	[sflag:s0] =	ssyncadd.tile.s32 @!p0 $0x1;
	_ =	shalt  }
.Lfunc_end2:
_tile_overlayer_lowered:
.L_overlay_start_2:
0x27a: {  	(tag) =	ssettag $0x2  }
0x27b: {  	s0 =	rddreg [dreg:$0x0];
	s2 =	stileid.u32  }
0x27c: {  	s1 =	rddreg [dreg:$0x1];
	p0 =	sne.s32 s2, $0x0  }
0x27d: {  	s3 =	rddreg [dreg:$0x2];
	[bflag:$0x3] =	sbarrier.arrive $0xFFFF;
	s2 =	simm.s32 @!p0 $0x1C04  }
0x27e: {  	[timem:s3], [sflag:s2] =	dma.local @!p0 [hbm:s0], s1  }
0x27f: {  	s0 =	simm.s32 @!p0 $0x4  }
0x280: {  	_ =	swait.ge @!p0 [sflag:s0], s1  }
0x281: {  	s1 =	ssub.s32 @!p0 $0x0, s1;
	[sflag:s0] =	ssyncset.done @!p0 $0x0  }
0x282: {  	[sflag:s0] =	ssyncadd.s32 @!p0 s1  }
0x283: {  	[bflag:$0x3] =	sbarrier.arrive $0xFFFF  }
0x284: {  	_ =	shalt  }

</sc_bundles>
